<compile_context>
chip_gen: v7x
topology: tpu7x:2x2x1
jax: 0.10.2.dev20260603
libtpu: 0.0.44.dev20260713+nightly
codegen_flags: <defaults>
</compile_context>

<pallas_src>
import functools

import jax
import jax.numpy as jnp
from jax import lax
from jax.experimental import pallas as pl
from jax.experimental.pallas import tpu as pltpu
from jax.experimental.pallas import tpu_sc as plsc

N = 10000
D_IN = 128
D_HID = 32
D_OUT = 64
E = 320000

NC = 2
NS = 16
NW = NC * NS
CHUNK = 128
CPT = 80
EPAD = NW * CPT * CHUNK
NROW_PAD = 10112
RPT = NROW_PAD // NS
DEG_W = 16

_mesh = plsc.VectorSubcoreMesh(core_axis_name="c", subcore_axis_name="s")



def _deg_body(col_hbm, ones_hbm, zeros_hbm, out_hbm, idx_v, ones_v, acc):
    c = lax.axis_index("c")
    s = lax.axis_index("s")
    wid = c * NS + s
    pltpu.sync_copy(zeros_hbm, acc.at[pl.ds(s * RPT, RPT)])
    pltpu.sync_copy(ones_hbm, ones_v)
    pltpu.sync_copy(col_hbm.at[pl.ds(wid * CPT, CPT)], idx_v)
    plsc.subcore_barrier()

    def step(j, _):
        pltpu.sync_copy(ones_v, acc.at[idx_v.at[j]], add=True)
        return _

    lax.fori_loop(0, CPT, step, None)
    plsc.subcore_barrier()
    pltpu.sync_copy(acc.at[pl.ds(s * RPT, RPT)],
                    out_hbm.at[c, pl.ds(s * RPT, RPT)])


_deg_kernel = pl.kernel(
    _deg_body,
    out_type=jax.ShapeDtypeStruct((NC, NROW_PAD, DEG_W), jnp.float32),
    mesh=_mesh,
    compiler_params=pltpu.CompilerParams(use_tc_tiling_on_sc=False),
    scratch_types=[
        pltpu.VMEM((CPT, CHUNK), jnp.int32),
        pltpu.VMEM((CHUNK, DEG_W), jnp.float32),
        pltpu.VMEM_SHARED((NROW_PAD, DEG_W), jnp.float32),
    ],
)


IB = 16


def _make_prop(D, nbuf):
    def body(tbl_hbm, row_hbm, col_hbm, out_hbm, idxr_v, idxc_v, *rest):
        bufs = rest[:nbuf]
        gsem = rest[nbuf:2 * nbuf]
        ssem = rest[2 * nbuf:3 * nbuf]
        acc = rest[3 * nbuf]
        c = lax.axis_index("c")
        s = lax.axis_index("s")
        wid = c * NS + s
        pltpu.sync_copy(tbl_hbm.at[pl.ds(c * NROW_PAD + s * RPT, RPT)],
                        acc.at[pl.ds(s * RPT, RPT)])
        plsc.subcore_barrier()

        def blk(kb, carry):
            base = wid * CPT + kb * IB
            pltpu.sync_copy(row_hbm.at[pl.ds(base, IB)], idxr_v)
            pltpu.sync_copy(col_hbm.at[pl.ds(base, IB)], idxc_v)
            for b in range(nbuf):
                pltpu.async_copy(tbl_hbm.at[idxr_v.at[b]], bufs[b], gsem[b])

            def step(it, carry2):
                j0 = it * nbuf
                for b in range(nbuf):
                    j = j0 + b
                    pltpu.make_async_copy(tbl_hbm.at[idxr_v.at[j]],
                                          bufs[b], gsem[b]).wait()
                    pltpu.async_copy(bufs[b], acc.at[idxc_v.at[j]], ssem[b],
                                     add=True)
                for b in range(nbuf):
                    j = j0 + b
                    pltpu.make_async_copy(bufs[b], acc.at[idxc_v.at[j]],
                                          ssem[b]).wait()
                    nxt = j + nbuf

                    @pl.when(nxt < IB)
                    def _():
                        pltpu.async_copy(tbl_hbm.at[idxr_v.at[nxt]],
                                         bufs[b], gsem[b])
                return carry2

            lax.fori_loop(0, IB // nbuf, step, None)
            return carry

        lax.fori_loop(0, CPT // IB, blk, None)
        plsc.subcore_barrier()
        pltpu.sync_copy(acc.at[pl.ds(s * RPT, RPT)],
                        out_hbm.at[c, pl.ds(s * RPT, RPT)])

    return pl.kernel(
        body,
        out_type=jax.ShapeDtypeStruct((NC, NROW_PAD, D), jnp.float32),
        mesh=_mesh,
        compiler_params=pltpu.CompilerParams(use_tc_tiling_on_sc=False),
        scratch_types=[
            pltpu.VMEM((IB, CHUNK), jnp.int32),
            pltpu.VMEM((IB, CHUNK), jnp.int32),
        ] + [pltpu.VMEM((CHUNK, D), jnp.float32)] * nbuf
          + [pltpu.SemaphoreType.DMA] * (2 * nbuf)
          + [pltpu.VMEM_SHARED((NROW_PAD, D), jnp.float32)],
    )


_prop64 = _make_prop(2 * D_HID, 4)
_prop128 = _make_prop(2 * D_OUT, 2)



_BLK = 1000
_GRID = N // _BLK


def _dis_from_deg(deg_ref):
    d = deg_ref[...]
    deg = d[0, :, 0:1] + d[1, :, 0:1] + 1.0
    dis2 = 1.0 / deg
    return lax.rsqrt(deg), dis2


def _dense1_body(x_ref, w1m_ref, b1m_ref, w1v_ref, b1v_ref, deg_ref, out_ref):
    dis, dis2 = _dis_from_deg(deg_ref)
    xb = x_ref[...]
    m = jax.nn.relu(jnp.dot(xb, w1m_ref[...],
                            preferred_element_type=jnp.float32) + b1m_ref[...])
    v = jax.nn.relu(jnp.dot(xb, w1v_ref[...],
                            preferred_element_type=jnp.float32) + b1v_ref[...])
    att = jnp.exp(-v)
    ma = m * att
    va = v * att * att
    out_ref[...] = jnp.concatenate([ma * dis, va * dis2], axis=1)


def _dense2_body(acc_ref, w2m_ref, b2m_ref, w2v_ref, b2v_ref, deg_ref, out_ref):
    dis, dis2 = _dis_from_deg(deg_ref)
    a = acc_ref[...]
    asum = a[0] + a[1]
    hm = jax.nn.relu(asum[:, :D_HID] * dis)
    hv = jax.nn.relu(asum[:, D_HID:] * dis2)
    m = jax.nn.relu(jnp.dot(hm, w2m_ref[...],
                            preferred_element_type=jnp.float32) + b2m_ref[...])
    v = jax.nn.relu(jnp.dot(hv, w2v_ref[...],
                            preferred_element_type=jnp.float32) + b2v_ref[...])
    att = jnp.exp(-v)
    ma = m * att
    va = v * att * att
    out_ref[...] = jnp.concatenate([ma * dis, va * dis2], axis=1)


def _final_body(acc_ref, deg_ref, eps_ref, out_ref):
    dis, dis2 = _dis_from_deg(deg_ref)
    a = acc_ref[...]
    asum = a[0] + a[1]
    mean = asum[:, :D_OUT] * dis
    var = asum[:, D_OUT:] * dis2
    out_ref[...] = eps_ref[...] * jnp.sqrt(var + 1e-8) + mean


def _row_block(shape2):
    return pl.BlockSpec((_BLK,) + shape2[1:], lambda i: (i,) + (0,) * (len(shape2) - 1))


_full = lambda shape: pl.BlockSpec(shape, lambda i: (0,) * len(shape))
_deg_spec = pl.BlockSpec((NC, _BLK, DEG_W), lambda i: (0, i, 0))


_dense1 = pl.pallas_call(
    _dense1_body,
    grid=(_GRID,),
    in_specs=[
        _row_block((N, D_IN)),
        _full((D_IN, D_HID)), _full((1, D_HID)),
        _full((D_IN, D_HID)), _full((1, D_HID)),
        _deg_spec,
    ],
    out_specs=_row_block((N, 2 * D_HID)),
    out_shape=jax.ShapeDtypeStruct((N, 2 * D_HID), jnp.float32),
)

_dense2 = pl.pallas_call(
    _dense2_body,
    grid=(_GRID,),
    in_specs=[
        pl.BlockSpec((NC, _BLK, 2 * D_HID), lambda i: (0, i, 0)),
        _full((D_HID, D_OUT)), _full((1, D_OUT)),
        _full((D_HID, D_OUT)), _full((1, D_OUT)),
        _deg_spec,
    ],
    out_specs=_row_block((N, 2 * D_OUT)),
    out_shape=jax.ShapeDtypeStruct((N, 2 * D_OUT), jnp.float32),
)

_final = pl.pallas_call(
    _final_body,
    grid=(_GRID,),
    in_specs=[
        pl.BlockSpec((NC, _BLK, 2 * D_OUT), lambda i: (0, i, 0)),
        _deg_spec,
        _row_block((N, D_OUT)),
    ],
    out_specs=_row_block((N, D_OUT)),
    out_shape=jax.ShapeDtypeStruct((N, D_OUT), jnp.float32),
)



@jax.jit
def kernel(x, edge_index, W1m, b1m, W1v, b1v, W2m, b2m, W2v, b2v):
    row = edge_index[0].astype(jnp.int32)
    col = edge_index[1].astype(jnp.int32)
    pad = EPAD - E
    padidx = N + (jnp.arange(pad, dtype=jnp.int32) % (NROW_PAD - N))
    rowp = jnp.concatenate([row, padidx]).reshape(-1, CHUNK)
    colp = jnp.concatenate([col, padidx]).reshape(-1, CHUNK)

    ones_rows = jnp.ones((CHUNK, DEG_W), jnp.float32)
    zero_rows = jnp.zeros((RPT, DEG_W), jnp.float32)
    deg_p = _deg_kernel(colp, ones_rows, zero_rows)

    b1m2 = b1m.reshape(1, D_HID)
    b1v2 = b1v.reshape(1, D_HID)
    b2m2 = b2m.reshape(1, D_OUT)
    b2v2 = b2v.reshape(1, D_OUT)

    t1 = _dense1(x, W1m, b1m2, W1v, b1v2, deg_p)
    t1f = jnp.pad(t1, ((0, 2 * NROW_PAD - N), (0, 0)))
    acc1 = _prop64(t1f, rowp, colp)

    t2 = _dense2(acc1, W2m, b2m2, W2v, b2v2, deg_p)
    t2f = jnp.pad(t2, ((0, 2 * NROW_PAD - N), (0, 0)))
    acc2 = _prop128(t2f, rowp, colp)

    eps = jax.random.normal(jax.random.key(42), (N, D_OUT), dtype=jnp.float32)
    return _final(acc2, deg_p, eps)

# --- scband reference (transcript-rebuilt; emitter-appended) ---
"""Pipeline reference for scband-robust-gcn-82111184765026 (READ-ONLY COPY).

The authoritative reference and input builder live on the scoring server;
editing this copy changes nothing except your own understanding.
"""

import jax, jax.numpy as jnp
import numpy as np

N_NODES = 10000
D_IN = 128
D_HID = 32
D_OUT = 64
N_EDGES = 320000
GAMMA = 1.0


def gcn_norm(edge_index, num_nodes):
    # add self loops with weight 1, then symmetric normalization
    row = jnp.concatenate([edge_index[0], jnp.arange(num_nodes, dtype=edge_index.dtype)])
    col = jnp.concatenate([edge_index[1], jnp.arange(num_nodes, dtype=edge_index.dtype)])
    w = jnp.ones(row.shape[0], dtype=jnp.float32)
    deg = jnp.zeros((num_nodes,), dtype=jnp.float32).at[col].add(w)
    deg_inv_sqrt = jnp.where(deg > 0, deg ** -0.5, 0.0)
    norm = deg_inv_sqrt[row] * w * deg_inv_sqrt[col]
    return row, col, norm


def robust_conv(x_mean, x_var, Wm, bm, Wv, bv, row, col, norm, num_nodes, gamma):
    mean = jax.nn.relu(x_mean @ Wm + bm)
    var = jax.nn.relu(x_var @ Wv + bv)
    attention = jnp.exp(-gamma * var)
    mean = mean * attention
    var = var * attention * attention
    # propagate: mean with norm, var with norm**2  (gather on src, scatter-add on dst)
    out_mean = jnp.zeros((num_nodes, mean.shape[1]), dtype=mean.dtype).at[col].add(mean[row] * norm[:, None])
    out_var = jnp.zeros((num_nodes, var.shape[1]), dtype=var.dtype).at[col].add(var[row] * (norm * norm)[:, None])
    return out_mean, out_var


def glorot(key, shape):
    limit = float(np.sqrt(6.0 / (shape[0] + shape[1])))
    return jax.random.uniform(key, shape, dtype=jnp.float32, minval=-limit, maxval=limit)


def setup_inputs(seed: int = 0) -> dict:
    key = jax.random.key(seed)
    ks = jax.random.split(key, 8)
    x = jax.random.normal(ks[0], (N_NODES, D_IN), dtype=jnp.float32)
    edge_index = jax.random.randint(ks[1], (2, N_EDGES), 0, N_NODES, dtype=jnp.int64 if jax.config.jax_enable_x64 else jnp.int32).astype(jnp.int32)
    W1m = glorot(ks[2], (D_IN, D_HID))
    b1m = jnp.zeros((D_HID,), dtype=jnp.float32)
    W1v = glorot(ks[3], (D_IN, D_HID))
    b1v = jnp.zeros((D_HID,), dtype=jnp.float32)
    W2m = glorot(ks[4], (D_HID, D_OUT))
    b2m = jnp.zeros((D_OUT,), dtype=jnp.float32)
    W2v = glorot(ks[5], (D_HID, D_OUT))
    b2v = jnp.zeros((D_OUT,), dtype=jnp.float32)
    return {"x": x, "edge_index": edge_index, "W1m": W1m, "b1m": b1m, "W1v": W1v, "b1v": b1v,
            "W2m": W2m, "b2m": b2m, "W2v": W2v, "b2v": b2v}


def reference(x, edge_index, W1m, b1m, W1v, b1v, W2m, b2m, W2v, b2v):
    num_nodes = x.shape[0]
    row, col, norm = gcn_norm(edge_index, num_nodes)
    # dropout is identity in eval mode
    mean, var = robust_conv(x, x, W1m, b1m, W1v, b1v, row, col, norm, num_nodes, GAMMA)
    mean, var = jax.nn.relu(mean), jax.nn.relu(var)
    mean, var = robust_conv(mean, var, W2m, b2m, W2v, b2v, row, col, norm, num_nodes, GAMMA)
    std = jnp.sqrt(var + 1e-08)
    eps = jax.random.normal(jax.random.key(42), std.shape, dtype=std.dtype)
    z = eps * std + mean
    return z

if __name__ == "__main__":
    import jax
    _d = setup_inputs()
    print(jax.jit(kernel)(*tuple(_d.values())))

</pallas_src>

<mosaic_0001>
#map = affine_map<(d0, d1) -> (0, 0)>
#map1 = affine_map<(d0, d1) -> (0, 0, 0)>
module attributes {stable_mosaic.version = 14 : i64} {
  func.func @body(%arg0: i32, %arg1: i32, %arg2: memref<20224x64xf32, #tpu.memory_space<hbm>>, %arg3: memref<2560x128xi32, #tpu.memory_space<hbm>>, %arg4: memref<2560x128xi32, #tpu.memory_space<hbm>>, %arg5: memref<2x10112x64xf32, #tpu.memory_space<hbm>>, %arg6: memref<16x128xi32, #tpu.memory_space<vmem>>, %arg7: memref<16x128xi32, #tpu.memory_space<vmem>>, %arg8: memref<128x64xf32, #tpu.memory_space<vmem>>, %arg9: memref<128x64xf32, #tpu.memory_space<vmem>>, %arg10: memref<128x64xf32, #tpu.memory_space<vmem>>, %arg11: memref<128x64xf32, #tpu.memory_space<vmem>>, %arg12: memref<!tpu.dma_semaphore, #tpu.memory_space<semaphore_mem>>, %arg13: memref<!tpu.dma_semaphore, #tpu.memory_space<semaphore_mem>>, %arg14: memref<!tpu.dma_semaphore, #tpu.memory_space<semaphore_mem>>, %arg15: memref<!tpu.dma_semaphore, #tpu.memory_space<semaphore_mem>>, %arg16: memref<!tpu.dma_semaphore, #tpu.memory_space<semaphore_mem>>, %arg17: memref<!tpu.dma_semaphore, #tpu.memory_space<semaphore_mem>>, %arg18: memref<!tpu.dma_semaphore, #tpu.memory_space<semaphore_mem>>, %arg19: memref<!tpu.dma_semaphore, #tpu.memory_space<semaphore_mem>>, %arg20: memref<10112x64xf32, #tpu.memory_space<vmem_shared>>) attributes {dimension_semantics = [#tpu.dimension_semantics<core_parallel>, #tpu.dimension_semantics<subcore_parallel>], iteration_bounds = array<i64: 2, 16>, scalar_prefetch = 0 : i64, scratch_operands = 15 : i64, tpu.core_type = #tpu.core_type<sc_vector_subcore>, window_params = [{transform_indices = #map}, {transform_indices = #map}, {transform_indices = #map}, {transform_indices = #map1}]} {
    %mul3A = arith.constant 16 : i32
    %mul3A_0 = arith.muli %arg0, %mul3A : i32
    %add3A = arith.addi %mul3A_0, %arg1 : i32
    %mul3A_1 = arith.constant 10112 : i32
    %mul3A_2 = arith.muli %arg0, %mul3A_1 : i32
    %mul3A_3 = arith.constant 632 : i32
    %mul3A_4 = arith.muli %arg1, %mul3A_3 : i32
    %add3A_5 = arith.addi %mul3A_2, %mul3A_4 : i32
    %mul3A_6 = arith.constant 632 : i32
    %mul3A_7 = arith.muli %arg1, %mul3A_6 : i32
    "tpu.region"() ({
      %run_scoped3A = tpu.sem_alloc : memref<!tpu.dma_semaphore, #tpu.memory_space<semaphore_mem>>
      %dma_start3A = arith.constant 0 : i32
      %dma_start3A_17 = tpu.memref_slice %arg20[%mul3A_7, %dma_start3A] : memref<10112x64xf32, #tpu.memory_space<vmem_shared>> -> memref<632x64xf32, #tpu.memory_space<vmem_shared>>
      %dma_start3A_18 = arith.constant 0 : i32
      %dma_start3A_19 = tpu.memref_slice %arg2[%add3A_5, %dma_start3A_18] : memref<20224x64xf32, #tpu.memory_space<hbm>> -> memref<632x64xf32, #tpu.memory_space<hbm>>
      tpu.enqueue_dma source(%dma_start3A_19 : memref<632x64xf32, #tpu.memory_space<hbm>>) target(%dma_start3A_17 : memref<632x64xf32, #tpu.memory_space<vmem_shared>>) target_semaphore(%run_scoped3A : memref<!tpu.dma_semaphore, #tpu.memory_space<semaphore_mem>>)
      %dma_wait3A = arith.constant 0 : i32
      %dma_wait3A_20 = tpu.memref_slice %arg20[%mul3A_7, %dma_wait3A] : memref<10112x64xf32, #tpu.memory_space<vmem_shared>> -> memref<632x64xf32, #tpu.memory_space<vmem_shared>>
      %dma_wait3A_21 = arith.constant 0 : i32
      %dma_wait3A_22 = tpu.memref_slice %arg2[%add3A_5, %dma_wait3A_21] : memref<20224x64xf32, #tpu.memory_space<hbm>> -> memref<632x64xf32, #tpu.memory_space<hbm>>
      tpu.wait_dma2 semaphore(%run_scoped3A : memref<!tpu.dma_semaphore, #tpu.memory_space<semaphore_mem>>) src(%dma_wait3A_22 : memref<632x64xf32, #tpu.memory_space<hbm>>) dst(%dma_wait3A_20 : memref<632x64xf32, #tpu.memory_space<vmem_shared>>)
      tpu.yield
    }) : () -> ()
    %barrier3A = arith.constant 0 : index
    tpu.barrier barrier_id(%barrier3A)
    %scan3A = arith.constant 0 : i32
    %scan3A_8 = arith.constant 5 : i32
    %scan3A_9 = arith.addi %scan3A, %scan3A_8 : i32
    %scan3A_10 = arith.constant 1 : i32
    scf.for %scan3A_17 = %scan3A to %scan3A_9 step %scan3A_10  : i32 {
      %mul3A_18 = arith.constant 80 : i32
      %mul3A_19 = arith.muli %add3A, %mul3A_18 : i32
      %mul3A_20 = arith.constant 16 : i32
      %mul3A_21 = arith.muli %scan3A_17, %mul3A_20 : i32
      %add3A_22 = arith.addi %mul3A_19, %mul3A_21 : i32
      "tpu.region"() ({
        %run_scoped3A = tpu.sem_alloc : memref<!tpu.dma_semaphore, #tpu.memory_space<semaphore_mem>>
        %dma_start3A_55 = arith.constant 0 : i32
        %dma_start3A_56 = tpu.memref_slice %arg3[%add3A_22, %dma_start3A_55] : memref<2560x128xi32, #tpu.memory_space<hbm>> -> memref<16x128xi32, #tpu.memory_space<hbm>>
        %dma_start3A_57 = arith.constant 0 : i32
        %dma_start3A_58 = tpu.memref_slice %arg3[%add3A_22, %dma_start3A_57] : memref<2560x128xi32, #tpu.memory_space<hbm>> -> memref<16x128xi32, #tpu.memory_space<hbm>>
        tpu.enqueue_dma source(%dma_start3A_58 : memref<16x128xi32, #tpu.memory_space<hbm>>) target(%arg6 : memref<16x128xi32, #tpu.memory_space<vmem>>) target_semaphore(%run_scoped3A : memref<!tpu.dma_semaphore, #tpu.memory_space<semaphore_mem>>)
        %dma_wait3A = arith.constant 0 : i32
        %dma_wait3A_59 = tpu.memref_slice %arg3[%add3A_22, %dma_wait3A] : memref<2560x128xi32, #tpu.memory_space<hbm>> -> memref<16x128xi32, #tpu.memory_space<hbm>>
        %dma_wait3A_60 = arith.constant 0 : i32
        %dma_wait3A_61 = tpu.memref_slice %arg3[%add3A_22, %dma_wait3A_60] : memref<2560x128xi32, #tpu.memory_space<hbm>> -> memref<16x128xi32, #tpu.memory_space<hbm>>
        tpu.wait_dma2 semaphore(%run_scoped3A : memref<!tpu.dma_semaphore, #tpu.memory_space<semaphore_mem>>) src(%dma_wait3A_61 : memref<16x128xi32, #tpu.memory_space<hbm>>) dst(%arg6 : memref<16x128xi32, #tpu.memory_space<vmem>>)
        tpu.yield
      }) : () -> ()
      "tpu.region"() ({
        %run_scoped3A = tpu.sem_alloc : memref<!tpu.dma_semaphore, #tpu.memory_space<semaphore_mem>>
        %dma_start3A_55 = arith.constant 0 : i32
        %dma_start3A_56 = tpu.memref_slice %arg4[%add3A_22, %dma_start3A_55] : memref<2560x128xi32, #tpu.memory_space<hbm>> -> memref<16x128xi32, #tpu.memory_space<hbm>>
        %dma_start3A_57 = arith.constant 0 : i32
        %dma_start3A_58 = tpu.memref_slice %arg4[%add3A_22, %dma_start3A_57] : memref<2560x128xi32, #tpu.memory_space<hbm>> -> memref<16x128xi32, #tpu.memory_space<hbm>>
        tpu.enqueue_dma source(%dma_start3A_58 : memref<16x128xi32, #tpu.memory_space<hbm>>) target(%arg7 : memref<16x128xi32, #tpu.memory_space<vmem>>) target_semaphore(%run_scoped3A : memref<!tpu.dma_semaphore, #tpu.memory_space<semaphore_mem>>)
        %dma_wait3A = arith.constant 0 : i32
        %dma_wait3A_59 = tpu.memref_slice %arg4[%add3A_22, %dma_wait3A] : memref<2560x128xi32, #tpu.memory_space<hbm>> -> memref<16x128xi32, #tpu.memory_space<hbm>>
        %dma_wait3A_60 = arith.constant 0 : i32
        %dma_wait3A_61 = tpu.memref_slice %arg4[%add3A_22, %dma_wait3A_60] : memref<2560x128xi32, #tpu.memory_space<hbm>> -> memref<16x128xi32, #tpu.memory_space<hbm>>
        tpu.wait_dma2 semaphore(%run_scoped3A : memref<!tpu.dma_semaphore, #tpu.memory_space<semaphore_mem>>) src(%dma_wait3A_61 : memref<16x128xi32, #tpu.memory_space<hbm>>) dst(%arg7 : memref<16x128xi32, #tpu.memory_space<vmem>>)
        tpu.yield
      }) : () -> ()
      %dma_start3A = arith.constant 0 : i32
      %dma_start3A_23 = arith.constant 0 : i32
      %dma_start3A_24 = tpu.memref_slice %arg6[%dma_start3A, %dma_start3A_23] : memref<16x128xi32, #tpu.memory_space<vmem>> -> memref<1x128xi32, #tpu.memory_space<vmem>>
      %dma_start3A_25 = tpu.memref_squeeze %dma_start3A_24 : memref<1x128xi32, #tpu.memory_space<vmem>> -> memref<128xi32, #tpu.memory_space<vmem>>
      %dma_start3A_26 = arith.constant 0 : i32
      %dma_start3A_27 = arith.constant 0 : i32
      %dma_start3A_28 = tpu.memref_slice %arg2[%dma_start3A_26, %dma_start3A_27] : memref<20224x64xf32, #tpu.memory_space<hbm>> -> memref<20224x64xf32, #tpu.memory_space<hbm>>
      tpu.enqueue_indirect_dma source(%dma_start3A_28 : memref<20224x64xf32, #tpu.memory_space<hbm>>) target(%arg8 : memref<128x64xf32, #tpu.memory_space<vmem>>) offsets(%dma_start3A_25 : memref<128xi32, #tpu.memory_space<vmem>>) semaphore(%arg12 : memref<!tpu.dma_semaphore, #tpu.memory_space<semaphore_mem>>)
      %dma_start3A_29 = arith.constant 1 : i32
      %dma_start3A_30 = arith.constant 0 : i32
      %dma_start3A_31 = tpu.memref_slice %arg6[%dma_start3A_29, %dma_start3A_30] : memref<16x128xi32, #tpu.memory_space<vmem>> -> memref<1x128xi32, #tpu.memory_space<vmem>>
      %dma_start3A_32 = tpu.memref_squeeze %dma_start3A_31 : memref<1x128xi32, #tpu.memory_space<vmem>> -> memref<128xi32, #tpu.memory_space<vmem>>
      %dma_start3A_33 = arith.constant 0 : i32
      %dma_start3A_34 = arith.constant 0 : i32
      %dma_start3A_35 = tpu.memref_slice %arg2[%dma_start3A_33, %dma_start3A_34] : memref<20224x64xf32, #tpu.memory_space<hbm>> -> memref<20224x64xf32, #tpu.memory_space<hbm>>
      tpu.enqueue_indirect_dma source(%dma_start3A_35 : memref<20224x64xf32, #tpu.memory_space<hbm>>) target(%arg9 : memref<128x64xf32, #tpu.memory_space<vmem>>) offsets(%dma_start3A_32 : memref<128xi32, #tpu.memory_space<vmem>>) semaphore(%arg13 : memref<!tpu.dma_semaphore, #tpu.memory_space<semaphore_mem>>)
      %dma_start3A_36 = arith.constant 2 : i32
      %dma_start3A_37 = arith.constant 0 : i32
      %dma_start3A_38 = tpu.memref_slice %arg6[%dma_start3A_36, %dma_start3A_37] : memref<16x128xi32, #tpu.memory_space<vmem>> -> memref<1x128xi32, #tpu.memory_space<vmem>>
      %dma_start3A_39 = tpu.memref_squeeze %dma_start3A_38 : memref<1x128xi32, #tpu.memory_space<vmem>> -> memref<128xi32, #tpu.memory_space<vmem>>
      %dma_start3A_40 = arith.constant 0 : i32
      %dma_start3A_41 = arith.constant 0 : i32
      %dma_start3A_42 = tpu.memref_slice %arg2[%dma_start3A_40, %dma_start3A_41] : memref<20224x64xf32, #tpu.memory_space<hbm>> -> memref<20224x64xf32, #tpu.memory_space<hbm>>
      tpu.enqueue_indirect_dma source(%dma_start3A_42 : memref<20224x64xf32, #tpu.memory_space<hbm>>) target(%arg10 : memref<128x64xf32, #tpu.memory_space<vmem>>) offsets(%dma_start3A_39 : memref<128xi32, #tpu.memory_space<vmem>>) semaphore(%arg14 : memref<!tpu.dma_semaphore, #tpu.memory_space<semaphore_mem>>)
      %dma_start3A_43 = arith.constant 3 : i32
      %dma_start3A_44 = arith.constant 0 : i32
      %dma_start3A_45 = tpu.memref_slice %arg6[%dma_start3A_43, %dma_start3A_44] : memref<16x128xi32, #tpu.memory_space<vmem>> -> memref<1x128xi32, #tpu.memory_space<vmem>>
      %dma_start3A_46 = tpu.memref_squeeze %dma_start3A_45 : memref<1x128xi32, #tpu.memory_space<vmem>> -> memref<128xi32, #tpu.memory_space<vmem>>
      %dma_start3A_47 = arith.constant 0 : i32
      %dma_start3A_48 = arith.constant 0 : i32
      %dma_start3A_49 = tpu.memref_slice %arg2[%dma_start3A_47, %dma_start3A_48] : memref<20224x64xf32, #tpu.memory_space<hbm>> -> memref<20224x64xf32, #tpu.memory_space<hbm>>
      tpu.enqueue_indirect_dma source(%dma_start3A_49 : memref<20224x64xf32, #tpu.memory_space<hbm>>) target(%arg11 : memref<128x64xf32, #tpu.memory_space<vmem>>) offsets(%dma_start3A_46 : memref<128xi32, #tpu.memory_space<vmem>>) semaphore(%arg15 : memref<!tpu.dma_semaphore, #tpu.memory_space<semaphore_mem>>)
      %scan3A_50 = arith.constant 0 : i32
      %scan3A_51 = arith.constant 4 : i32
      %scan3A_52 = arith.addi %scan3A_50, %scan3A_51 : i32
      %scan3A_53 = arith.constant 1 : i32
      scf.for %scan3A_55 = %scan3A_50 to %scan3A_52 step %scan3A_53  : i32 {
        %mul3A_56 = arith.constant 4 : i32
        %mul3A_57 = arith.muli %scan3A_55, %mul3A_56 : i32
        %add3A_58 = arith.constant 0 : i32
        %add3A_59 = arith.addi %mul3A_57, %add3A_58 : i32
        %dma_wait3A = arith.constant 0 : i32
        %dma_wait3A_60 = tpu.memref_slice %arg6[%add3A_59, %dma_wait3A] : memref<16x128xi32, #tpu.memory_space<vmem>> -> memref<1x128xi32, #tpu.memory_space<vmem>>
        %dma_wait3A_61 = tpu.memref_squeeze %dma_wait3A_60 : memref<1x128xi32, #tpu.memory_space<vmem>> -> memref<128xi32, #tpu.memory_space<vmem>>
        %dma_wait3A_62 = arith.constant 0 : i32
        %dma_wait3A_63 = arith.constant 0 : i32
        %dma_wait3A_64 = tpu.memref_slice %arg2[%dma_wait3A_62, %dma_wait3A_63] : memref<20224x64xf32, #tpu.memory_space<hbm>> -> memref<20224x64xf32, #tpu.memory_space<hbm>>
        tpu.wait_indirect_dma semaphore(%arg12 : memref<!tpu.dma_semaphore, #tpu.memory_space<semaphore_mem>>) src(%dma_wait3A_64 : memref<20224x64xf32, #tpu.memory_space<hbm>>) dst(%arg8 : memref<128x64xf32, #tpu.memory_space<vmem>>)
        %dma_start3A_65 = arith.constant 0 : i32
        %dma_start3A_66 = tpu.memref_slice %arg7[%add3A_59, %dma_start3A_65] : memref<16x128xi32, #tpu.memory_space<vmem>> -> memref<1x128xi32, #tpu.memory_space<vmem>>
        %dma_start3A_67 = tpu.memref_squeeze %dma_start3A_66 : memref<1x128xi32, #tpu.memory_space<vmem>> -> memref<128xi32, #tpu.memory_space<vmem>>
        %dma_start3A_68 = arith.constant 0 : i32
        %dma_start3A_69 = arith.constant 0 : i32
        %dma_start3A_70 = tpu.memref_slice %arg20[%dma_start3A_68, %dma_start3A_69] : memref<10112x64xf32, #tpu.memory_space<vmem_shared>> -> memref<10112x64xf32, #tpu.memory_space<vmem_shared>>
        tpu.enqueue_indirect_dma source(%arg8 : memref<128x64xf32, #tpu.memory_space<vmem>>) target(%dma_start3A_70 : memref<10112x64xf32, #tpu.memory_space<vmem_shared>>) offsets(%dma_start3A_67 : memref<128xi32, #tpu.memory_space<vmem>>) semaphore(%arg16 : memref<!tpu.dma_semaphore, #tpu.memory_space<semaphore_mem>>) {add = true}
        %add3A_71 = arith.constant 1 : i32
        %add3A_72 = arith.addi %mul3A_57, %add3A_71 : i32
        %dma_wait3A_73 = arith.constant 0 : i32
        %dma_wait3A_74 = tpu.memref_slice %arg6[%add3A_72, %dma_wait3A_73] : memref<16x128xi32, #tpu.memory_space<vmem>> -> memref<1x128xi32, #tpu.memory_space<vmem>>
        %dma_wait3A_75 = tpu.memref_squeeze %dma_wait3A_74 : memref<1x128xi32, #tpu.memory_space<vmem>> -> memref<128xi32, #tpu.memory_space<vmem>>
        %dma_wait3A_76 = arith.constant 0 : i32
        %dma_wait3A_77 = arith.constant 0 : i32
        %dma_wait3A_78 = tpu.memref_slice %arg2[%dma_wait3A_76, %dma_wait3A_77] : memref<20224x64xf32, #tpu.memory_space<hbm>> -> memref<20224x64xf32, #tpu.memory_space<hbm>>
        tpu.wait_indirect_dma semaphore(%arg13 : memref<!tpu.dma_semaphore, #tpu.memory_space<semaphore_mem>>) src(%dma_wait3A_78 : memref<20224x64xf32, #tpu.memory_space<hbm>>) dst(%arg9 : memref<128x64xf32, #tpu.memory_space<vmem>>)
        %dma_start3A_79 = arith.constant 0 : i32
        %dma_start3A_80 = tpu.memref_slice %arg7[%add3A_72, %dma_start3A_79] : memref<16x128xi32, #tpu.memory_space<vmem>> -> memref<1x128xi32, #tpu.memory_space<vmem>>
        %dma_start3A_81 = tpu.memref_squeeze %dma_start3A_80 : memref<1x128xi32, #tpu.memory_space<vmem>> -> memref<128xi32, #tpu.memory_space<vmem>>
        %dma_start3A_82 = arith.constant 0 : i32
        %dma_start3A_83 = arith.constant 0 : i32
        %dma_start3A_84 = tpu.memref_slice %arg20[%dma_start3A_82, %dma_start3A_83] : memref<10112x64xf32, #tpu.memory_space<vmem_shared>> -> memref<10112x64xf32, #tpu.memory_space<vmem_shared>>
        tpu.enqueue_indirect_dma source(%arg9 : memref<128x64xf32, #tpu.memory_space<vmem>>) target(%dma_start3A_84 : memref<10112x64xf32, #tpu.memory_space<vmem_shared>>) offsets(%dma_start3A_81 : memref<128xi32, #tpu.memory_space<vmem>>) semaphore(%arg17 : memref<!tpu.dma_semaphore, #tpu.memory_space<semaphore_mem>>) {add = true}
        %add3A_85 = arith.constant 2 : i32
        %add3A_86 = arith.addi %mul3A_57, %add3A_85 : i32
        %dma_wait3A_87 = arith.constant 0 : i32
        %dma_wait3A_88 = tpu.memref_slice %arg6[%add3A_86, %dma_wait3A_87] : memref<16x128xi32, #tpu.memory_space<vmem>> -> memref<1x128xi32, #tpu.memory_space<vmem>>
        %dma_wait3A_89 = tpu.memref_squeeze %dma_wait3A_88 : memref<1x128xi32, #tpu.memory_space<vmem>> -> memref<128xi32, #tpu.memory_space<vmem>>
        %dma_wait3A_90 = arith.constant 0 : i32
        %dma_wait3A_91 = arith.constant 0 : i32
        %dma_wait3A_92 = tpu.memref_slice %arg2[%dma_wait3A_90, %dma_wait3A_91] : memref<20224x64xf32, #tpu.memory_space<hbm>> -> memref<20224x64xf32, #tpu.memory_space<hbm>>
        tpu.wait_indirect_dma semaphore(%arg14 : memref<!tpu.dma_semaphore, #tpu.memory_space<semaphore_mem>>) src(%dma_wait3A_92 : memref<20224x64xf32, #tpu.memory_space<hbm>>) dst(%arg10 : memref<128x64xf32, #tpu.memory_space<vmem>>)
        %dma_start3A_93 = arith.constant 0 : i32
        %dma_start3A_94 = tpu.memref_slice %arg7[%add3A_86, %dma_start3A_93] : memref<16x128xi32, #tpu.memory_space<vmem>> -> memref<1x128xi32, #tpu.memory_space<vmem>>
        %dma_start3A_95 = tpu.memref_squeeze %dma_start3A_94 : memref<1x128xi32, #tpu.memory_space<vmem>> -> memref<128xi32, #tpu.memory_space<vmem>>
        %dma_start3A_96 = arith.constant 0 : i32
        %dma_start3A_97 = arith.constant 0 : i32
        %dma_start3A_98 = tpu.memref_slice %arg20[%dma_start3A_96, %dma_start3A_97] : memref<10112x64xf32, #tpu.memory_space<vmem_shared>> -> memref<10112x64xf32, #tpu.memory_space<vmem_shared>>
        tpu.enqueue_indirect_dma source(%arg10 : memref<128x64xf32, #tpu.memory_space<vmem>>) target(%dma_start3A_98 : memref<10112x64xf32, #tpu.memory_space<vmem_shared>>) offsets(%dma_start3A_95 : memref<128xi32, #tpu.memory_space<vmem>>) semaphore(%arg18 : memref<!tpu.dma_semaphore, #tpu.memory_space<semaphore_mem>>) {add = true}
        %add3A_99 = arith.constant 3 : i32
        %add3A_100 = arith.addi %mul3A_57, %add3A_99 : i32
        %dma_wait3A_101 = arith.constant 0 : i32
        %dma_wait3A_102 = tpu.memref_slice %arg6[%add3A_100, %dma_wait3A_101] : memref<16x128xi32, #tpu.memory_space<vmem>> -> memref<1x128xi32, #tpu.memory_space<vmem>>
        %dma_wait3A_103 = tpu.memref_squeeze %dma_wait3A_102 : memref<1x128xi32, #tpu.memory_space<vmem>> -> memref<128xi32, #tpu.memory_space<vmem>>
        %dma_wait3A_104 = arith.constant 0 : i32
        %dma_wait3A_105 = arith.constant 0 : i32
        %dma_wait3A_106 = tpu.memref_slice %arg2[%dma_wait3A_104, %dma_wait3A_105] : memref<20224x64xf32, #tpu.memory_space<hbm>> -> memref<20224x64xf32, #tpu.memory_space<hbm>>
        tpu.wait_indirect_dma semaphore(%arg15 : memref<!tpu.dma_semaphore, #tpu.memory_space<semaphore_mem>>) src(%dma_wait3A_106 : memref<20224x64xf32, #tpu.memory_space<hbm>>) dst(%arg11 : memref<128x64xf32, #tpu.memory_space<vmem>>)
        %dma_start3A_107 = arith.constant 0 : i32
        %dma_start3A_108 = tpu.memref_slice %arg7[%add3A_100, %dma_start3A_107] : memref<16x128xi32, #tpu.memory_space<vmem>> -> memref<1x128xi32, #tpu.memory_space<vmem>>
        %dma_start3A_109 = tpu.memref_squeeze %dma_start3A_108 : memref<1x128xi32, #tpu.memory_space<vmem>> -> memref<128xi32, #tpu.memory_space<vmem>>
        %dma_start3A_110 = arith.constant 0 : i32
        %dma_start3A_111 = arith.constant 0 : i32
        %dma_start3A_112 = tpu.memref_slice %arg20[%dma_start3A_110, %dma_start3A_111] : memref<10112x64xf32, #tpu.memory_space<vmem_shared>> -> memref<10112x64xf32, #tpu.memory_space<vmem_shared>>
        tpu.enqueue_indirect_dma source(%arg11 : memref<128x64xf32, #tpu.memory_space<vmem>>) target(%dma_start3A_112 : memref<10112x64xf32, #tpu.memory_space<vmem_shared>>) offsets(%dma_start3A_109 : memref<128xi32, #tpu.memory_space<vmem>>) semaphore(%arg19 : memref<!tpu.dma_semaphore, #tpu.memory_space<semaphore_mem>>) {add = true}
        %add3A_113 = arith.constant 0 : i32
        %add3A_114 = arith.addi %mul3A_57, %add3A_113 : i32
        %dma_wait3A_115 = arith.constant 0 : i32
        %dma_wait3A_116 = tpu.memref_slice %arg7[%add3A_114, %dma_wait3A_115] : memref<16x128xi32, #tpu.memory_space<vmem>> -> memref<1x128xi32, #tpu.memory_space<vmem>>
        %dma_wait3A_117 = tpu.memref_squeeze %dma_wait3A_116 : memref<1x128xi32, #tpu.memory_space<vmem>> -> memref<128xi32, #tpu.memory_space<vmem>>
        %dma_wait3A_118 = arith.constant 0 : i32
        %dma_wait3A_119 = arith.constant 0 : i32
        %dma_wait3A_120 = tpu.memref_slice %arg20[%dma_wait3A_118, %dma_wait3A_119] : memref<10112x64xf32, #tpu.memory_space<vmem_shared>> -> memref<10112x64xf32, #tpu.memory_space<vmem_shared>>
        tpu.wait_indirect_dma semaphore(%arg16 : memref<!tpu.dma_semaphore, #tpu.memory_space<semaphore_mem>>) src(%arg8 : memref<128x64xf32, #tpu.memory_space<vmem>>) dst(%dma_wait3A_120 : memref<10112x64xf32, #tpu.memory_space<vmem_shared>>)
        %add3A_121 = arith.constant 4 : i32
        %add3A_122 = arith.addi %add3A_114, %add3A_121 : i32
        %lt3A = arith.constant 16 : i32
        %lt3A_123 = arith.cmpi slt, %add3A_122, %lt3A : i32
        %convert_element_type3A = arith.extui %lt3A_123 : i1 to i32
        %cond3A = arith.constant 0 : i32
        %cond3A_124 = arith.cmpi ne, %convert_element_type3A, %cond3A : i32
        scf.if %cond3A_124 {
          %dma_start3A_170 = arith.constant 0 : i32
          %dma_start3A_171 = tpu.memref_slice %arg6[%add3A_122, %dma_start3A_170] : memref<16x128xi32, #tpu.memory_space<vmem>> -> memref<1x128xi32, #tpu.memory_space<vmem>>
          %dma_start3A_172 = tpu.memref_squeeze %dma_start3A_171 : memref<1x128xi32, #tpu.memory_space<vmem>> -> memref<128xi32, #tpu.memory_space<vmem>>
          %dma_start3A_173 = arith.constant 0 : i32
          %dma_start3A_174 = arith.constant 0 : i32
          %dma_start3A_175 = tpu.memref_slice %arg2[%dma_start3A_173, %dma_start3A_174] : memref<20224x64xf32, #tpu.memory_space<hbm>> -> memref<20224x64xf32, #tpu.memory_space<hbm>>
          tpu.enqueue_indirect_dma source(%dma_start3A_175 : memref<20224x64xf32, #tpu.memory_space<hbm>>) target(%arg8 : memref<128x64xf32, #tpu.memory_space<vmem>>) offsets(%dma_start3A_172 : memref<128xi32, #tpu.memory_space<vmem>>) semaphore(%arg12 : memref<!tpu.dma_semaphore, #tpu.memory_space<semaphore_mem>>)
        } else {
        }
        %add3A_125 = arith.constant 1 : i32
        %add3A_126 = arith.addi %mul3A_57, %add3A_125 : i32
        %dma_wait3A_127 = arith.constant 0 : i32
        %dma_wait3A_128 = tpu.memref_slice %arg7[%add3A_126, %dma_wait3A_127] : memref<16x128xi32, #tpu.memory_space<vmem>> -> memref<1x128xi32, #tpu.memory_space<vmem>>
        %dma_wait3A_129 = tpu.memref_squeeze %dma_wait3A_128 : memref<1x128xi32, #tpu.memory_space<vmem>> -> memref<128xi32, #tpu.memory_space<vmem>>
        %dma_wait3A_130 = arith.constant 0 : i32
        %dma_wait3A_131 = arith.constant 0 : i32
        %dma_wait3A_132 = tpu.memref_slice %arg20[%dma_wait3A_130, %dma_wait3A_131] : memref<10112x64xf32, #tpu.memory_space<vmem_shared>> -> memref<10112x64xf32, #tpu.memory_space<vmem_shared>>
        tpu.wait_indirect_dma semaphore(%arg17 : memref<!tpu.dma_semaphore, #tpu.memory_space<semaphore_mem>>) src(%arg9 : memref<128x64xf32, #tpu.memory_space<vmem>>) dst(%dma_wait3A_132 : memref<10112x64xf32, #tpu.memory_space<vmem_shared>>)
        %add3A_133 = arith.constant 4 : i32
        %add3A_134 = arith.addi %add3A_126, %add3A_133 : i32
        %lt3A_135 = arith.constant 16 : i32
        %lt3A_136 = arith.cmpi slt, %add3A_134, %lt3A_135 : i32
        %convert_element_type3A_137 = arith.extui %lt3A_136 : i1 to i32
        %cond3A_138 = arith.constant 0 : i32
        %cond3A_139 = arith.cmpi ne, %convert_element_type3A_137, %cond3A_138 : i32
        scf.if %cond3A_139 {
          %dma_start3A_170 = arith.constant 0 : i32
          %dma_start3A_171 = tpu.memref_slice %arg6[%add3A_134, %dma_start3A_170] : memref<16x128xi32, #tpu.memory_space<vmem>> -> memref<1x128xi32, #tpu.memory_space<vmem>>
          %dma_start3A_172 = tpu.memref_squeeze %dma_start3A_171 : memref<1x128xi32, #tpu.memory_space<vmem>> -> memref<128xi32, #tpu.memory_space<vmem>>
          %dma_start3A_173 = arith.constant 0 : i32
          %dma_start3A_174 = arith.constant 0 : i32
          %dma_start3A_175 = tpu.memref_slice %arg2[%dma_start3A_173, %dma_start3A_174] : memref<20224x64xf32, #tpu.memory_space<hbm>> -> memref<20224x64xf32, #tpu.memory_space<hbm>>
          tpu.enqueue_indirect_dma source(%dma_start3A_175 : memref<20224x64xf32, #tpu.memory_space<hbm>>) target(%arg9 : memref<128x64xf32, #tpu.memory_space<vmem>>) offsets(%dma_start3A_172 : memref<128xi32, #tpu.memory_space<vmem>>) semaphore(%arg13 : memref<!tpu.dma_semaphore, #tpu.memory_space<semaphore_mem>>)
        } else {
        }
        %add3A_140 = arith.constant 2 : i32
        %add3A_141 = arith.addi %mul3A_57, %add3A_140 : i32
        %dma_wait3A_142 = arith.constant 0 : i32
        %dma_wait3A_143 = tpu.memref_slice %arg7[%add3A_141, %dma_wait3A_142] : memref<16x128xi32, #tpu.memory_space<vmem>> -> memref<1x128xi32, #tpu.memory_space<vmem>>
        %dma_wait3A_144 = tpu.memref_squeeze %dma_wait3A_143 : memref<1x128xi32, #tpu.memory_space<vmem>> -> memref<128xi32, #tpu.memory_space<vmem>>
        %dma_wait3A_145 = arith.constant 0 : i32
        %dma_wait3A_146 = arith.constant 0 : i32
        %dma_wait3A_147 = tpu.memref_slice %arg20[%dma_wait3A_145, %dma_wait3A_146] : memref<10112x64xf32, #tpu.memory_space<vmem_shared>> -> memref<10112x64xf32, #tpu.memory_space<vmem_shared>>
        tpu.wait_indirect_dma semaphore(%arg18 : memref<!tpu.dma_semaphore, #tpu.memory_space<semaphore_mem>>) src(%arg10 : memref<128x64xf32, #tpu.memory_space<vmem>>) dst(%dma_wait3A_147 : memref<10112x64xf32, #tpu.memory_space<vmem_shared>>)
        %add3A_148 = arith.constant 4 : i32
        %add3A_149 = arith.addi %add3A_141, %add3A_148 : i32
        %lt3A_150 = arith.constant 16 : i32
        %lt3A_151 = arith.cmpi slt, %add3A_149, %lt3A_150 : i32
        %convert_element_type3A_152 = arith.extui %lt3A_151 : i1 to i32
        %cond3A_153 = arith.constant 0 : i32
        %cond3A_154 = arith.cmpi ne, %convert_element_type3A_152, %cond3A_153 : i32
        scf.if %cond3A_154 {
          %dma_start3A_170 = arith.constant 0 : i32
          %dma_start3A_171 = tpu.memref_slice %arg6[%add3A_149, %dma_start3A_170] : memref<16x128xi32, #tpu.memory_space<vmem>> -> memref<1x128xi32, #tpu.memory_space<vmem>>
          %dma_start3A_172 = tpu.memref_squeeze %dma_start3A_171 : memref<1x128xi32, #tpu.memory_space<vmem>> -> memref<128xi32, #tpu.memory_space<vmem>>
          %dma_start3A_173 = arith.constant 0 : i32
          %dma_start3A_174 = arith.constant 0 : i32
          %dma_start3A_175 = tpu.memref_slice %arg2[%dma_start3A_173, %dma_start3A_174] : memref<20224x64xf32, #tpu.memory_space<hbm>> -> memref<20224x64xf32, #tpu.memory_space<hbm>>
          tpu.enqueue_indirect_dma source(%dma_start3A_175 : memref<20224x64xf32, #tpu.memory_space<hbm>>) target(%arg10 : memref<128x64xf32, #tpu.memory_space<vmem>>) offsets(%dma_start3A_172 : memref<128xi32, #tpu.memory_space<vmem>>) semaphore(%arg14 : memref<!tpu.dma_semaphore, #tpu.memory_space<semaphore_mem>>)
        } else {
        }
        %add3A_155 = arith.constant 3 : i32
        %add3A_156 = arith.addi %mul3A_57, %add3A_155 : i32
        %dma_wait3A_157 = arith.constant 0 : i32
        %dma_wait3A_158 = tpu.memref_slice %arg7[%add3A_156, %dma_wait3A_157] : memref<16x128xi32, #tpu.memory_space<vmem>> -> memref<1x128xi32, #tpu.memory_space<vmem>>
        %dma_wait3A_159 = tpu.memref_squeeze %dma_wait3A_158 : memref<1x128xi32, #tpu.memory_space<vmem>> -> memref<128xi32, #tpu.memory_space<vmem>>
        %dma_wait3A_160 = arith.constant 0 : i32
        %dma_wait3A_161 = arith.constant 0 : i32
        %dma_wait3A_162 = tpu.memref_slice %arg20[%dma_wait3A_160, %dma_wait3A_161] : memref<10112x64xf32, #tpu.memory_space<vmem_shared>> -> memref<10112x64xf32, #tpu.memory_space<vmem_shared>>
        tpu.wait_indirect_dma semaphore(%arg19 : memref<!tpu.dma_semaphore, #tpu.memory_space<semaphore_mem>>) src(%arg11 : memref<128x64xf32, #tpu.memory_space<vmem>>) dst(%dma_wait3A_162 : memref<10112x64xf32, #tpu.memory_space<vmem_shared>>)
        %add3A_163 = arith.constant 4 : i32
        %add3A_164 = arith.addi %add3A_156, %add3A_163 : i32
        %lt3A_165 = arith.constant 16 : i32
        %lt3A_166 = arith.cmpi slt, %add3A_164, %lt3A_165 : i32
        %convert_element_type3A_167 = arith.extui %lt3A_166 : i1 to i32
        %cond3A_168 = arith.constant 0 : i32
        %cond3A_169 = arith.cmpi ne, %convert_element_type3A_167, %cond3A_168 : i32
        scf.if %cond3A_169 {
          %dma_start3A_170 = arith.constant 0 : i32
          %dma_start3A_171 = tpu.memref_slice %arg6[%add3A_164, %dma_start3A_170] : memref<16x128xi32, #tpu.memory_space<vmem>> -> memref<1x128xi32, #tpu.memory_space<vmem>>
          %dma_start3A_172 = tpu.memref_squeeze %dma_start3A_171 : memref<1x128xi32, #tpu.memory_space<vmem>> -> memref<128xi32, #tpu.memory_space<vmem>>
          %dma_start3A_173 = arith.constant 0 : i32
          %dma_start3A_174 = arith.constant 0 : i32
          %dma_start3A_175 = tpu.memref_slice %arg2[%dma_start3A_173, %dma_start3A_174] : memref<20224x64xf32, #tpu.memory_space<hbm>> -> memref<20224x64xf32, #tpu.memory_space<hbm>>
          tpu.enqueue_indirect_dma source(%dma_start3A_175 : memref<20224x64xf32, #tpu.memory_space<hbm>>) target(%arg11 : memref<128x64xf32, #tpu.memory_space<vmem>>) offsets(%dma_start3A_172 : memref<128xi32, #tpu.memory_space<vmem>>) semaphore(%arg15 : memref<!tpu.dma_semaphore, #tpu.memory_space<semaphore_mem>>)
        } else {
        }
      }
      %scan3A_54 = arith.constant 4 : i32
    }
    %scan3A_11 = arith.constant 5 : i32
    %barrier3A_12 = arith.constant 0 : index
    tpu.barrier barrier_id(%barrier3A_12)
    %mul3A_13 = arith.constant 632 : i32
    %mul3A_14 = arith.muli %arg1, %mul3A_13 : i32
    %mul3A_15 = arith.constant 632 : i32
    %mul3A_16 = arith.muli %arg1, %mul3A_15 : i32
    "tpu.region"() ({
      %run_scoped3A = tpu.sem_alloc : memref<!tpu.dma_semaphore, #tpu.memory_space<semaphore_mem>>
      %dma_start3A = arith.constant 0 : i32
      %dma_start3A_17 = tpu.memref_slice %arg5[%arg0, %mul3A_16, %dma_start3A] : memref<2x10112x64xf32, #tpu.memory_space<hbm>> -> memref<1x632x64xf32, #tpu.memory_space<hbm>>
      %dma_start3A_18 = tpu.memref_squeeze %dma_start3A_17 : memref<1x632x64xf32, #tpu.memory_space<hbm>> -> memref<632x64xf32, #tpu.memory_space<hbm>>
      %dma_start3A_19 = arith.constant 0 : i32
      %dma_start3A_20 = tpu.memref_slice %arg20[%mul3A_14, %dma_start3A_19] : memref<10112x64xf32, #tpu.memory_space<vmem_shared>> -> memref<632x64xf32, #tpu.memory_space<vmem_shared>>
      tpu.enqueue_dma source(%dma_start3A_20 : memref<632x64xf32, #tpu.memory_space<vmem_shared>>) target(%dma_start3A_18 : memref<632x64xf32, #tpu.memory_space<hbm>>) target_semaphore(%run_scoped3A : memref<!tpu.dma_semaphore, #tpu.memory_space<semaphore_mem>>)
      %dma_wait3A = arith.constant 0 : i32
      %dma_wait3A_21 = tpu.memref_slice %arg5[%arg0, %mul3A_16, %dma_wait3A] : memref<2x10112x64xf32, #tpu.memory_space<hbm>> -> memref<1x632x64xf32, #tpu.memory_space<hbm>>
      %dma_wait3A_22 = tpu.memref_squeeze %dma_wait3A_21 : memref<1x632x64xf32, #tpu.memory_space<hbm>> -> memref<632x64xf32, #tpu.memory_space<hbm>>
      %dma_wait3A_23 = arith.constant 0 : i32
      %dma_wait3A_24 = tpu.memref_slice %arg20[%mul3A_14, %dma_wait3A_23] : memref<10112x64xf32, #tpu.memory_space<vmem_shared>> -> memref<632x64xf32, #tpu.memory_space<vmem_shared>>
      tpu.wait_dma2 semaphore(%run_scoped3A : memref<!tpu.dma_semaphore, #tpu.memory_space<semaphore_mem>>) src(%dma_wait3A_24 : memref<632x64xf32, #tpu.memory_space<vmem_shared>>) dst(%dma_wait3A_22 : memref<632x64xf32, #tpu.memory_space<hbm>>)
      tpu.yield
    }) : () -> ()
    return
  }
}

#map = affine_map<(d0, d1) -> (0, 0)>
#map1 = affine_map<(d0, d1) -> (0, 0, 0)>
module attributes {stable_mosaic.version = 14 : i64} {
  func.func @body(%arg0: i32, %arg1: i32, %arg2: memref<20224x128xf32, #tpu.memory_space<hbm>>, %arg3: memref<2560x128xi32, #tpu.memory_space<hbm>>, %arg4: memref<2560x128xi32, #tpu.memory_space<hbm>>, %arg5: memref<2x10112x128xf32, #tpu.memory_space<hbm>>, %arg6: memref<16x128xi32, #tpu.memory_space<vmem>>, %arg7: memref<16x128xi32, #tpu.memory_space<vmem>>, %arg8: memref<128x128xf32, #tpu.memory_space<vmem>>, %arg9: memref<128x128xf32, #tpu.memory_space<vmem>>, %arg10: memref<!tpu.dma_semaphore, #tpu.memory_space<semaphore_mem>>, %arg11: memref<!tpu.dma_semaphore, #tpu.memory_space<semaphore_mem>>, %arg12: memref<!tpu.dma_semaphore, #tpu.memory_space<semaphore_mem>>, %arg13: memref<!tpu.dma_semaphore, #tpu.memory_space<semaphore_mem>>, %arg14: memref<10112x128xf32, #tpu.memory_space<vmem_shared>>) attributes {dimension_semantics = [#tpu.dimension_semantics<core_parallel>, #tpu.dimension_semantics<subcore_parallel>], iteration_bounds = array<i64: 2, 16>, scalar_prefetch = 0 : i64, scratch_operands = 9 : i64, tpu.core_type = #tpu.core_type<sc_vector_subcore>, window_params = [{transform_indices = #map}, {transform_indices = #map}, {transform_indices = #map}, {transform_indices = #map1}]} {
    %mul3A = arith.constant 16 : i32
    %mul3A_0 = arith.muli %arg0, %mul3A : i32
    %add3A = arith.addi %mul3A_0, %arg1 : i32
    %mul3A_1 = arith.constant 10112 : i32
    %mul3A_2 = arith.muli %arg0, %mul3A_1 : i32
    %mul3A_3 = arith.constant 632 : i32
    %mul3A_4 = arith.muli %arg1, %mul3A_3 : i32
    %add3A_5 = arith.addi %mul3A_2, %mul3A_4 : i32
    %mul3A_6 = arith.constant 632 : i32
    %mul3A_7 = arith.muli %arg1, %mul3A_6 : i32
    "tpu.region"() ({
      %run_scoped3A = tpu.sem_alloc : memref<!tpu.dma_semaphore, #tpu.memory_space<semaphore_mem>>
      %dma_start3A = arith.constant 0 : i32
      %dma_start3A_17 = tpu.memref_slice %arg14[%mul3A_7, %dma_start3A] : memref<10112x128xf32, #tpu.memory_space<vmem_shared>> -> memref<632x128xf32, #tpu.memory_space<vmem_shared>>
      %dma_start3A_18 = arith.constant 0 : i32
      %dma_start3A_19 = tpu.memref_slice %arg2[%add3A_5, %dma_start3A_18] : memref<20224x128xf32, #tpu.memory_space<hbm>> -> memref<632x128xf32, #tpu.memory_space<hbm>>
      tpu.enqueue_dma source(%dma_start3A_19 : memref<632x128xf32, #tpu.memory_space<hbm>>) target(%dma_start3A_17 : memref<632x128xf32, #tpu.memory_space<vmem_shared>>) target_semaphore(%run_scoped3A : memref<!tpu.dma_semaphore, #tpu.memory_space<semaphore_mem>>)
      %dma_wait3A = arith.constant 0 : i32
      %dma_wait3A_20 = tpu.memref_slice %arg14[%mul3A_7, %dma_wait3A] : memref<10112x128xf32, #tpu.memory_space<vmem_shared>> -> memref<632x128xf32, #tpu.memory_space<vmem_shared>>
      %dma_wait3A_21 = arith.constant 0 : i32
      %dma_wait3A_22 = tpu.memref_slice %arg2[%add3A_5, %dma_wait3A_21] : memref<20224x128xf32, #tpu.memory_space<hbm>> -> memref<632x128xf32, #tpu.memory_space<hbm>>
      tpu.wait_dma2 semaphore(%run_scoped3A : memref<!tpu.dma_semaphore, #tpu.memory_space<semaphore_mem>>) src(%dma_wait3A_22 : memref<632x128xf32, #tpu.memory_space<hbm>>) dst(%dma_wait3A_20 : memref<632x128xf32, #tpu.memory_space<vmem_shared>>)
      tpu.yield
    }) : () -> ()
    %barrier3A = arith.constant 0 : index
    tpu.barrier barrier_id(%barrier3A)
    %scan3A = arith.constant 0 : i32
    %scan3A_8 = arith.constant 5 : i32
    %scan3A_9 = arith.addi %scan3A, %scan3A_8 : i32
    %scan3A_10 = arith.constant 1 : i32
    scf.for %scan3A_17 = %scan3A to %scan3A_9 step %scan3A_10  : i32 {
      %mul3A_18 = arith.constant 80 : i32
      %mul3A_19 = arith.muli %add3A, %mul3A_18 : i32
      %mul3A_20 = arith.constant 16 : i32
      %mul3A_21 = arith.muli %scan3A_17, %mul3A_20 : i32
      %add3A_22 = arith.addi %mul3A_19, %mul3A_21 : i32
      "tpu.region"() ({
        %run_scoped3A = tpu.sem_alloc : memref<!tpu.dma_semaphore, #tpu.memory_space<semaphore_mem>>
        %dma_start3A_41 = arith.constant 0 : i32
        %dma_start3A_42 = tpu.memref_slice %arg3[%add3A_22, %dma_start3A_41] : memref<2560x128xi32, #tpu.memory_space<hbm>> -> memref<16x128xi32, #tpu.memory_space<hbm>>
        %dma_start3A_43 = arith.constant 0 : i32
        %dma_start3A_44 = tpu.memref_slice %arg3[%add3A_22, %dma_start3A_43] : memref<2560x128xi32, #tpu.memory_space<hbm>> -> memref<16x128xi32, #tpu.memory_space<hbm>>
        tpu.enqueue_dma source(%dma_start3A_44 : memref<16x128xi32, #tpu.memory_space<hbm>>) target(%arg6 : memref<16x128xi32, #tpu.memory_space<vmem>>) target_semaphore(%run_scoped3A : memref<!tpu.dma_semaphore, #tpu.memory_space<semaphore_mem>>)
        %dma_wait3A = arith.constant 0 : i32
        %dma_wait3A_45 = tpu.memref_slice %arg3[%add3A_22, %dma_wait3A] : memref<2560x128xi32, #tpu.memory_space<hbm>> -> memref<16x128xi32, #tpu.memory_space<hbm>>
        %dma_wait3A_46 = arith.constant 0 : i32
        %dma_wait3A_47 = tpu.memref_slice %arg3[%add3A_22, %dma_wait3A_46] : memref<2560x128xi32, #tpu.memory_space<hbm>> -> memref<16x128xi32, #tpu.memory_space<hbm>>
        tpu.wait_dma2 semaphore(%run_scoped3A : memref<!tpu.dma_semaphore, #tpu.memory_space<semaphore_mem>>) src(%dma_wait3A_47 : memref<16x128xi32, #tpu.memory_space<hbm>>) dst(%arg6 : memref<16x128xi32, #tpu.memory_space<vmem>>)
        tpu.yield
      }) : () -> ()
      "tpu.region"() ({
        %run_scoped3A = tpu.sem_alloc : memref<!tpu.dma_semaphore, #tpu.memory_space<semaphore_mem>>
        %dma_start3A_41 = arith.constant 0 : i32
        %dma_start3A_42 = tpu.memref_slice %arg4[%add3A_22, %dma_start3A_41] : memref<2560x128xi32, #tpu.memory_space<hbm>> -> memref<16x128xi32, #tpu.memory_space<hbm>>
        %dma_start3A_43 = arith.constant 0 : i32
        %dma_start3A_44 = tpu.memref_slice %arg4[%add3A_22, %dma_start3A_43] : memref<2560x128xi32, #tpu.memory_space<hbm>> -> memref<16x128xi32, #tpu.memory_space<hbm>>
        tpu.enqueue_dma source(%dma_start3A_44 : memref<16x128xi32, #tpu.memory_space<hbm>>) target(%arg7 : memref<16x128xi32, #tpu.memory_space<vmem>>) target_semaphore(%run_scoped3A : memref<!tpu.dma_semaphore, #tpu.memory_space<semaphore_mem>>)
        %dma_wait3A = arith.constant 0 : i32
        %dma_wait3A_45 = tpu.memref_slice %arg4[%add3A_22, %dma_wait3A] : memref<2560x128xi32, #tpu.memory_space<hbm>> -> memref<16x128xi32, #tpu.memory_space<hbm>>
        %dma_wait3A_46 = arith.constant 0 : i32
        %dma_wait3A_47 = tpu.memref_slice %arg4[%add3A_22, %dma_wait3A_46] : memref<2560x128xi32, #tpu.memory_space<hbm>> -> memref<16x128xi32, #tpu.memory_space<hbm>>
        tpu.wait_dma2 semaphore(%run_scoped3A : memref<!tpu.dma_semaphore, #tpu.memory_space<semaphore_mem>>) src(%dma_wait3A_47 : memref<16x128xi32, #tpu.memory_space<hbm>>) dst(%arg7 : memref<16x128xi32, #tpu.memory_space<vmem>>)
        tpu.yield
      }) : () -> ()
      %dma_start3A = arith.constant 0 : i32
      %dma_start3A_23 = arith.constant 0 : i32
      %dma_start3A_24 = tpu.memref_slice %arg6[%dma_start3A, %dma_start3A_23] : memref<16x128xi32, #tpu.memory_space<vmem>> -> memref<1x128xi32, #tpu.memory_space<vmem>>
      %dma_start3A_25 = tpu.memref_squeeze %dma_start3A_24 : memref<1x128xi32, #tpu.memory_space<vmem>> -> memref<128xi32, #tpu.memory_space<vmem>>
      %dma_start3A_26 = arith.constant 0 : i32
      %dma_start3A_27 = arith.constant 0 : i32
      %dma_start3A_28 = tpu.memref_slice %arg2[%dma_start3A_26, %dma_start3A_27] : memref<20224x128xf32, #tpu.memory_space<hbm>> -> memref<20224x128xf32, #tpu.memory_space<hbm>>
      tpu.enqueue_indirect_dma source(%dma_start3A_28 : memref<20224x128xf32, #tpu.memory_space<hbm>>) target(%arg8 : memref<128x128xf32, #tpu.memory_space<vmem>>) offsets(%dma_start3A_25 : memref<128xi32, #tpu.memory_space<vmem>>) semaphore(%arg10 : memref<!tpu.dma_semaphore, #tpu.memory_space<semaphore_mem>>)
      %dma_start3A_29 = arith.constant 1 : i32
      %dma_start3A_30 = arith.constant 0 : i32
      %dma_start3A_31 = tpu.memref_slice %arg6[%dma_start3A_29, %dma_start3A_30] : memref<16x128xi32, #tpu.memory_space<vmem>> -> memref<1x128xi32, #tpu.memory_space<vmem>>
      %dma_start3A_32 = tpu.memref_squeeze %dma_start3A_31 : memref<1x128xi32, #tpu.memory_space<vmem>> -> memref<128xi32, #tpu.memory_space<vmem>>
      %dma_start3A_33 = arith.constant 0 : i32
      %dma_start3A_34 = arith.constant 0 : i32
      %dma_start3A_35 = tpu.memref_slice %arg2[%dma_start3A_33, %dma_start3A_34] : memref<20224x128xf32, #tpu.memory_space<hbm>> -> memref<20224x128xf32, #tpu.memory_space<hbm>>
      tpu.enqueue_indirect_dma source(%dma_start3A_35 : memref<20224x128xf32, #tpu.memory_space<hbm>>) target(%arg9 : memref<128x128xf32, #tpu.memory_space<vmem>>) offsets(%dma_start3A_32 : memref<128xi32, #tpu.memory_space<vmem>>) semaphore(%arg11 : memref<!tpu.dma_semaphore, #tpu.memory_space<semaphore_mem>>)
      %scan3A_36 = arith.constant 0 : i32
      %scan3A_37 = arith.constant 8 : i32
      %scan3A_38 = arith.addi %scan3A_36, %scan3A_37 : i32
      %scan3A_39 = arith.constant 1 : i32
      scf.for %scan3A_41 = %scan3A_36 to %scan3A_38 step %scan3A_39  : i32 {
        %mul3A_42 = arith.constant 2 : i32
        %mul3A_43 = arith.muli %scan3A_41, %mul3A_42 : i32
        %add3A_44 = arith.constant 0 : i32
        %add3A_45 = arith.addi %mul3A_43, %add3A_44 : i32
        %dma_wait3A = arith.constant 0 : i32
        %dma_wait3A_46 = tpu.memref_slice %arg6[%add3A_45, %dma_wait3A] : memref<16x128xi32, #tpu.memory_space<vmem>> -> memref<1x128xi32, #tpu.memory_space<vmem>>
        %dma_wait3A_47 = tpu.memref_squeeze %dma_wait3A_46 : memref<1x128xi32, #tpu.memory_space<vmem>> -> memref<128xi32, #tpu.memory_space<vmem>>
        %dma_wait3A_48 = arith.constant 0 : i32
        %dma_wait3A_49 = arith.constant 0 : i32
        %dma_wait3A_50 = tpu.memref_slice %arg2[%dma_wait3A_48, %dma_wait3A_49] : memref<20224x128xf32, #tpu.memory_space<hbm>> -> memref<20224x128xf32, #tpu.memory_space<hbm>>
        tpu.wait_indirect_dma semaphore(%arg10 : memref<!tpu.dma_semaphore, #tpu.memory_space<semaphore_mem>>) src(%dma_wait3A_50 : memref<20224x128xf32, #tpu.memory_space<hbm>>) dst(%arg8 : memref<128x128xf32, #tpu.memory_space<vmem>>)
        %dma_start3A_51 = arith.constant 0 : i32
        %dma_start3A_52 = tpu.memref_slice %arg7[%add3A_45, %dma_start3A_51] : memref<16x128xi32, #tpu.memory_space<vmem>> -> memref<1x128xi32, #tpu.memory_space<vmem>>
        %dma_start3A_53 = tpu.memref_squeeze %dma_start3A_52 : memref<1x128xi32, #tpu.memory_space<vmem>> -> memref<128xi32, #tpu.memory_space<vmem>>
        %dma_start3A_54 = arith.constant 0 : i32
        %dma_start3A_55 = arith.constant 0 : i32
        %dma_start3A_56 = tpu.memref_slice %arg14[%dma_start3A_54, %dma_start3A_55] : memref<10112x128xf32, #tpu.memory_space<vmem_shared>> -> memref<10112x128xf32, #tpu.memory_space<vmem_shared>>
        tpu.enqueue_indirect_dma source(%arg8 : memref<128x128xf32, #tpu.memory_space<vmem>>) target(%dma_start3A_56 : memref<10112x128xf32, #tpu.memory_space<vmem_shared>>) offsets(%dma_start3A_53 : memref<128xi32, #tpu.memory_space<vmem>>) semaphore(%arg12 : memref<!tpu.dma_semaphore, #tpu.memory_space<semaphore_mem>>) {add = true}
        %add3A_57 = arith.constant 1 : i32
        %add3A_58 = arith.addi %mul3A_43, %add3A_57 : i32
        %dma_wait3A_59 = arith.constant 0 : i32
        %dma_wait3A_60 = tpu.memref_slice %arg6[%add3A_58, %dma_wait3A_59] : memref<16x128xi32, #tpu.memory_space<vmem>> -> memref<1x128xi32, #tpu.memory_space<vmem>>
        %dma_wait3A_61 = tpu.memref_squeeze %dma_wait3A_60 : memref<1x128xi32, #tpu.memory_space<vmem>> -> memref<128xi32, #tpu.memory_space<vmem>>
        %dma_wait3A_62 = arith.constant 0 : i32
        %dma_wait3A_63 = arith.constant 0 : i32
        %dma_wait3A_64 = tpu.memref_slice %arg2[%dma_wait3A_62, %dma_wait3A_63] : memref<20224x128xf32, #tpu.memory_space<hbm>> -> memref<20224x128xf32, #tpu.memory_space<hbm>>
        tpu.wait_indirect_dma semaphore(%arg11 : memref<!tpu.dma_semaphore, #tpu.memory_space<semaphore_mem>>) src(%dma_wait3A_64 : memref<20224x128xf32, #tpu.memory_space<hbm>>) dst(%arg9 : memref<128x128xf32, #tpu.memory_space<vmem>>)
        %dma_start3A_65 = arith.constant 0 : i32
        %dma_start3A_66 = tpu.memref_slice %arg7[%add3A_58, %dma_start3A_65] : memref<16x128xi32, #tpu.memory_space<vmem>> -> memref<1x128xi32, #tpu.memory_space<vmem>>
        %dma_start3A_67 = tpu.memref_squeeze %dma_start3A_66 : memref<1x128xi32, #tpu.memory_space<vmem>> -> memref<128xi32, #tpu.memory_space<vmem>>
        %dma_start3A_68 = arith.constant 0 : i32
        %dma_start3A_69 = arith.constant 0 : i32
        %dma_start3A_70 = tpu.memref_slice %arg14[%dma_start3A_68, %dma_start3A_69] : memref<10112x128xf32, #tpu.memory_space<vmem_shared>> -> memref<10112x128xf32, #tpu.memory_space<vmem_shared>>
        tpu.enqueue_indirect_dma source(%arg9 : memref<128x128xf32, #tpu.memory_space<vmem>>) target(%dma_start3A_70 : memref<10112x128xf32, #tpu.memory_space<vmem_shared>>) offsets(%dma_start3A_67 : memref<128xi32, #tpu.memory_space<vmem>>) semaphore(%arg13 : memref<!tpu.dma_semaphore, #tpu.memory_space<semaphore_mem>>) {add = true}
        %add3A_71 = arith.constant 0 : i32
        %add3A_72 = arith.addi %mul3A_43, %add3A_71 : i32
        %dma_wait3A_73 = arith.constant 0 : i32
        %dma_wait3A_74 = tpu.memref_slice %arg7[%add3A_72, %dma_wait3A_73] : memref<16x128xi32, #tpu.memory_space<vmem>> -> memref<1x128xi32, #tpu.memory_space<vmem>>
        %dma_wait3A_75 = tpu.memref_squeeze %dma_wait3A_74 : memref<1x128xi32, #tpu.memory_space<vmem>> -> memref<128xi32, #tpu.memory_space<vmem>>
        %dma_wait3A_76 = arith.constant 0 : i32
        %dma_wait3A_77 = arith.constant 0 : i32
        %dma_wait3A_78 = tpu.memref_slice %arg14[%dma_wait3A_76, %dma_wait3A_77] : memref<10112x128xf32, #tpu.memory_space<vmem_shared>> -> memref<10112x128xf32, #tpu.memory_space<vmem_shared>>
        tpu.wait_indirect_dma semaphore(%arg12 : memref<!tpu.dma_semaphore, #tpu.memory_space<semaphore_mem>>) src(%arg8 : memref<128x128xf32, #tpu.memory_space<vmem>>) dst(%dma_wait3A_78 : memref<10112x128xf32, #tpu.memory_space<vmem_shared>>)
        %add3A_79 = arith.constant 2 : i32
        %add3A_80 = arith.addi %add3A_72, %add3A_79 : i32
        %lt3A = arith.constant 16 : i32
        %lt3A_81 = arith.cmpi slt, %add3A_80, %lt3A : i32
        %convert_element_type3A = arith.extui %lt3A_81 : i1 to i32
        %cond3A = arith.constant 0 : i32
        %cond3A_82 = arith.cmpi ne, %convert_element_type3A, %cond3A : i32
        scf.if %cond3A_82 {
          %dma_start3A_98 = arith.constant 0 : i32
          %dma_start3A_99 = tpu.memref_slice %arg6[%add3A_80, %dma_start3A_98] : memref<16x128xi32, #tpu.memory_space<vmem>> -> memref<1x128xi32, #tpu.memory_space<vmem>>
          %dma_start3A_100 = tpu.memref_squeeze %dma_start3A_99 : memref<1x128xi32, #tpu.memory_space<vmem>> -> memref<128xi32, #tpu.memory_space<vmem>>
          %dma_start3A_101 = arith.constant 0 : i32
          %dma_start3A_102 = arith.constant 0 : i32
          %dma_start3A_103 = tpu.memref_slice %arg2[%dma_start3A_101, %dma_start3A_102] : memref<20224x128xf32, #tpu.memory_space<hbm>> -> memref<20224x128xf32, #tpu.memory_space<hbm>>
          tpu.enqueue_indirect_dma source(%dma_start3A_103 : memref<20224x128xf32, #tpu.memory_space<hbm>>) target(%arg8 : memref<128x128xf32, #tpu.memory_space<vmem>>) offsets(%dma_start3A_100 : memref<128xi32, #tpu.memory_space<vmem>>) semaphore(%arg10 : memref<!tpu.dma_semaphore, #tpu.memory_space<semaphore_mem>>)
        } else {
        }
        %add3A_83 = arith.constant 1 : i32
        %add3A_84 = arith.addi %mul3A_43, %add3A_83 : i32
        %dma_wait3A_85 = arith.constant 0 : i32
        %dma_wait3A_86 = tpu.memref_slice %arg7[%add3A_84, %dma_wait3A_85] : memref<16x128xi32, #tpu.memory_space<vmem>> -> memref<1x128xi32, #tpu.memory_space<vmem>>
        %dma_wait3A_87 = tpu.memref_squeeze %dma_wait3A_86 : memref<1x128xi32, #tpu.memory_space<vmem>> -> memref<128xi32, #tpu.memory_space<vmem>>
        %dma_wait3A_88 = arith.constant 0 : i32
        %dma_wait3A_89 = arith.constant 0 : i32
        %dma_wait3A_90 = tpu.memref_slice %arg14[%dma_wait3A_88, %dma_wait3A_89] : memref<10112x128xf32, #tpu.memory_space<vmem_shared>> -> memref<10112x128xf32, #tpu.memory_space<vmem_shared>>
        tpu.wait_indirect_dma semaphore(%arg13 : memref<!tpu.dma_semaphore, #tpu.memory_space<semaphore_mem>>) src(%arg9 : memref<128x128xf32, #tpu.memory_space<vmem>>) dst(%dma_wait3A_90 : memref<10112x128xf32, #tpu.memory_space<vmem_shared>>)
        %add3A_91 = arith.constant 2 : i32
        %add3A_92 = arith.addi %add3A_84, %add3A_91 : i32
        %lt3A_93 = arith.constant 16 : i32
        %lt3A_94 = arith.cmpi slt, %add3A_92, %lt3A_93 : i32
        %convert_element_type3A_95 = arith.extui %lt3A_94 : i1 to i32
        %cond3A_96 = arith.constant 0 : i32
        %cond3A_97 = arith.cmpi ne, %convert_element_type3A_95, %cond3A_96 : i32
        scf.if %cond3A_97 {
          %dma_start3A_98 = arith.constant 0 : i32
          %dma_start3A_99 = tpu.memref_slice %arg6[%add3A_92, %dma_start3A_98] : memref<16x128xi32, #tpu.memory_space<vmem>> -> memref<1x128xi32, #tpu.memory_space<vmem>>
          %dma_start3A_100 = tpu.memref_squeeze %dma_start3A_99 : memref<1x128xi32, #tpu.memory_space<vmem>> -> memref<128xi32, #tpu.memory_space<vmem>>
          %dma_start3A_101 = arith.constant 0 : i32
          %dma_start3A_102 = arith.constant 0 : i32
          %dma_start3A_103 = tpu.memref_slice %arg2[%dma_start3A_101, %dma_start3A_102] : memref<20224x128xf32, #tpu.memory_space<hbm>> -> memref<20224x128xf32, #tpu.memory_space<hbm>>
          tpu.enqueue_indirect_dma source(%dma_start3A_103 : memref<20224x128xf32, #tpu.memory_space<hbm>>) target(%arg9 : memref<128x128xf32, #tpu.memory_space<vmem>>) offsets(%dma_start3A_100 : memref<128xi32, #tpu.memory_space<vmem>>) semaphore(%arg11 : memref<!tpu.dma_semaphore, #tpu.memory_space<semaphore_mem>>)
        } else {
        }
      }
      %scan3A_40 = arith.constant 8 : i32
    }
    %scan3A_11 = arith.constant 5 : i32
    %barrier3A_12 = arith.constant 0 : index
    tpu.barrier barrier_id(%barrier3A_12)
    %mul3A_13 = arith.constant 632 : i32
    %mul3A_14 = arith.muli %arg1, %mul3A_13 : i32
    %mul3A_15 = arith.constant 632 : i32
    %mul3A_16 = arith.muli %arg1, %mul3A_15 : i32
    "tpu.region"() ({
      %run_scoped3A = tpu.sem_alloc : memref<!tpu.dma_semaphore, #tpu.memory_space<semaphore_mem>>
      %dma_start3A = arith.constant 0 : i32
      %dma_start3A_17 = tpu.memref_slice %arg5[%arg0, %mul3A_16, %dma_start3A] : memref<2x10112x128xf32, #tpu.memory_space<hbm>> -> memref<1x632x128xf32, #tpu.memory_space<hbm>>
      %dma_start3A_18 = tpu.memref_squeeze %dma_start3A_17 : memref<1x632x128xf32, #tpu.memory_space<hbm>> -> memref<632x128xf32, #tpu.memory_space<hbm>>
      %dma_start3A_19 = arith.constant 0 : i32
      %dma_start3A_20 = tpu.memref_slice %arg14[%mul3A_14, %dma_start3A_19] : memref<10112x128xf32, #tpu.memory_space<vmem_shared>> -> memref<632x128xf32, #tpu.memory_space<vmem_shared>>
      tpu.enqueue_dma source(%dma_start3A_20 : memref<632x128xf32, #tpu.memory_space<vmem_shared>>) target(%dma_start3A_18 : memref<632x128xf32, #tpu.memory_space<hbm>>) target_semaphore(%run_scoped3A : memref<!tpu.dma_semaphore, #tpu.memory_space<semaphore_mem>>)
      %dma_wait3A = arith.constant 0 : i32
      %dma_wait3A_21 = tpu.memref_slice %arg5[%arg0, %mul3A_16, %dma_wait3A] : memref<2x10112x128xf32, #tpu.memory_space<hbm>> -> memref<1x632x128xf32, #tpu.memory_space<hbm>>
      %dma_wait3A_22 = tpu.memref_squeeze %dma_wait3A_21 : memref<1x632x128xf32, #tpu.memory_space<hbm>> -> memref<632x128xf32, #tpu.memory_space<hbm>>
      %dma_wait3A_23 = arith.constant 0 : i32
      %dma_wait3A_24 = tpu.memref_slice %arg14[%mul3A_14, %dma_wait3A_23] : memref<10112x128xf32, #tpu.memory_space<vmem_shared>> -> memref<632x128xf32, #tpu.memory_space<vmem_shared>>
      tpu.wait_dma2 semaphore(%run_scoped3A : memref<!tpu.dma_semaphore, #tpu.memory_space<semaphore_mem>>) src(%dma_wait3A_24 : memref<632x128xf32, #tpu.memory_space<vmem_shared>>) dst(%dma_wait3A_22 : memref<632x128xf32, #tpu.memory_space<hbm>>)
      tpu.yield
    }) : () -> ()
    return
  }
}

#map = affine_map<(d0, d1) -> (0, 0)>
#map1 = affine_map<(d0, d1) -> (0, 0, 0)>
module attributes {stable_mosaic.version = 14 : i64} {
  func.func @_deg_body(%arg0: i32, %arg1: i32, %arg2: memref<2560x128xi32, #tpu.memory_space<hbm>>, %arg3: memref<128x16xf32, #tpu.memory_space<hbm>>, %arg4: memref<632x16xf32, #tpu.memory_space<hbm>>, %arg5: memref<2x10112x16xf32, #tpu.memory_space<hbm>>, %arg6: memref<80x128xi32, #tpu.memory_space<vmem>>, %arg7: memref<128x16xf32, #tpu.memory_space<vmem>>, %arg8: memref<10112x16xf32, #tpu.memory_space<vmem_shared>>) attributes {dimension_semantics = [#tpu.dimension_semantics<core_parallel>, #tpu.dimension_semantics<subcore_parallel>], iteration_bounds = array<i64: 2, 16>, scalar_prefetch = 0 : i64, scratch_operands = 3 : i64, tpu.core_type = #tpu.core_type<sc_vector_subcore>, window_params = [{transform_indices = #map}, {transform_indices = #map}, {transform_indices = #map}, {transform_indices = #map1}]} {
    %mul3A = arith.constant 16 : i32
    %mul3A_0 = arith.muli %arg0, %mul3A : i32
    %add3A = arith.addi %mul3A_0, %arg1 : i32
    %mul3A_1 = arith.constant 632 : i32
    %mul3A_2 = arith.muli %arg1, %mul3A_1 : i32
    "tpu.region"() ({
      %run_scoped3A = tpu.sem_alloc : memref<!tpu.dma_semaphore, #tpu.memory_space<semaphore_mem>>
      %dma_start3A = arith.constant 0 : i32
      %dma_start3A_14 = tpu.memref_slice %arg8[%mul3A_2, %dma_start3A] : memref<10112x16xf32, #tpu.memory_space<vmem_shared>> -> memref<632x16xf32, #tpu.memory_space<vmem_shared>>
      tpu.enqueue_dma source(%arg4 : memref<632x16xf32, #tpu.memory_space<hbm>>) target(%dma_start3A_14 : memref<632x16xf32, #tpu.memory_space<vmem_shared>>) target_semaphore(%run_scoped3A : memref<!tpu.dma_semaphore, #tpu.memory_space<semaphore_mem>>)
      %dma_wait3A = arith.constant 0 : i32
      %dma_wait3A_15 = tpu.memref_slice %arg8[%mul3A_2, %dma_wait3A] : memref<10112x16xf32, #tpu.memory_space<vmem_shared>> -> memref<632x16xf32, #tpu.memory_space<vmem_shared>>
      tpu.wait_dma2 semaphore(%run_scoped3A : memref<!tpu.dma_semaphore, #tpu.memory_space<semaphore_mem>>) src(%arg4 : memref<632x16xf32, #tpu.memory_space<hbm>>) dst(%dma_wait3A_15 : memref<632x16xf32, #tpu.memory_space<vmem_shared>>)
      tpu.yield
    }) : () -> ()
    "tpu.region"() ({
      %run_scoped3A = tpu.sem_alloc : memref<!tpu.dma_semaphore, #tpu.memory_space<semaphore_mem>>
      tpu.enqueue_dma source(%arg3 : memref<128x16xf32, #tpu.memory_space<hbm>>) target(%arg7 : memref<128x16xf32, #tpu.memory_space<vmem>>) target_semaphore(%run_scoped3A : memref<!tpu.dma_semaphore, #tpu.memory_space<semaphore_mem>>)
      tpu.wait_dma2 semaphore(%run_scoped3A : memref<!tpu.dma_semaphore, #tpu.memory_space<semaphore_mem>>) src(%arg3 : memref<128x16xf32, #tpu.memory_space<hbm>>) dst(%arg7 : memref<128x16xf32, #tpu.memory_space<vmem>>)
      tpu.yield
    }) : () -> ()
    %mul3A_3 = arith.constant 80 : i32
    %mul3A_4 = arith.muli %add3A, %mul3A_3 : i32
    "tpu.region"() ({
      %run_scoped3A = tpu.sem_alloc : memref<!tpu.dma_semaphore, #tpu.memory_space<semaphore_mem>>
      %dma_start3A = arith.constant 0 : i32
      %dma_start3A_14 = tpu.memref_slice %arg2[%mul3A_4, %dma_start3A] : memref<2560x128xi32, #tpu.memory_space<hbm>> -> memref<80x128xi32, #tpu.memory_space<hbm>>
      %dma_start3A_15 = arith.constant 0 : i32
      %dma_start3A_16 = tpu.memref_slice %arg2[%mul3A_4, %dma_start3A_15] : memref<2560x128xi32, #tpu.memory_space<hbm>> -> memref<80x128xi32, #tpu.memory_space<hbm>>
      tpu.enqueue_dma source(%dma_start3A_16 : memref<80x128xi32, #tpu.memory_space<hbm>>) target(%arg6 : memref<80x128xi32, #tpu.memory_space<vmem>>) target_semaphore(%run_scoped3A : memref<!tpu.dma_semaphore, #tpu.memory_space<semaphore_mem>>)
      %dma_wait3A = arith.constant 0 : i32
      %dma_wait3A_17 = tpu.memref_slice %arg2[%mul3A_4, %dma_wait3A] : memref<2560x128xi32, #tpu.memory_space<hbm>> -> memref<80x128xi32, #tpu.memory_space<hbm>>
      %dma_wait3A_18 = arith.constant 0 : i32
      %dma_wait3A_19 = tpu.memref_slice %arg2[%mul3A_4, %dma_wait3A_18] : memref<2560x128xi32, #tpu.memory_space<hbm>> -> memref<80x128xi32, #tpu.memory_space<hbm>>
      tpu.wait_dma2 semaphore(%run_scoped3A : memref<!tpu.dma_semaphore, #tpu.memory_space<semaphore_mem>>) src(%dma_wait3A_19 : memref<80x128xi32, #tpu.memory_space<hbm>>) dst(%arg6 : memref<80x128xi32, #tpu.memory_space<vmem>>)
      tpu.yield
    }) : () -> ()
    %barrier3A = arith.constant 0 : index
    tpu.barrier barrier_id(%barrier3A)
    %scan3A = arith.constant 0 : i32
    %scan3A_5 = arith.constant 80 : i32
    %scan3A_6 = arith.addi %scan3A, %scan3A_5 : i32
    %scan3A_7 = arith.constant 1 : i32
    scf.for %scan3A_14 = %scan3A to %scan3A_6 step %scan3A_7  : i32 {
      "tpu.region"() ({
        %run_scoped3A = tpu.sem_alloc : memref<!tpu.dma_semaphore, #tpu.memory_space<semaphore_mem>>
        %dma_start3A = arith.constant 0 : i32
        %dma_start3A_15 = tpu.memref_slice %arg6[%scan3A_14, %dma_start3A] : memref<80x128xi32, #tpu.memory_space<vmem>> -> memref<1x128xi32, #tpu.memory_space<vmem>>
        %dma_start3A_16 = tpu.memref_squeeze %dma_start3A_15 : memref<1x128xi32, #tpu.memory_space<vmem>> -> memref<128xi32, #tpu.memory_space<vmem>>
        %dma_start3A_17 = arith.constant 0 : i32
        %dma_start3A_18 = arith.constant 0 : i32
        %dma_start3A_19 = tpu.memref_slice %arg8[%dma_start3A_17, %dma_start3A_18] : memref<10112x16xf32, #tpu.memory_space<vmem_shared>> -> memref<10112x16xf32, #tpu.memory_space<vmem_shared>>
        tpu.enqueue_indirect_dma source(%arg7 : memref<128x16xf32, #tpu.memory_space<vmem>>) target(%dma_start3A_19 : memref<10112x16xf32, #tpu.memory_space<vmem_shared>>) offsets(%dma_start3A_16 : memref<128xi32, #tpu.memory_space<vmem>>) semaphore(%run_scoped3A : memref<!tpu.dma_semaphore, #tpu.memory_space<semaphore_mem>>) {add = true}
        %dma_wait3A = arith.constant 0 : i32
        %dma_wait3A_20 = tpu.memref_slice %arg6[%scan3A_14, %dma_wait3A] : memref<80x128xi32, #tpu.memory_space<vmem>> -> memref<1x128xi32, #tpu.memory_space<vmem>>
        %dma_wait3A_21 = tpu.memref_squeeze %dma_wait3A_20 : memref<1x128xi32, #tpu.memory_space<vmem>> -> memref<128xi32, #tpu.memory_space<vmem>>
        %dma_wait3A_22 = arith.constant 0 : i32
        %dma_wait3A_23 = arith.constant 0 : i32
        %dma_wait3A_24 = tpu.memref_slice %arg8[%dma_wait3A_22, %dma_wait3A_23] : memref<10112x16xf32, #tpu.memory_space<vmem_shared>> -> memref<10112x16xf32, #tpu.memory_space<vmem_shared>>
        tpu.wait_indirect_dma semaphore(%run_scoped3A : memref<!tpu.dma_semaphore, #tpu.memory_space<semaphore_mem>>) src(%arg7 : memref<128x16xf32, #tpu.memory_space<vmem>>) dst(%dma_wait3A_24 : memref<10112x16xf32, #tpu.memory_space<vmem_shared>>)
        tpu.yield
      }) : () -> ()
    }
    %scan3A_8 = arith.constant 80 : i32
    %barrier3A_9 = arith.constant 0 : index
    tpu.barrier barrier_id(%barrier3A_9)
    %mul3A_10 = arith.constant 632 : i32
    %mul3A_11 = arith.muli %arg1, %mul3A_10 : i32
    %mul3A_12 = arith.constant 632 : i32
    %mul3A_13 = arith.muli %arg1, %mul3A_12 : i32
    "tpu.region"() ({
      %run_scoped3A = tpu.sem_alloc : memref<!tpu.dma_semaphore, #tpu.memory_space<semaphore_mem>>
      %dma_start3A = arith.constant 0 : i32
      %dma_start3A_14 = tpu.memref_slice %arg5[%arg0, %mul3A_13, %dma_start3A] : memref<2x10112x16xf32, #tpu.memory_space<hbm>> -> memref<1x632x16xf32, #tpu.memory_space<hbm>>
      %dma_start3A_15 = tpu.memref_squeeze %dma_start3A_14 : memref<1x632x16xf32, #tpu.memory_space<hbm>> -> memref<632x16xf32, #tpu.memory_space<hbm>>
      %dma_start3A_16 = arith.constant 0 : i32
      %dma_start3A_17 = tpu.memref_slice %arg8[%mul3A_11, %dma_start3A_16] : memref<10112x16xf32, #tpu.memory_space<vmem_shared>> -> memref<632x16xf32, #tpu.memory_space<vmem_shared>>
      tpu.enqueue_dma source(%dma_start3A_17 : memref<632x16xf32, #tpu.memory_space<vmem_shared>>) target(%dma_start3A_15 : memref<632x16xf32, #tpu.memory_space<hbm>>) target_semaphore(%run_scoped3A : memref<!tpu.dma_semaphore, #tpu.memory_space<semaphore_mem>>)
      %dma_wait3A = arith.constant 0 : i32
      %dma_wait3A_18 = tpu.memref_slice %arg5[%arg0, %mul3A_13, %dma_wait3A] : memref<2x10112x16xf32, #tpu.memory_space<hbm>> -> memref<1x632x16xf32, #tpu.memory_space<hbm>>
      %dma_wait3A_19 = tpu.memref_squeeze %dma_wait3A_18 : memref<1x632x16xf32, #tpu.memory_space<hbm>> -> memref<632x16xf32, #tpu.memory_space<hbm>>
      %dma_wait3A_20 = arith.constant 0 : i32
      %dma_wait3A_21 = tpu.memref_slice %arg8[%mul3A_11, %dma_wait3A_20] : memref<10112x16xf32, #tpu.memory_space<vmem_shared>> -> memref<632x16xf32, #tpu.memory_space<vmem_shared>>
      tpu.wait_dma2 semaphore(%run_scoped3A : memref<!tpu.dma_semaphore, #tpu.memory_space<semaphore_mem>>) src(%dma_wait3A_21 : memref<632x16xf32, #tpu.memory_space<vmem_shared>>) dst(%dma_wait3A_19 : memref<632x16xf32, #tpu.memory_space<hbm>>)
      tpu.yield
    }) : () -> ()
    return
  }
}

module attributes {stable_mosaic.version = 14 : i64} {
  func.func @_dense1_body(%arg0: i32, %arg1: memref<1000x128xf32, #tpu.memory_space<vmem>>, %arg2: memref<128x32xf32, #tpu.memory_space<vmem>>, %arg3: memref<1x32xf32, #tpu.memory_space<vmem>>, %arg4: memref<128x32xf32, #tpu.memory_space<vmem>>, %arg5: memref<1x32xf32, #tpu.memory_space<vmem>>, %arg6: memref<2x1000x16xf32, #tpu.memory_space<vmem>>, %arg7: memref<1000x64xf32, #tpu.memory_space<vmem>>) attributes {dimension_semantics = [#tpu.dimension_semantics<arbitrary>], iteration_bounds = array<i64: 10>, scalar_prefetch = 0 : i64, scratch_operands = 0 : i64, tpu.core_type = #tpu.core_type<tc>, window_params = [{transform_indices = @transform_0, window_bounds = array<i64: 1000, 128>}, {pipeline_mode = #tpu.pipeline_mode<synchronous>, transform_indices = @transform_1, window_bounds = array<i64: 128, 32>}, {pipeline_mode = #tpu.pipeline_mode<synchronous>, transform_indices = @transform_2, window_bounds = array<i64: 1, 32>}, {pipeline_mode = #tpu.pipeline_mode<synchronous>, transform_indices = @transform_3, window_bounds = array<i64: 128, 32>}, {pipeline_mode = #tpu.pipeline_mode<synchronous>, transform_indices = @transform_4, window_bounds = array<i64: 1, 32>}, {transform_indices = @transform_5, window_bounds = array<i64: 2, 1000, 16>}, {transform_indices = @transform_6, window_bounds = array<i64: 1000, 64>}]} {
    %get3A = arith.constant 0 : index
    %get3A_0 = arith.constant 0 : index
    %get3A_1 = arith.constant 0 : index
    %get3A_2 = vector.load %arg6[%get3A, %get3A_0, %get3A_1] : memref<2x1000x16xf32, #tpu.memory_space<vmem>>, vector<2x1000x16xf32>
    %slice3A = vector.extract_strided_slice %get3A_2 {offsets = [0, 0, 0], sizes = [1, 1000, 1], strides = [1, 1, 1]} : vector<2x1000x16xf32> to vector<1x1000x1xf32>
    %squeeze3A = vector.shape_cast %slice3A : vector<1x1000x1xf32> to vector<1000x1xf32>
    %slice3A_3 = vector.extract_strided_slice %get3A_2 {offsets = [1, 0, 0], sizes = [1, 1000, 1], strides = [1, 1, 1]} : vector<2x1000x16xf32> to vector<1x1000x1xf32>
    %squeeze3A_4 = vector.shape_cast %slice3A_3 : vector<1x1000x1xf32> to vector<1000x1xf32>
    %add3A = arith.addf %squeeze3A, %squeeze3A_4 : vector<1000x1xf32>
    %add3A_5 = arith.constant 1.000000e+00 : f32
    %add3A_6 = vector.broadcast %add3A_5 : f32 to vector<1000x1xf32>
    %add3A_7 = arith.addf %add3A, %add3A_6 : vector<1000x1xf32>
    %div3A = arith.constant 1.000000e+00 : f32
    %div3A_8 = vector.broadcast %div3A : f32 to vector<1000x1xf32>
    %div3A_9 = arith.divf %div3A_8, %add3A_7 : vector<1000x1xf32>
    %rsqrt3A = math.rsqrt %add3A_7 : vector<1000x1xf32>
    %get3A_10 = arith.constant 0 : index
    %get3A_11 = arith.constant 0 : index
    %get3A_12 = vector.load %arg1[%get3A_10, %get3A_11] : memref<1000x128xf32, #tpu.memory_space<vmem>>, vector<1000x128xf32>
    %get3A_13 = arith.constant 0 : index
    %get3A_14 = arith.constant 0 : index
    %get3A_15 = vector.load %arg2[%get3A_13, %get3A_14] : memref<128x32xf32, #tpu.memory_space<vmem>>, vector<128x32xf32>
    %dot_general3A = arith.constant dense<0.000000e+00> : vector<1000x32xf32>
    %dot_general3A_16 = tpu.matmul %get3A_12, %get3A_15, %dot_general3A {dimension_numbers = #tpu.dot_dimension_numbers<[1], [0], [0], [1], [0, 0, 1, 1], [], []>, transpose_lhs_hint = false} : vector<1000x128xf32>, vector<128x32xf32>, vector<1000x32xf32> -> vector<1000x32xf32>
    %get3A_17 = arith.constant 0 : index
    %get3A_18 = arith.constant 0 : index
    %get3A_19 = vector.load %arg3[%get3A_17, %get3A_18] : memref<1x32xf32, #tpu.memory_space<vmem>>, vector<1x32xf32>
    %add3A_20 = vector.broadcast %get3A_19 : vector<1x32xf32> to vector<1000x32xf32>
    %add3A_21 = arith.addf %dot_general3A_16, %add3A_20 : vector<1000x32xf32>
    %max3A = arith.constant 0.000000e+00 : f32
    %max3A_22 = vector.broadcast %max3A : f32 to vector<1000x32xf32>
    %max3A_23 = arith.maximumf %add3A_21, %max3A_22 : vector<1000x32xf32>
    %get3A_24 = arith.constant 0 : index
    %get3A_25 = arith.constant 0 : index
    %get3A_26 = vector.load %arg4[%get3A_24, %get3A_25] : memref<128x32xf32, #tpu.memory_space<vmem>>, vector<128x32xf32>
    %dot_general3A_27 = arith.constant dense<0.000000e+00> : vector<1000x32xf32>
    %dot_general3A_28 = tpu.matmul %get3A_12, %get3A_26, %dot_general3A_27 {dimension_numbers = #tpu.dot_dimension_numbers<[1], [0], [0], [1], [0, 0, 1, 1], [], []>, transpose_lhs_hint = false} : vector<1000x128xf32>, vector<128x32xf32>, vector<1000x32xf32> -> vector<1000x32xf32>
    %get3A_29 = arith.constant 0 : index
    %get3A_30 = arith.constant 0 : index
    %get3A_31 = vector.load %arg5[%get3A_29, %get3A_30] : memref<1x32xf32, #tpu.memory_space<vmem>>, vector<1x32xf32>
    %add3A_32 = vector.broadcast %get3A_31 : vector<1x32xf32> to vector<1000x32xf32>
    %add3A_33 = arith.addf %dot_general3A_28, %add3A_32 : vector<1000x32xf32>
    %max3A_34 = arith.constant 0.000000e+00 : f32
    %max3A_35 = vector.broadcast %max3A_34 : f32 to vector<1000x32xf32>
    %max3A_36 = arith.maximumf %add3A_33, %max3A_35 : vector<1000x32xf32>
    %neg3A = arith.constant 0.000000e+00 : f32
    %neg3A_37 = vector.broadcast %neg3A : f32 to vector<1000x32xf32>
    %neg3A_38 = arith.subf %neg3A_37, %max3A_36 : vector<1000x32xf32>
    %exp3A = math.exp %neg3A_38 : vector<1000x32xf32>
    %mul3A = arith.mulf %max3A_23, %exp3A : vector<1000x32xf32>
    %mul3A_39 = arith.mulf %max3A_36, %exp3A : vector<1000x32xf32>
    %mul3A_40 = arith.mulf %mul3A_39, %exp3A : vector<1000x32xf32>
    %mul3A_41 = vector.broadcast %rsqrt3A : vector<1000x1xf32> to vector<1000x32xf32>
    %mul3A_42 = arith.mulf %mul3A, %mul3A_41 : vector<1000x32xf32>
    %mul3A_43 = vector.broadcast %div3A_9 : vector<1000x1xf32> to vector<1000x32xf32>
    %mul3A_44 = arith.mulf %mul3A_40, %mul3A_43 : vector<1000x32xf32>
    %concatenate3A = tpu.concatenate %mul3A_42, %mul3A_44 in 1 : vector<1000x32xf32>, vector<1000x32xf32> -> vector<1000x64xf32>
    %swap3A = arith.constant 0 : index
    %swap3A_45 = arith.constant 0 : index
    %swap3A_46 = vector.load %arg7[%swap3A, %swap3A_45] : memref<1000x64xf32, #tpu.memory_space<vmem>>, vector<1000x64xf32>
    tpu.vector_store %arg7[%swap3A, %swap3A_45], %concatenate3A {strides = array<i32>} : memref<1000x64xf32, #tpu.memory_space<vmem>>, vector<1000x64xf32>,
    return
  }
  func.func @transform_0(%arg0: i32) -> (i32, i32) {
    %c0_i32 = arith.constant 0 : i32
    %c0_i32_0 = arith.constant 0 : i32
    return %arg0, %c0_i32 : i32, i32
  }
  func.func @transform_1(%arg0: i32) -> (i32, i32) {
    %c0_i32 = arith.constant 0 : i32
    %c0_i32_0 = arith.constant 0 : i32
    %c0_i32_1 = arith.constant 0 : i32
    return %c0_i32, %c0_i32_0 : i32, i32
  }
  func.func @transform_2(%arg0: i32) -> (i32, i32) {
    %c0_i32 = arith.constant 0 : i32
    %c0_i32_0 = arith.constant 0 : i32
    %c0_i32_1 = arith.constant 0 : i32
    return %c0_i32, %c0_i32_0 : i32, i32
  }
  func.func @transform_3(%arg0: i32) -> (i32, i32) {
    %c0_i32 = arith.constant 0 : i32
    %c0_i32_0 = arith.constant 0 : i32
    %c0_i32_1 = arith.constant 0 : i32
    return %c0_i32, %c0_i32_0 : i32, i32
  }
  func.func @transform_4(%arg0: i32) -> (i32, i32) {
    %c0_i32 = arith.constant 0 : i32
    %c0_i32_0 = arith.constant 0 : i32
    %c0_i32_1 = arith.constant 0 : i32
    return %c0_i32, %c0_i32_0 : i32, i32
  }
  func.func @transform_5(%arg0: i32) -> (i32, i32, i32) {
    %c0_i32 = arith.constant 0 : i32
    %c0_i32_0 = arith.constant 0 : i32
    %c0_i32_1 = arith.constant 0 : i32
    return %c0_i32, %arg0, %c0_i32_0 : i32, i32, i32
  }
  func.func @transform_6(%arg0: i32) -> (i32, i32) {
    %c0_i32 = arith.constant 0 : i32
    %c0_i32_0 = arith.constant 0 : i32
    return %arg0, %c0_i32 : i32, i32
  }
}

module attributes {stable_mosaic.version = 14 : i64} {
  func.func @_dense2_body(%arg0: i32, %arg1: memref<2x1000x64xf32, #tpu.memory_space<vmem>>, %arg2: memref<32x64xf32, #tpu.memory_space<vmem>>, %arg3: memref<1x64xf32, #tpu.memory_space<vmem>>, %arg4: memref<32x64xf32, #tpu.memory_space<vmem>>, %arg5: memref<1x64xf32, #tpu.memory_space<vmem>>, %arg6: memref<2x1000x16xf32, #tpu.memory_space<vmem>>, %arg7: memref<1000x128xf32, #tpu.memory_space<vmem>>) attributes {dimension_semantics = [#tpu.dimension_semantics<arbitrary>], iteration_bounds = array<i64: 10>, scalar_prefetch = 0 : i64, scratch_operands = 0 : i64, tpu.core_type = #tpu.core_type<tc>, window_params = [{transform_indices = @transform_0, window_bounds = array<i64: 2, 1000, 64>}, {pipeline_mode = #tpu.pipeline_mode<synchronous>, transform_indices = @transform_1, window_bounds = array<i64: 32, 64>}, {pipeline_mode = #tpu.pipeline_mode<synchronous>, transform_indices = @transform_2, window_bounds = array<i64: 1, 64>}, {pipeline_mode = #tpu.pipeline_mode<synchronous>, transform_indices = @transform_3, window_bounds = array<i64: 32, 64>}, {pipeline_mode = #tpu.pipeline_mode<synchronous>, transform_indices = @transform_4, window_bounds = array<i64: 1, 64>}, {transform_indices = @transform_5, window_bounds = array<i64: 2, 1000, 16>}, {transform_indices = @transform_6, window_bounds = array<i64: 1000, 128>}]} {
    %get3A = arith.constant 0 : index
    %get3A_0 = arith.constant 0 : index
    %get3A_1 = arith.constant 0 : index
    %get3A_2 = vector.load %arg6[%get3A, %get3A_0, %get3A_1] : memref<2x1000x16xf32, #tpu.memory_space<vmem>>, vector<2x1000x16xf32>
    %slice3A = vector.extract_strided_slice %get3A_2 {offsets = [0, 0, 0], sizes = [1, 1000, 1], strides = [1, 1, 1]} : vector<2x1000x16xf32> to vector<1x1000x1xf32>
    %squeeze3A = vector.shape_cast %slice3A : vector<1x1000x1xf32> to vector<1000x1xf32>
    %slice3A_3 = vector.extract_strided_slice %get3A_2 {offsets = [1, 0, 0], sizes = [1, 1000, 1], strides = [1, 1, 1]} : vector<2x1000x16xf32> to vector<1x1000x1xf32>
    %squeeze3A_4 = vector.shape_cast %slice3A_3 : vector<1x1000x1xf32> to vector<1000x1xf32>
    %add3A = arith.addf %squeeze3A, %squeeze3A_4 : vector<1000x1xf32>
    %add3A_5 = arith.constant 1.000000e+00 : f32
    %add3A_6 = vector.broadcast %add3A_5 : f32 to vector<1000x1xf32>
    %add3A_7 = arith.addf %add3A, %add3A_6 : vector<1000x1xf32>
    %div3A = arith.constant 1.000000e+00 : f32
    %div3A_8 = vector.broadcast %div3A : f32 to vector<1000x1xf32>
    %div3A_9 = arith.divf %div3A_8, %add3A_7 : vector<1000x1xf32>
    %rsqrt3A = math.rsqrt %add3A_7 : vector<1000x1xf32>
    %get3A_10 = arith.constant 0 : index
    %get3A_11 = arith.constant 0 : index
    %get3A_12 = arith.constant 0 : index
    %get3A_13 = vector.load %arg1[%get3A_10, %get3A_11, %get3A_12] : memref<2x1000x64xf32, #tpu.memory_space<vmem>>, vector<2x1000x64xf32>
    %slice3A_14 = vector.extract_strided_slice %get3A_13 {offsets = [0, 0, 0], sizes = [1, 1000, 64], strides = [1, 1, 1]} : vector<2x1000x64xf32> to vector<1x1000x64xf32>
    %squeeze3A_15 = vector.shape_cast %slice3A_14 : vector<1x1000x64xf32> to vector<1000x64xf32>
    %slice3A_16 = vector.extract_strided_slice %get3A_13 {offsets = [1, 0, 0], sizes = [1, 1000, 64], strides = [1, 1, 1]} : vector<2x1000x64xf32> to vector<1x1000x64xf32>
    %squeeze3A_17 = vector.shape_cast %slice3A_16 : vector<1x1000x64xf32> to vector<1000x64xf32>
    %add3A_18 = arith.addf %squeeze3A_15, %squeeze3A_17 : vector<1000x64xf32>
    %slice3A_19 = vector.extract_strided_slice %add3A_18 {offsets = [0, 0], sizes = [1000, 32], strides = [1, 1]} : vector<1000x64xf32> to vector<1000x32xf32>
    %mul3A = vector.broadcast %rsqrt3A : vector<1000x1xf32> to vector<1000x32xf32>
    %mul3A_20 = arith.mulf %slice3A_19, %mul3A : vector<1000x32xf32>
    %max3A = arith.constant 0.000000e+00 : f32
    %max3A_21 = vector.broadcast %max3A : f32 to vector<1000x32xf32>
    %max3A_22 = arith.maximumf %mul3A_20, %max3A_21 : vector<1000x32xf32>
    %slice3A_23 = vector.extract_strided_slice %add3A_18 {offsets = [0, 32], sizes = [1000, 32], strides = [1, 1]} : vector<1000x64xf32> to vector<1000x32xf32>
    %mul3A_24 = vector.broadcast %div3A_9 : vector<1000x1xf32> to vector<1000x32xf32>
    %mul3A_25 = arith.mulf %slice3A_23, %mul3A_24 : vector<1000x32xf32>
    %max3A_26 = arith.constant 0.000000e+00 : f32
    %max3A_27 = vector.broadcast %max3A_26 : f32 to vector<1000x32xf32>
    %max3A_28 = arith.maximumf %mul3A_25, %max3A_27 : vector<1000x32xf32>
    %get3A_29 = arith.constant 0 : index
    %get3A_30 = arith.constant 0 : index
    %get3A_31 = vector.load %arg2[%get3A_29, %get3A_30] : memref<32x64xf32, #tpu.memory_space<vmem>>, vector<32x64xf32>
    %dot_general3A = arith.constant dense<0.000000e+00> : vector<1000x64xf32>
    %dot_general3A_32 = tpu.matmul %max3A_22, %get3A_31, %dot_general3A {dimension_numbers = #tpu.dot_dimension_numbers<[1], [0], [0], [1], [0, 0, 1, 1], [], []>, transpose_lhs_hint = false} : vector<1000x32xf32>, vector<32x64xf32>, vector<1000x64xf32> -> vector<1000x64xf32>
    %get3A_33 = arith.constant 0 : index
    %get3A_34 = arith.constant 0 : index
    %get3A_35 = vector.load %arg3[%get3A_33, %get3A_34] : memref<1x64xf32, #tpu.memory_space<vmem>>, vector<1x64xf32>
    %add3A_36 = vector.broadcast %get3A_35 : vector<1x64xf32> to vector<1000x64xf32>
    %add3A_37 = arith.addf %dot_general3A_32, %add3A_36 : vector<1000x64xf32>
    %max3A_38 = arith.constant 0.000000e+00 : f32
    %max3A_39 = vector.broadcast %max3A_38 : f32 to vector<1000x64xf32>
    %max3A_40 = arith.maximumf %add3A_37, %max3A_39 : vector<1000x64xf32>
    %get3A_41 = arith.constant 0 : index
    %get3A_42 = arith.constant 0 : index
    %get3A_43 = vector.load %arg4[%get3A_41, %get3A_42] : memref<32x64xf32, #tpu.memory_space<vmem>>, vector<32x64xf32>
    %dot_general3A_44 = arith.constant dense<0.000000e+00> : vector<1000x64xf32>
    %dot_general3A_45 = tpu.matmul %max3A_28, %get3A_43, %dot_general3A_44 {dimension_numbers = #tpu.dot_dimension_numbers<[1], [0], [0], [1], [0, 0, 1, 1], [], []>, transpose_lhs_hint = false} : vector<1000x32xf32>, vector<32x64xf32>, vector<1000x64xf32> -> vector<1000x64xf32>
    %get3A_46 = arith.constant 0 : index
    %get3A_47 = arith.constant 0 : index
    %get3A_48 = vector.load %arg5[%get3A_46, %get3A_47] : memref<1x64xf32, #tpu.memory_space<vmem>>, vector<1x64xf32>
    %add3A_49 = vector.broadcast %get3A_48 : vector<1x64xf32> to vector<1000x64xf32>
    %add3A_50 = arith.addf %dot_general3A_45, %add3A_49 : vector<1000x64xf32>
    %max3A_51 = arith.constant 0.000000e+00 : f32
    %max3A_52 = vector.broadcast %max3A_51 : f32 to vector<1000x64xf32>
    %max3A_53 = arith.maximumf %add3A_50, %max3A_52 : vector<1000x64xf32>
    %neg3A = arith.constant 0.000000e+00 : f32
    %neg3A_54 = vector.broadcast %neg3A : f32 to vector<1000x64xf32>
    %neg3A_55 = arith.subf %neg3A_54, %max3A_53 : vector<1000x64xf32>
    %exp3A = math.exp %neg3A_55 : vector<1000x64xf32>
    %mul3A_56 = arith.mulf %max3A_40, %exp3A : vector<1000x64xf32>
    %mul3A_57 = arith.mulf %max3A_53, %exp3A : vector<1000x64xf32>
    %mul3A_58 = arith.mulf %mul3A_57, %exp3A : vector<1000x64xf32>
    %mul3A_59 = vector.broadcast %rsqrt3A : vector<1000x1xf32> to vector<1000x64xf32>
    %mul3A_60 = arith.mulf %mul3A_56, %mul3A_59 : vector<1000x64xf32>
    %mul3A_61 = vector.broadcast %div3A_9 : vector<1000x1xf32> to vector<1000x64xf32>
    %mul3A_62 = arith.mulf %mul3A_58, %mul3A_61 : vector<1000x64xf32>
    %concatenate3A = tpu.concatenate %mul3A_60, %mul3A_62 in 1 : vector<1000x64xf32>, vector<1000x64xf32> -> vector<1000x128xf32>
    %swap3A = arith.constant 0 : index
    %swap3A_63 = arith.constant 0 : index
    %swap3A_64 = vector.load %arg7[%swap3A, %swap3A_63] : memref<1000x128xf32, #tpu.memory_space<vmem>>, vector<1000x128xf32>
    tpu.vector_store %arg7[%swap3A, %swap3A_63], %concatenate3A {strides = array<i32>} : memref<1000x128xf32, #tpu.memory_space<vmem>>, vector<1000x128xf32>,
    return
  }
  func.func @transform_0(%arg0: i32) -> (i32, i32, i32) {
    %c0_i32 = arith.constant 0 : i32
    %c0_i32_0 = arith.constant 0 : i32
    %c0_i32_1 = arith.constant 0 : i32
    return %c0_i32, %arg0, %c0_i32_0 : i32, i32, i32
  }
  func.func @transform_1(%arg0: i32) -> (i32, i32) {
    %c0_i32 = arith.constant 0 : i32
    %c0_i32_0 = arith.constant 0 : i32
    %c0_i32_1 = arith.constant 0 : i32
    return %c0_i32, %c0_i32_0 : i32, i32
  }
  func.func @transform_2(%arg0: i32) -> (i32, i32) {
    %c0_i32 = arith.constant 0 : i32
    %c0_i32_0 = arith.constant 0 : i32
    %c0_i32_1 = arith.constant 0 : i32
    return %c0_i32, %c0_i32_0 : i32, i32
  }
  func.func @transform_3(%arg0: i32) -> (i32, i32) {
    %c0_i32 = arith.constant 0 : i32
    %c0_i32_0 = arith.constant 0 : i32
    %c0_i32_1 = arith.constant 0 : i32
    return %c0_i32, %c0_i32_0 : i32, i32
  }
  func.func @transform_4(%arg0: i32) -> (i32, i32) {
    %c0_i32 = arith.constant 0 : i32
    %c0_i32_0 = arith.constant 0 : i32
    %c0_i32_1 = arith.constant 0 : i32
    return %c0_i32, %c0_i32_0 : i32, i32
  }
  func.func @transform_5(%arg0: i32) -> (i32, i32, i32) {
    %c0_i32 = arith.constant 0 : i32
    %c0_i32_0 = arith.constant 0 : i32
    %c0_i32_1 = arith.constant 0 : i32
    return %c0_i32, %arg0, %c0_i32_0 : i32, i32, i32
  }
  func.func @transform_6(%arg0: i32) -> (i32, i32) {
    %c0_i32 = arith.constant 0 : i32
    %c0_i32_0 = arith.constant 0 : i32
    return %arg0, %c0_i32 : i32, i32
  }
}

module attributes {stable_mosaic.version = 14 : i64} {
  func.func @_final_body(%arg0: i32, %arg1: memref<2x1000x128xf32, #tpu.memory_space<vmem>>, %arg2: memref<2x1000x16xf32, #tpu.memory_space<vmem>>, %arg3: memref<1000x64xf32, #tpu.memory_space<vmem>>, %arg4: memref<1000x64xf32, #tpu.memory_space<vmem>>) attributes {dimension_semantics = [#tpu.dimension_semantics<arbitrary>], iteration_bounds = array<i64: 10>, scalar_prefetch = 0 : i64, scratch_operands = 0 : i64, tpu.core_type = #tpu.core_type<tc>, window_params = [{transform_indices = @transform_0, window_bounds = array<i64: 2, 1000, 128>}, {transform_indices = @transform_1, window_bounds = array<i64: 2, 1000, 16>}, {transform_indices = @transform_2, window_bounds = array<i64: 1000, 64>}, {transform_indices = @transform_3, window_bounds = array<i64: 1000, 64>}]} {
    %get3A = arith.constant 0 : index
    %get3A_0 = arith.constant 0 : index
    %get3A_1 = arith.constant 0 : index
    %get3A_2 = vector.load %arg2[%get3A, %get3A_0, %get3A_1] : memref<2x1000x16xf32, #tpu.memory_space<vmem>>, vector<2x1000x16xf32>
    %slice3A = vector.extract_strided_slice %get3A_2 {offsets = [0, 0, 0], sizes = [1, 1000, 1], strides = [1, 1, 1]} : vector<2x1000x16xf32> to vector<1x1000x1xf32>
    %squeeze3A = vector.shape_cast %slice3A : vector<1x1000x1xf32> to vector<1000x1xf32>
    %slice3A_3 = vector.extract_strided_slice %get3A_2 {offsets = [1, 0, 0], sizes = [1, 1000, 1], strides = [1, 1, 1]} : vector<2x1000x16xf32> to vector<1x1000x1xf32>
    %squeeze3A_4 = vector.shape_cast %slice3A_3 : vector<1x1000x1xf32> to vector<1000x1xf32>
    %add3A = arith.addf %squeeze3A, %squeeze3A_4 : vector<1000x1xf32>
    %add3A_5 = arith.constant 1.000000e+00 : f32
    %add3A_6 = vector.broadcast %add3A_5 : f32 to vector<1000x1xf32>
    %add3A_7 = arith.addf %add3A, %add3A_6 : vector<1000x1xf32>
    %div3A = arith.constant 1.000000e+00 : f32
    %div3A_8 = vector.broadcast %div3A : f32 to vector<1000x1xf32>
    %div3A_9 = arith.divf %div3A_8, %add3A_7 : vector<1000x1xf32>
    %rsqrt3A = math.rsqrt %add3A_7 : vector<1000x1xf32>
    %get3A_10 = arith.constant 0 : index
    %get3A_11 = arith.constant 0 : index
    %get3A_12 = arith.constant 0 : index
    %get3A_13 = vector.load %arg1[%get3A_10, %get3A_11, %get3A_12] : memref<2x1000x128xf32, #tpu.memory_space<vmem>>, vector<2x1000x128xf32>
    %slice3A_14 = vector.extract_strided_slice %get3A_13 {offsets = [0, 0, 0], sizes = [1, 1000, 128], strides = [1, 1, 1]} : vector<2x1000x128xf32> to vector<1x1000x128xf32>
    %squeeze3A_15 = vector.shape_cast %slice3A_14 : vector<1x1000x128xf32> to vector<1000x128xf32>
    %slice3A_16 = vector.extract_strided_slice %get3A_13 {offsets = [1, 0, 0], sizes = [1, 1000, 128], strides = [1, 1, 1]} : vector<2x1000x128xf32> to vector<1x1000x128xf32>
    %squeeze3A_17 = vector.shape_cast %slice3A_16 : vector<1x1000x128xf32> to vector<1000x128xf32>
    %add3A_18 = arith.addf %squeeze3A_15, %squeeze3A_17 : vector<1000x128xf32>
    %slice3A_19 = vector.extract_strided_slice %add3A_18 {offsets = [0, 0], sizes = [1000, 64], strides = [1, 1]} : vector<1000x128xf32> to vector<1000x64xf32>
    %mul3A = vector.broadcast %rsqrt3A : vector<1000x1xf32> to vector<1000x64xf32>
    %mul3A_20 = arith.mulf %slice3A_19, %mul3A : vector<1000x64xf32>
    %slice3A_21 = vector.extract_strided_slice %add3A_18 {offsets = [0, 64], sizes = [1000, 64], strides = [1, 1]} : vector<1000x128xf32> to vector<1000x64xf32>
    %mul3A_22 = vector.broadcast %div3A_9 : vector<1000x1xf32> to vector<1000x64xf32>
    %mul3A_23 = arith.mulf %slice3A_21, %mul3A_22 : vector<1000x64xf32>
    %get3A_24 = arith.constant 0 : index
    %get3A_25 = arith.constant 0 : index
    %get3A_26 = vector.load %arg3[%get3A_24, %get3A_25] : memref<1000x64xf32, #tpu.memory_space<vmem>>, vector<1000x64xf32>
    %add3A_27 = arith.constant 9.99999993E-9 : f32
    %add3A_28 = vector.broadcast %add3A_27 : f32 to vector<1000x64xf32>
    %add3A_29 = arith.addf %mul3A_23, %add3A_28 : vector<1000x64xf32>
    %sqrt3A = math.sqrt %add3A_29 : vector<1000x64xf32>
    %mul3A_30 = arith.mulf %get3A_26, %sqrt3A : vector<1000x64xf32>
    %add3A_31 = arith.addf %mul3A_30, %mul3A_20 : vector<1000x64xf32>
    %swap3A = arith.constant 0 : index
    %swap3A_32 = arith.constant 0 : index
    %swap3A_33 = vector.load %arg4[%swap3A, %swap3A_32] : memref<1000x64xf32, #tpu.memory_space<vmem>>, vector<1000x64xf32>
    tpu.vector_store %arg4[%swap3A, %swap3A_32], %add3A_31 {strides = array<i32>} : memref<1000x64xf32, #tpu.memory_space<vmem>>, vector<1000x64xf32>,
    return
  }
  func.func @transform_0(%arg0: i32) -> (i32, i32, i32) {
    %c0_i32 = arith.constant 0 : i32
    %c0_i32_0 = arith.constant 0 : i32
    %c0_i32_1 = arith.constant 0 : i32
    return %c0_i32, %arg0, %c0_i32_0 : i32, i32, i32
  }
  func.func @transform_1(%arg0: i32) -> (i32, i32, i32) {
    %c0_i32 = arith.constant 0 : i32
    %c0_i32_0 = arith.constant 0 : i32
    %c0_i32_1 = arith.constant 0 : i32
    return %c0_i32, %arg0, %c0_i32_0 : i32, i32, i32
  }
  func.func @transform_2(%arg0: i32) -> (i32, i32) {
    %c0_i32 = arith.constant 0 : i32
    %c0_i32_0 = arith.constant 0 : i32
    return %arg0, %c0_i32 : i32, i32
  }
  func.func @transform_3(%arg0: i32) -> (i32, i32) {
    %c0_i32 = arith.constant 0 : i32
    %c0_i32_0 = arith.constant 0 : i32
    return %arg0, %c0_i32 : i32, i32
  }
}

</mosaic_0001>

<sc_bundles>
// kernel: kernel.11.cloned.1.call-start
scs
__scs_entry_jumppad:
0x0: {  	(pc) =	sbr.rel $0x88, $3  }
0x1: {  	(tag) =	ssettag $0x0;
	lr =	simm.s32 $0x1  }
0x2: {  	[smem:$0x3F97] =	sst lr;
	_ =	strace $0xD0000000  }
0x3: {  	_ = 	snop  }
0x4: {  	_ = 	snop  }
0x5: {  	_ = 	snop  }
0x6: {  	_ = 	snop  }
0x7: {  	_ = 	snop  }
__scs_overlays_trampoline_lowered:
0x8: {  	[smem:$0x3FA6] =	sst s0  }
0x9: {  	[smem:$0x3FA7] =	sst s1  }
0xa: {  	[smem:$0x3FA8] =	sst s2  }
0xb: {  	[smem:$0x3FA9] =	sst s3  }
0xc: {  	[smem:$0x3FAA] =	sst s4  }
0xd: {  	[smem:$0x3FAB] =	sst s5  }
0xe: {  	[smem:$0x3FAC] =	sst s6  }
0xf: {  	[smem:$0x3FAD] =	sst s7  }
0x10: {  	[smem:$0x3FAE] =	sst s8  }
0x11: {  	[smem:$0x3FAF] =	sst s9;
	s0 =	simm.s32 @!p0 $0x0  }
0x12: {  	s1 =	sld [smem:$0x3F95];
	s0 =	simm.s32 @p0 $0x1  }
0x13: {  	[smem:$0x3FB0] =	sst s0;
	s0 =	simm.s32 @!p1 $0x0  }
0x14: {  	s2 =	sld [smem:$0x3F94];
	s0 =	simm.s32 @p1 $0x1  }
0x15: {  	[smem:$0x3FB1] =	sst s0;
	s0 =	simm.s32 @!p2 $0x0  }
0x16: {  	s3 =	sld [smem:$0x3FDB];
	s0 =	simm.s32 @p2 $0x1  }
0x17: {  	s4 =	simm.s32 $0x1BF5;
	[smem:$0x3FB3] =	sst s0  }
0x18: {  	s0 =	sld [smem:$0x3F96];
	_ =	swait.ge [sflag:s4], $0x0  }
0x19: {  	s7 =	sld [smem:$0x3F97]  }
0x1a: {  	s8 =	sadd.s32 $0xFFFFE003, lr  }
0x1b: {  	s9 =	sadd.s32 $0xFFFFFEF7, lr;
	s5 =	simm.s32 $0xFFFFFFFF;
	p2 =	slt.u32 s8, $0xFFFFF086  }
0x1c: {  	p1 =	slt.u32 s9, $0xF7A;
	s5 =	simm.s32 @!p2 $0x0  }
0x1d: {  	s5 =	simm.s32 @p1 $0x1;
	p0 =	seq.s32 s7, s2  }
0x1e: {  	s7 =	smul.u32 @!p0 $0xF7A, s2;
	p2 =	seq.s32 @!p0 s5, $0x0  }
0x1f: {  	s9 =	smul.u32 $0xF7A, s1;
	s8 =	simm.s32 @!p0 $0x1BF5;
	p2 =	por !p2, p0  }
0x20: {  	[sflag:s8] =	ssyncset.s32 @!p0 $0xFFFFF086;
	s6 =	sadd.s32 @!p0 s3, s7;
	s7 =	simm.s32 @!p0 $0x108  }
0x21: {  	s3 =	sadd.s32 s3, s9;
	s6 =	sadd.s32 @!p0 $0x88, s6;
	s7 =	simm.s32 @p2 $0x1082  }
0x22: {  	[simem:s7], [sflag:s8] =	dma.local @!p0 [hbm:s6], $0xF7A  }
0x23: {  	s9 =	sor.u32 $0xD0000000, s2;
	s6 =	simm.s32 $0x108;
	_ =	swait.ge @!p0 [sflag:s8], $0x0  }
0x24: {  	s3 =	sadd.s32 $0x88, s3;
	s6 =	simm.s32 @!p1 $0x1082;
	[sflag:s4] =	ssyncset.s32 $0xFFFFF086  }
0x25: {  	[simem:s6], [sflag:s4] =	dma.local [hbm:s3], $0xF7A  }
0x26: {  	[smem:$0x3F97] =	sst s1;
	(tag) =	ssettag s2;
	_ =	strace s9  }
0x27: {  	s1 =	sld [smem:$0x3FA7]  }
0x28: {  	s2 =	sld [smem:$0x3FA8]  }
0x29: {  	s4 =	sld [smem:$0x3FAA]  }
0x2a: {  	p0 =	seq.s32 s5, $0x0;
	s5 =	sld [smem:$0x3FAB]  }
0x2b: {  	s6 =	sld [smem:$0x3FAC]  }
0x2c: {  	s7 =	sld [smem:$0x3FAD]  }
0x2d: {  	s3 =	simm.s32 $0x108;
	s8 =	sld [smem:$0x3FAE]  }
0x2e: {  	s3 =	simm.s32 @!p0 $0x1082;
	s9 =	sld [smem:$0x3FAF]  }
0x2f: {  	lr =	sadd.s32 s0, s3;
	s0 =	sld [smem:$0x3FA6]  }
0x30: {  	s3 =	sld [smem:$0x3FA9]  }
0x31: {  	[smem:$0x3FB2] =	sst s10  }
0x32: {  	s10 =	sld [smem:$0x3FB0];
	_ =	sdelay $0x3  }
0x33: {  	p0 =	seq.s32 s10, $0x1;
	s10 =	sld [smem:$0x3FB2];
	_ =	sdelay $0x3  }
0x34: {  	[smem:$0x3FB2] =	sst s10  }
0x35: {  	s10 =	sld [smem:$0x3FB1];
	_ =	sdelay $0x3  }
0x36: {  	p1 =	seq.s32 s10, $0x1;
	s10 =	sld [smem:$0x3FB2];
	_ =	sdelay $0x3  }
0x37: {  	[smem:$0x3FB2] =	sst s10  }
0x38: {  	s10 =	sld [smem:$0x3FB3]  }
0x39: {  	_ = 	snop;
	(pc) =	sbr.ind lr, $3  }
0x3a: {  	_ = 	snop  }
0x3b: {  	_ = 	snop  }
0x3c: {  	p2 =	seq.s32 s10, $0x1;
	s10 =	sld [smem:$0x3FB2]  }
0x3d: {  	_ =	shalt  }
0x3e: {  	_ =	shalt  }
0x3f: {  	_ =	shalt  }
0x40: {  	_ =	shalt  }
0x41: {  	_ =	shalt  }
0x42: {  	_ =	shalt  }
0x43: {  	_ =	shalt  }
0x44: {  	_ =	shalt  }
0x45: {  	_ =	shalt  }
0x46: {  	_ =	shalt  }
0x47: {  	_ =	shalt  }
0x48: {  	_ =	shalt  }
0x49: {  	_ =	shalt  }
0x4a: {  	_ =	shalt  }
0x4b: {  	_ =	shalt  }
0x4c: {  	_ =	shalt  }
0x4d: {  	_ =	shalt  }
0x4e: {  	_ =	shalt  }
0x4f: {  	_ =	shalt  }
0x50: {  	_ =	shalt  }
0x51: {  	_ =	shalt  }
0x52: {  	_ =	shalt  }
0x53: {  	_ =	shalt  }
0x54: {  	_ =	shalt  }
0x55: {  	_ =	shalt  }
0x56: {  	_ =	shalt  }
0x57: {  	_ =	shalt  }
0x58: {  	_ =	shalt  }
0x59: {  	_ =	shalt  }
0x5a: {  	_ =	shalt  }
0x5b: {  	_ =	shalt  }
0x5c: {  	_ =	shalt  }
0x5d: {  	_ =	shalt  }
0x5e: {  	_ =	shalt  }
0x5f: {  	_ =	shalt  }
0x60: {  	_ =	shalt  }
0x61: {  	_ =	shalt  }
0x62: {  	_ =	shalt  }
0x63: {  	_ =	shalt  }
0x64: {  	_ =	shalt  }
0x65: {  	_ =	shalt  }
0x66: {  	_ =	shalt  }
0x67: {  	_ =	shalt  }
0x68: {  	_ =	shalt  }
0x69: {  	_ =	shalt  }
0x6a: {  	_ =	shalt  }
0x6b: {  	_ =	shalt  }
0x6c: {  	_ =	shalt  }
0x6d: {  	_ =	shalt  }
0x6e: {  	_ =	shalt  }
0x6f: {  	_ =	shalt  }
0x70: {  	_ =	shalt  }
0x71: {  	_ =	shalt  }
0x72: {  	_ =	shalt  }
0x73: {  	_ =	shalt  }
0x74: {  	_ =	shalt  }
0x75: {  	_ =	shalt  }
0x76: {  	_ =	shalt  }
0x77: {  	_ =	shalt  }
0x78: {  	_ =	shalt  }
0x79: {  	_ =	shalt  }
0x7a: {  	_ =	shalt  }
0x7b: {  	_ =	shalt  }
0x7c: {  	_ =	shalt  }
0x7d: {  	_ =	shalt  }
0x7e: {  	_ =	shalt  }
0x7f: {  	_ =	shalt  }
0x80: {  	_ =	shalt  }
0x81: {  	_ =	shalt  }
0x82: {  	_ =	shalt  }
0x83: {  	_ =	shalt  }
0x84: {  	_ =	shalt  }
0x85: {  	_ =	shalt  }
0x86: {  	_ =	shalt  }
0x87: {  	_ =	shalt  }
.Lfunc_end0:
.L_simem_size_0:
called_computation.1_lowered:
.L_overlay_start_0:
0x88: {  	s2 =	sld [smem:$0x3FD9]  }
0x89: {  	s3 =	sld [smem:$0x3FFE];
	_ =	sdelay $0x1  }
0x8a: {  	s1 =	srdreg.scid  }
0x8b: {  	s0 =	sand.u32 $0x1, s1  }
0x8c: {  	s17 =	sshll.u32 s0, $0xA;
	s2 =	sadd.s32 s3, s2  }
0x8d: {  	s2 =	sadd.s32 s2, s17  }
0x8e: {  	[smem:$0x3FBE] =	sst s2  }
0x8f: {  	_ = 	snop  }
0x90: {  	s2 =	sld [smem:$0x3FD0];
	(tm) =	ssettm $0x1  }
0x91: {  	s18 =	sld [smem:$0x3FFB];
	_ =	sdelay $0x3  }
0x92: {  	_ =	strace s18  }
0x93: {  	s3 =	sld [smem:$0x3FFC];
	_ =	sdelay $0x3  }
0x94: {  	_ =	strace s3  }
0x95: {  	s3 =	sld [smem:$0x3FFD];
	_ =	sdelay $0x3  }
0x96: {  	_ =	strace s3  }
0x97: {  	_ =	strace $0x8FFFFFFF  }
0x98: {  	s19 =	sld [smem:$0x3FDB];
	_ =	sdelay $0x1  }
0x99: {  	s4 =	simm.s32 $_scs_section_size  }
0x9a: {  	s5 =	simm.s32 $_size__tile_overlayer_lowered;
	s6 =	simm.s32 $_tile_overlayer_lowered  }
0x9b: {  	s22 =	simm.s32 $0x1BFF;
	s21 =	sshll.u32 s6, $0x1;
	s3 =	sadd.s32 s4, s19  }
0x9c: {  	s7 =	simm.s32 $0x0;
	s20 =	sshll.u32 s5, $0x1;
	s5 =	sadd.s32 s21, s3  }
0x9d: {  	[timem:s7], [sflag:s22] =	dma.local [hbm:s5], s20  }
0x9e: {  	_ =	swait.ge [sflag:s22], s20  }
0x9f: {  	s4 =	ssub.s32 $0x0, s20;
	[sflag:s22] =	ssyncset.done $0x0  }
0xa0: {  	[sflag:s22] =	ssyncadd.s32 s4;
	_ =	sdelay $0x1  }
0xa1: {  	s23 =	simm.s32 $0x1B8B  }
0xa2: {  	_ =	swait.ge [sflag:s23], $0x1  }
0xa3: {  	[sflag:s23] =	ssyncset.done $0x0  }
0xa4: {  	s25 =	simm.s32 $0x1B8E;
	s24 =	sld [smem:$0x3FFE];
	[sflag:s23] =	ssyncadd.s32 $0xFFFFFFFF  }
0xa5: {  	s26 =	simm.s32 $execute0_lowered;
	[smem:$0x3FD2] =	sst s25  }
0xa6: {  	s5 =	sshll.u32 s26, $0x1;
	_ =	strace $0x80000049;
	[dreg:$0x1] =	wrdreg $0xFFFFFFFF  }
0xa7: {  	s28 =	simm.s32 $_size_execute0_lowered;
	s3 =	sadd.s32 s3, s5;
	[dreg:$0x0] =	wrdreg $0x0  }
0xa8: {  	s5 =	sshll.u32 s28, $0x1;
	[dreg:$0x2] =	wrdreg s3  }
0xa9: {  	[dreg:$0x3] =	wrdreg s5  }
0xaa: {  	[dreg:$0x4] =	wrdreg $0xC0  }
0xab: {  	_ =	task [dreg:s7], $0x5FFFF  }
0xac: {  	[dreg:$0x1] =	wrdreg $0xFFFFFFFF  }
0xad: {  	[dreg:$0x0] =	wrdreg $0x60  }
0xae: {  	[dreg:$0x2] =	wrdreg s24  }
0xaf: {  	[dreg:$0x3] =	wrdreg s2  }
0xb0: {  	[dreg:$0x4] =	wrdreg $0x90000  }
0xb1: {  	[dreg:$0x5] =	wrdreg $0x9  }
0xb2: {  	_ =	task.clear_ibuf [dreg:s7], $0x6FFFF;
	_ =	strace $0x90000049  }
0xb3: {  	s29 =	simm.s32 $0x9;
	_ =	strace $0x8000004B  }
0xb4: {  	_ =	swait.ge [sflag:s29], $0x1  }
0xb5: {  	[sflag:s29] =	ssyncadd.s32 $0xFFFFFFFF  }
0xb6: {  	_ =	strace $0x9000004B  }
0xb7: {  	_ =	sfence  }
0xb8: {  	s30 =	sld [smem:$0x0];
	_ =	sdelay $0x2  }
0xb9: {  	s31 =	sshll.u32 s1, $0xD;
	s1 =	sshrl.u32 s1, $0x2  }
0xba: {  	s3 =	sand.u32 $0x4000, s31;
	s1 =	sadd.s32 s1, s30  }
0xbb: {  	s0 =	sor.u32 s3, s0;
	s1 =	sshll.u32 s1, $0x11  }
0xbc: {  	s0 =	sor.u32 s1, s0  }
0xbd: {  	s0 =	sadd.s32 $0x8F2B, s0  }
0xbe: {  	[sflag:s0] =	ssyncadd.remote.s32 $0x1  }
0xbf: {  	_ =	sfence.sel $0xFFFF  }
0xc0: {  	[dreg:$0x0] =	wrdreg $0xFFFFFFFF;
	(pc) =	sbr.abs _section_cstart, $3  }
0xc1: {  	[dreg:$0x1] =	wrdreg $0xFFFFFFFF  }
0xc2: {  	_ =	task.clear_ibuf [dreg:s7], $0x2FFFF;
	_ =	strace $0x9FFFFFFF  }
0xc3: {  	(tm) =	ssettm $0x7FFFFFFF  }
tec
execute0_lowered:
.L_overlay_start_1:
0x0: {  	(tag) =	ssettag $0x1  }
0x1: {  	s0 =	rddreg [dreg:$0x0]  }
0x2: {  	s1 =	srdreg.scid;
	s5 =	rddreg [dreg:$0x1]  }
0x3: {  	s12 =	stileid.u32;
	s2 =	rddreg [dreg:$0x2]  }
0x4: {  	s3 =	simm.s32 $0x0;
	s24 =	simm.s32 $0x100;
	s26 =	simm.s32 $0x180  }
0x5: {  	s13 =	simm.s32 $0x280;
	s14 =	simm.s32 $0x300;
	s15 =	simm.s32 $0x380  }
0x6: {  	s16 =	simm.s32 $0xA00;
	s17 =	simm.s32 $0xA80;
	s6 =	smul.u32 $0x2800, s12  }
0x7: {  	s18 =	simm.s32 $0xB00;
	s7 =	smul.u32 $0x9E00, s12;
	[smem:$0x7FF] =	sst s3  }
0x8: {  	s11 =	smul.u32 $0x13C0, s12;
	_ =	strace $0x8000004A;
	[dreg:$0x6] =	wrdreg s24  }
0x9: {  	s25 =	sshll.u32 s12, $0x6;
	s12 =	simm.s32 $0x200;
	[dreg:$0x7] =	wrdreg s26  }
0xa: {  	s19 =	simm.s32 $0xB80;
	s20 =	simm.s32 $0x400;
	[dreg:$0xb] =	wrdreg s12  }
0xb: {  	s21 =	simm.s32 $0x480;
	s28 =	simm.s32 $0x680;
	[dreg:$0xc] =	wrdreg s13  }
0xc: {  	s29 =	simm.s32 $0x700;
	s1 =	sand.u32 $0x1, s1;
	[dreg:$0xd] =	wrdreg s14  }
0xd: {  	s30 =	simm.s32 $0x780;
	s4 =	smul.u32 $0x28000, s1;
	[dreg:$0xe] =	wrdreg s15  }
0xe: {  	s31 =	simm.s32 $0xE00;
	s22 =	smul.u32 $0x9E000, s1;
	[dreg:$0xf] =	wrdreg s16  }
0xf: {  	s10 =	ssub.s32 $0x2, s1;
	s1 =	smul.u32 $0x13C00, s1;
	[dreg:$0x10] =	wrdreg s17  }
0x10: {  	s12 =	simm.s32 $0x80;
	s13 =	simm.s32 $0x1000;
	[dreg:$0x11] =	wrdreg s18  }
0x11: {  	s14 =	simm.s32 $0x3000;
	s15 =	simm.s32 $0x5000;
	[dreg:$0x12] =	wrdreg s19  }
0x12: {  	s16 =	simm.s32 $0x7000;
	s17 =	simm.s32 $0x1;
	[dreg:$0x13] =	wrdreg s20  }
0x13: {  	s18 =	simm.s32 $0x2;
	s19 =	simm.s32 $0x3;
	[dreg:$0x14] =	wrdreg s21  }
0x14: {  	s20 =	simm.s32 $0x4;
	s21 =	simm.s32 $0x5;
	s24 =	simm.s32 $0xC00  }
0x15: {  	s26 =	simm.s32 $0xD00;
	s23 =	sshrl.u32 s10, $0x1;
	[dreg:$0x17] =	wrdreg s24  }
0x16: {  	s24 =	simm.s32 $0x8;
	[dreg:$0x19] =	wrdreg s26;
	s26 =	simm.s32 $0x600  }
0x17: {  	s4 =	sadd.s32 s6, s4;
	s6 =	sadd.s32 s7, s22;
	s7 =	sadd.s32 s7, s2  }
0x18: {  	s1 =	sadd.s32 s11, s1;
	s11 =	simm.s32 $0x980;
	s22 =	simm.s32 $0x500  }
0x19: {  	s8 =	sshrl.u32 s4, $0x3;
	s4 =	sadd.s32 $0x5B400, s0;
	[dreg:$0xa] =	wrdreg s11  }
0x1a: {  	s6 =	sshrl.u32 s6, $0x3;
	s7 =	sshrl.u32 s7, $0x3;
	[dreg:$0x15] =	wrdreg s22  }
0x1b: {  	s9 =	sadd.s32 s8, s0;
	s1 =	sadd.s32 s4, s1;
	[dreg:$0x1e] =	wrdreg s7  }
0x1c: {  	s0 =	sadd.s32 s6, s0;
	s5 =	sadd.s32 s8, s5;
	[dreg:$0x1a] =	wrdreg s1  }
0x1d: {  	s6 =	ssub.s32 s10, s23;
	s23 =	simm.s32 $0x580;
	[dreg:$0x5] =	wrdreg s5  }
0x1e: {  	s8 =	sor.u32 $0x1C09, s25;
	s25 =	simm.s32 $0xC80;
	[dreg:$0x16] =	wrdreg s23  }
0x1f: {  	s11 =	simm.s32 $0x800;
	s22 =	simm.s32 $0x6;
	[dreg:$0x18] =	wrdreg s25  }
0x20: {  	s9 =	sadd.s32 $0x2400, s9;
	s5 =	simm.s32 $0x880;
	[dreg:$0x1b] =	wrdreg s8  }
0x21: {  	s0 =	sadd.s32 $0x82C00, s0;
	s10 =	smax.u32 s6, $0x1;
	[dreg:$0x4] =	wrdreg s9  }
0x22: {  	s23 =	simm.s32 $0x7;
	s25 =	simm.s32 $0xD80;
	[dreg:$0x1c] =	wrdreg s0  }
0x23: {  	s1 =	simm.s32 $0xE80;
	[dreg:$0x8] =	wrdreg s5;
	s9 =	simm.s32 $0x900  }
0x24: {  	[dreg:$0x1d] =	wrdreg s10;
	s10 =	simm.s32 $0x9;
	s0 =	simm.s32 $0xF00  }
0x25: {  	s5 =	simm.s32 $0xF80;
	[dreg:$0x9] =	wrdreg s9;
	s9 =	simm.s32 $0x0  }
.LBB2_1:
0x26: {  	[dreg:$0x1f] =	wrdreg s9  }
0x27: {  	s6 =	rddreg [dreg:$0x1a]  }
0x28: {  	[spmem:s7], [sflag:s8] =	dma.local [hbm:s6], $0x13C0  }
0x29: {  	_ =	swait.ge [sflag:s10], $0x13C0  }
0x2a: {  	[sflag:s10] =	ssyncset.done $0x0  }
0x2b: {  	[sflag:s10] =	ssyncadd.s32 $0xFFFFEC40  }
0x2c: {  	[bflag:$0x0] =	sbarrier.arrive $0xFFFF  }
0x2d: {  	s9 =	rddreg [dreg:$0x5]  }
0x2e: {  	s6 =	sadd.s32 $0x0, s9  }
0x2f: {  	[tilespmem:s3], [sflag:$0x9] =	stream.linear.gather [hbm4b:s6+s3], $0x800, $0x38;
	[tilespmem:$0x12E00] =	vst v63  }
0x30: {  	_ =	swait.ge [sflag:s10], $0x800  }
0x31: {  	s7 =	rddreg [dreg:$0x4];
	[sflag:s10] =	ssyncset.done $0x0  }
0x32: {  	[sflag:s10] =	ssyncadd.s32 $0xFFFFF800;
	s6 =	sadd.s32 $0x0, s7  }
0x33: {  	[tilespmem:s11], [sflag:$0x9] =	stream.linear.gather [hbm4b:s6+s3], $0x800, $0x38;
	[tilespmem:$0x12E00] =	vst v63  }
0x34: {  	_ =	swait.ge [sflag:s10], $0x800  }
0x35: {  	[sflag:s10] =	ssyncset.done $0x0  }
0x36: {  	[sflag:s10] =	ssyncadd.s32 $0xFFFFF800  }
0x37: {  	[tilespmem:s13], [sflag:$0x1] =	stream.indirect.gather [hbm4b:s4+s12], $0x40, s3, s12, $0xb8;
	[tilespmem:$0x12E00] =	vst v63  }
0x38: {  	_ = 	snop  }
0x39: {  	[tilespmem:s14], [sflag:$0x2] =	stream.indirect.gather [hbm4b:s4+s12], $0x40, s12, s12, $0xb8;
	[tilespmem:$0x12E00] =	vst v63  }
0x3a: {  	s8 =	rddreg [dreg:$0x6]  }
0x3b: {  	[tilespmem:s15], [sflag:$0x3] =	stream.indirect.gather [hbm4b:s4+s12], $0x40, s8, s12, $0xb8;
	[tilespmem:$0x12E00] =	vst v63  }
0x3c: {  	s9 =	rddreg [dreg:$0x7]  }
0x3d: {  	[tilespmem:s16], [sflag:$0x4] =	stream.indirect.gather [hbm4b:s4+s12], $0x40, s9, s12, $0xb8;
	[tilespmem:$0x12E00] =	vst v63  }
0x3e: {  	_ =	swait.ge [sflag:s17], $0x2000  }
0x3f: {  	[sflag:s17] =	ssyncset.done $0x0  }
0x40: {  	[sflag:s17] =	ssyncadd.s32 $0xFFFFE000  }
0x41: {  	[spmem:s2] =	stream.indirect.scatter.add.f32 [tilespmem:s13], [sflag:$0x5], $0x40, s11, s12, $0xb8;
	[tilespmem:$0x12E00] =	vst v63  }
0x42: {  	_ =	swait.ge [sflag:s18], $0x2000  }
0x43: {  	[sflag:s18] =	ssyncset.done $0x0  }
0x44: {  	s7 =	rddreg [dreg:$0x8];
	[sflag:s18] =	ssyncadd.s32 $0xFFFFE000  }
0x45: {  	[spmem:s2] =	stream.indirect.scatter.add.f32 [tilespmem:s14], [sflag:$0x6], $0x40, s7, s12, $0xb8;
	[tilespmem:$0x12E00] =	vst v63  }
0x46: {  	_ =	swait.ge [sflag:s19], $0x2000  }
0x47: {  	[sflag:s19] =	ssyncset.done $0x0  }
0x48: {  	s8 =	rddreg [dreg:$0x9];
	[sflag:s19] =	ssyncadd.s32 $0xFFFFE000  }
0x49: {  	[spmem:s2] =	stream.indirect.scatter.add.f32 [tilespmem:s15], [sflag:$0x7], $0x40, s8, s12, $0xb8;
	[tilespmem:$0x12E00] =	vst v63  }
0x4a: {  	_ =	swait.ge [sflag:s20], $0x2000  }
0x4b: {  	[sflag:s20] =	ssyncset.done $0x0  }
0x4c: {  	s9 =	rddreg [dreg:$0xa];
	[sflag:s20] =	ssyncadd.s32 $0xFFFFE000  }
0x4d: {  	[spmem:s2] =	stream.indirect.scatter.add.f32 [tilespmem:s16], [sflag:$0x8], $0x40, s9, s12, $0xb8;
	[tilespmem:$0x12E00] =	vst v63  }
0x4e: {  	_ =	swait.ge [sflag:s21], $0x2000  }
0x4f: {  	[sflag:s21] =	ssyncset.done $0x0  }
0x50: {  	s7 =	rddreg [dreg:$0xb];
	[sflag:s21] =	ssyncadd.s32 $0xFFFFE000  }
0x51: {  	[tilespmem:s13], [sflag:$0x1] =	stream.indirect.gather [hbm4b:s4+s12], $0x40, s7, s12, $0xb8;
	[tilespmem:$0x12E00] =	vst v63  }
0x52: {  	_ =	swait.ge [sflag:s22], $0x2000  }
0x53: {  	[sflag:s22] =	ssyncset.done $0x0  }
0x54: {  	s8 =	rddreg [dreg:$0xc];
	[sflag:s22] =	ssyncadd.s32 $0xFFFFE000  }
0x55: {  	[tilespmem:s14], [sflag:$0x2] =	stream.indirect.gather [hbm4b:s4+s12], $0x40, s8, s12, $0xb8;
	[tilespmem:$0x12E00] =	vst v63  }
0x56: {  	_ =	swait.ge [sflag:s23], $0x2000  }
0x57: {  	[sflag:s23] =	ssyncset.done $0x0  }
0x58: {  	s9 =	rddreg [dreg:$0xd];
	[sflag:s23] =	ssyncadd.s32 $0xFFFFE000  }
0x59: {  	[tilespmem:s15], [sflag:$0x3] =	stream.indirect.gather [hbm4b:s4+s12], $0x40, s9, s12, $0xb8;
	[tilespmem:$0x12E00] =	vst v63  }
0x5a: {  	_ =	swait.ge [sflag:s24], $0x2000  }
0x5b: {  	[sflag:s24] =	ssyncset.done $0x0  }
0x5c: {  	s7 =	rddreg [dreg:$0xe];
	[sflag:s24] =	ssyncadd.s32 $0xFFFFE000  }
0x5d: {  	[tilespmem:s16], [sflag:$0x4] =	stream.indirect.gather [hbm4b:s4+s12], $0x40, s7, s12, $0xb8;
	[tilespmem:$0x12E00] =	vst v63  }
0x5e: {  	_ =	swait.ge [sflag:s17], $0x2000  }
0x5f: {  	[sflag:s17] =	ssyncset.done $0x0  }
0x60: {  	s8 =	rddreg [dreg:$0xf];
	[sflag:s17] =	ssyncadd.s32 $0xFFFFE000  }
0x61: {  	[spmem:s2] =	stream.indirect.scatter.add.f32 [tilespmem:s13], [sflag:$0x5], $0x40, s8, s12, $0xb8;
	[tilespmem:$0x12E00] =	vst v63  }
0x62: {  	_ =	swait.ge [sflag:s18], $0x2000  }
0x63: {  	[sflag:s18] =	ssyncset.done $0x0  }
0x64: {  	s9 =	rddreg [dreg:$0x10];
	[sflag:s18] =	ssyncadd.s32 $0xFFFFE000  }
0x65: {  	[spmem:s2] =	stream.indirect.scatter.add.f32 [tilespmem:s14], [sflag:$0x6], $0x40, s9, s12, $0xb8;
	[tilespmem:$0x12E00] =	vst v63  }
0x66: {  	_ =	swait.ge [sflag:s19], $0x2000  }
0x67: {  	[sflag:s19] =	ssyncset.done $0x0  }
0x68: {  	s7 =	rddreg [dreg:$0x11];
	[sflag:s19] =	ssyncadd.s32 $0xFFFFE000  }
0x69: {  	[spmem:s2] =	stream.indirect.scatter.add.f32 [tilespmem:s15], [sflag:$0x7], $0x40, s7, s12, $0xb8;
	[tilespmem:$0x12E00] =	vst v63  }
0x6a: {  	_ =	swait.ge [sflag:s20], $0x2000  }
0x6b: {  	[sflag:s20] =	ssyncset.done $0x0  }
0x6c: {  	s8 =	rddreg [dreg:$0x12];
	[sflag:s20] =	ssyncadd.s32 $0xFFFFE000  }
0x6d: {  	[spmem:s2] =	stream.indirect.scatter.add.f32 [tilespmem:s16], [sflag:$0x8], $0x40, s8, s12, $0xb8;
	[tilespmem:$0x12E00] =	vst v63  }
0x6e: {  	_ =	swait.ge [sflag:s21], $0x2000  }
0x6f: {  	[sflag:s21] =	ssyncset.done $0x0  }
0x70: {  	s9 =	rddreg [dreg:$0x13];
	[sflag:s21] =	ssyncadd.s32 $0xFFFFE000  }
0x71: {  	[tilespmem:s13], [sflag:$0x1] =	stream.indirect.gather [hbm4b:s4+s12], $0x40, s9, s12, $0xb8;
	[tilespmem:$0x12E00] =	vst v63  }
0x72: {  	_ =	swait.ge [sflag:s22], $0x2000  }
0x73: {  	[sflag:s22] =	ssyncset.done $0x0  }
0x74: {  	s7 =	rddreg [dreg:$0x14];
	[sflag:s22] =	ssyncadd.s32 $0xFFFFE000  }
0x75: {  	[tilespmem:s14], [sflag:$0x2] =	stream.indirect.gather [hbm4b:s4+s12], $0x40, s7, s12, $0xb8;
	[tilespmem:$0x12E00] =	vst v63  }
0x76: {  	_ =	swait.ge [sflag:s23], $0x2000  }
0x77: {  	[sflag:s23] =	ssyncset.done $0x0  }
0x78: {  	s8 =	rddreg [dreg:$0x15];
	[sflag:s23] =	ssyncadd.s32 $0xFFFFE000  }
0x79: {  	[tilespmem:s15], [sflag:$0x3] =	stream.indirect.gather [hbm4b:s4+s12], $0x40, s8, s12, $0xb8;
	[tilespmem:$0x12E00] =	vst v63  }
0x7a: {  	_ =	swait.ge [sflag:s24], $0x2000  }
0x7b: {  	[sflag:s24] =	ssyncset.done $0x0  }
0x7c: {  	s9 =	rddreg [dreg:$0x16];
	[sflag:s24] =	ssyncadd.s32 $0xFFFFE000  }
0x7d: {  	[tilespmem:s16], [sflag:$0x4] =	stream.indirect.gather [hbm4b:s4+s12], $0x40, s9, s12, $0xb8;
	[tilespmem:$0x12E00] =	vst v63  }
0x7e: {  	_ =	swait.ge [sflag:s17], $0x2000  }
0x7f: {  	[sflag:s17] =	ssyncset.done $0x0  }
0x80: {  	s7 =	rddreg [dreg:$0x17];
	[sflag:s17] =	ssyncadd.s32 $0xFFFFE000  }
0x81: {  	[spmem:s2] =	stream.indirect.scatter.add.f32 [tilespmem:s13], [sflag:$0x5], $0x40, s7, s12, $0xb8;
	[tilespmem:$0x12E00] =	vst v63  }
0x82: {  	_ =	swait.ge [sflag:s18], $0x2000  }
0x83: {  	[sflag:s18] =	ssyncset.done $0x0  }
0x84: {  	s8 =	rddreg [dreg:$0x18];
	[sflag:s18] =	ssyncadd.s32 $0xFFFFE000  }
0x85: {  	[spmem:s2] =	stream.indirect.scatter.add.f32 [tilespmem:s14], [sflag:$0x6], $0x40, s8, s12, $0xb8;
	[tilespmem:$0x12E00] =	vst v63  }
0x86: {  	_ =	swait.ge [sflag:s19], $0x2000  }
0x87: {  	[sflag:s19] =	ssyncset.done $0x0  }
0x88: {  	s9 =	rddreg [dreg:$0x19];
	[sflag:s19] =	ssyncadd.s32 $0xFFFFE000  }
0x89: {  	[spmem:s2] =	stream.indirect.scatter.add.f32 [tilespmem:s15], [sflag:$0x7], $0x40, s9, s12, $0xb8;
	[tilespmem:$0x12E00] =	vst v63  }
0x8a: {  	_ =	swait.ge [sflag:s20], $0x2000  }
0x8b: {  	[sflag:s20] =	ssyncset.done $0x0  }
0x8c: {  	[sflag:s20] =	ssyncadd.s32 $0xFFFFE000  }
0x8d: {  	[spmem:s2] =	stream.indirect.scatter.add.f32 [tilespmem:s16], [sflag:$0x8], $0x40, s25, s12, $0xb8;
	[tilespmem:$0x12E00] =	vst v63  }
0x8e: {  	_ =	swait.ge [sflag:s21], $0x2000  }
0x8f: {  	[sflag:s21] =	ssyncset.done $0x0  }
0x90: {  	[sflag:s21] =	ssyncadd.s32 $0xFFFFE000  }
0x91: {  	[tilespmem:s13], [sflag:$0x1] =	stream.indirect.gather [hbm4b:s4+s12], $0x40, s26, s12, $0xb8;
	[tilespmem:$0x12E00] =	vst v63  }
0x92: {  	_ =	swait.ge [sflag:s22], $0x2000  }
0x93: {  	[sflag:s22] =	ssyncset.done $0x0  }
0x94: {  	[sflag:s22] =	ssyncadd.s32 $0xFFFFE000  }
0x95: {  	[tilespmem:s14], [sflag:$0x2] =	stream.indirect.gather [hbm4b:s4+s12], $0x40, s28, s12, $0xb8;
	[tilespmem:$0x12E00] =	vst v63  }
0x96: {  	_ =	swait.ge [sflag:s23], $0x2000  }
0x97: {  	[sflag:s23] =	ssyncset.done $0x0  }
0x98: {  	[sflag:s23] =	ssyncadd.s32 $0xFFFFE000  }
0x99: {  	[tilespmem:s15], [sflag:$0x3] =	stream.indirect.gather [hbm4b:s4+s12], $0x40, s29, s12, $0xb8;
	[tilespmem:$0x12E00] =	vst v63  }
0x9a: {  	_ =	swait.ge [sflag:s24], $0x2000  }
0x9b: {  	[sflag:s24] =	ssyncset.done $0x0  }
0x9c: {  	[sflag:s24] =	ssyncadd.s32 $0xFFFFE000  }
0x9d: {  	[tilespmem:s16], [sflag:$0x4] =	stream.indirect.gather [hbm4b:s4+s12], $0x40, s30, s12, $0xb8;
	[tilespmem:$0x12E00] =	vst v63  }
0x9e: {  	_ =	swait.ge [sflag:s17], $0x2000  }
0x9f: {  	[sflag:s17] =	ssyncset.done $0x0  }
0xa0: {  	[sflag:s17] =	ssyncadd.s32 $0xFFFFE000  }
0xa1: {  	[spmem:s2] =	stream.indirect.scatter.add.f32 [tilespmem:s13], [sflag:$0x5], $0x40, s31, s12, $0xb8;
	[tilespmem:$0x12E00] =	vst v63  }
0xa2: {  	_ =	swait.ge [sflag:s18], $0x2000  }
0xa3: {  	[sflag:s18] =	ssyncset.done $0x0  }
0xa4: {  	[sflag:s18] =	ssyncadd.s32 $0xFFFFE000  }
0xa5: {  	[spmem:s2] =	stream.indirect.scatter.add.f32 [tilespmem:s14], [sflag:$0x6], $0x40, s1, s12, $0xb8;
	[tilespmem:$0x12E00] =	vst v63  }
0xa6: {  	_ =	swait.ge [sflag:s19], $0x2000  }
0xa7: {  	[sflag:s19] =	ssyncset.done $0x0  }
0xa8: {  	[sflag:s19] =	ssyncadd.s32 $0xFFFFE000  }
0xa9: {  	[spmem:s2] =	stream.indirect.scatter.add.f32 [tilespmem:s15], [sflag:$0x7], $0x40, s0, s12, $0xb8;
	[tilespmem:$0x12E00] =	vst v63  }
0xaa: {  	_ =	swait.ge [sflag:s20], $0x2000  }
0xab: {  	[sflag:s20] =	ssyncset.done $0x0  }
0xac: {  	[sflag:s20] =	ssyncadd.s32 $0xFFFFE000  }
0xad: {  	[spmem:s2] =	stream.indirect.scatter.add.f32 [tilespmem:s16], [sflag:$0x8], $0x40, s5, s12, $0xb8;
	[tilespmem:$0x12E00] =	vst v63  }
0xae: {  	_ =	swait.ge [sflag:s21], $0x2000  }
0xaf: {  	[sflag:s21] =	ssyncset.done $0x0  }
0xb0: {  	[sflag:s21] =	ssyncadd.s32 $0xFFFFE000  }
0xb1: {  	_ =	swait.ge [sflag:s22], $0x2000  }
0xb2: {  	[sflag:s22] =	ssyncset.done $0x0  }
0xb3: {  	[sflag:s22] =	ssyncadd.s32 $0xFFFFE000  }
0xb4: {  	_ =	swait.ge [sflag:s23], $0x2000  }
0xb5: {  	[sflag:s23] =	ssyncset.done $0x0  }
0xb6: {  	[sflag:s23] =	ssyncadd.s32 $0xFFFFE000  }
0xb7: {  	s6 =	simm.s32 $0x200;
	_ =	swait.ge [sflag:s24], $0x2000  }
0xb8: {  	s8 =	simm.s32 $0x100;
	s9 =	rddreg [dreg:$0x5];
	[sflag:s24] =	ssyncset.done $0x0  }
.LBB2_2:
0xb9: {  	[sflag:s24] =	ssyncadd.s32 $0xFFFFE000;
	s9 =	sadd.s32 s8, s9  }
0xba: {  	[tilespmem:s3], [sflag:$0x9] =	stream.linear.gather [hbm4b:s9+s3], $0x800, $0x38;
	[tilespmem:$0x12E00] =	vst v63  }
0xbb: {  	_ =	swait.ge [sflag:s10], $0x800  }
0xbc: {  	s9 =	rddreg [dreg:$0x4];
	[sflag:s10] =	ssyncset.done $0x0  }
0xbd: {  	[sflag:s10] =	ssyncadd.s32 $0xFFFFF800;
	s9 =	sadd.s32 s8, s9  }
0xbe: {  	[tilespmem:s11], [sflag:$0x9] =	stream.linear.gather [hbm4b:s9+s3], $0x800, $0x38;
	[tilespmem:$0x12E00] =	vst v63  }
0xbf: {  	_ =	swait.ge [sflag:s10], $0x800  }
0xc0: {  	[sflag:s10] =	ssyncset.done $0x0  }
0xc1: {  	[sflag:s10] =	ssyncadd.s32 $0xFFFFF800  }
0xc2: {  	[tilespmem:s13], [sflag:$0x1] =	stream.indirect.gather [hbm4b:s4+s12], $0x40, s3, s12, $0xb8;
	[tilespmem:$0x12E00] =	vst v63  }
0xc3: {  	s7 =	smov.u32 s6  }
0xc4: {  	[tilespmem:s14], [sflag:$0x2] =	stream.indirect.gather [hbm4b:s4+s12], $0x40, s12, s12, $0xb8;
	[tilespmem:$0x12E00] =	vst v63  }
0xc5: {  	s8 =	smov.u32 s7;
	s7 =	rddreg [dreg:$0x6]  }
0xc6: {  	[tilespmem:s15], [sflag:$0x3] =	stream.indirect.gather [hbm4b:s4+s12], $0x40, s7, s12, $0xb8;
	[tilespmem:$0x12E00] =	vst v63  }
0xc7: {  	s9 =	rddreg [dreg:$0x7]  }
0xc8: {  	[tilespmem:s16], [sflag:$0x4] =	stream.indirect.gather [hbm4b:s4+s12], $0x40, s9, s12, $0xb8;
	[tilespmem:$0x12E00] =	vst v63  }
0xc9: {  	_ =	swait.ge [sflag:s17], $0x2000  }
0xca: {  	[sflag:s17] =	ssyncset.done $0x0  }
0xcb: {  	[sflag:s17] =	ssyncadd.s32 $0xFFFFE000  }
0xcc: {  	[spmem:s2] =	stream.indirect.scatter.add.f32 [tilespmem:s13], [sflag:$0x5], $0x40, s11, s12, $0xb8;
	[tilespmem:$0x12E00] =	vst v63  }
0xcd: {  	_ =	swait.ge [sflag:s18], $0x2000  }
0xce: {  	[sflag:s18] =	ssyncset.done $0x0  }
0xcf: {  	s9 =	rddreg [dreg:$0x8];
	[sflag:s18] =	ssyncadd.s32 $0xFFFFE000  }
0xd0: {  	[spmem:s2] =	stream.indirect.scatter.add.f32 [tilespmem:s14], [sflag:$0x6], $0x40, s9, s12, $0xb8;
	[tilespmem:$0x12E00] =	vst v63  }
0xd1: {  	_ =	swait.ge [sflag:s19], $0x2000  }
0xd2: {  	[sflag:s19] =	ssyncset.done $0x0  }
0xd3: {  	s9 =	rddreg [dreg:$0x9];
	[sflag:s19] =	ssyncadd.s32 $0xFFFFE000  }
0xd4: {  	[spmem:s2] =	stream.indirect.scatter.add.f32 [tilespmem:s15], [sflag:$0x7], $0x40, s9, s12, $0xb8;
	[tilespmem:$0x12E00] =	vst v63  }
0xd5: {  	_ =	swait.ge [sflag:s20], $0x2000  }
0xd6: {  	[sflag:s20] =	ssyncset.done $0x0  }
0xd7: {  	s9 =	rddreg [dreg:$0xa];
	[sflag:s20] =	ssyncadd.s32 $0xFFFFE000  }
0xd8: {  	[spmem:s2] =	stream.indirect.scatter.add.f32 [tilespmem:s16], [sflag:$0x8], $0x40, s9, s12, $0xb8;
	[tilespmem:$0x12E00] =	vst v63  }
0xd9: {  	_ =	swait.ge [sflag:s21], $0x2000  }
0xda: {  	[sflag:s21] =	ssyncset.done $0x0  }
0xdb: {  	s9 =	rddreg [dreg:$0xb];
	[sflag:s21] =	ssyncadd.s32 $0xFFFFE000  }
0xdc: {  	[tilespmem:s13], [sflag:$0x1] =	stream.indirect.gather [hbm4b:s4+s12], $0x40, s9, s12, $0xb8;
	[tilespmem:$0x12E00] =	vst v63  }
0xdd: {  	_ =	swait.ge [sflag:s22], $0x2000  }
0xde: {  	[sflag:s22] =	ssyncset.done $0x0  }
0xdf: {  	s9 =	rddreg [dreg:$0xc];
	[sflag:s22] =	ssyncadd.s32 $0xFFFFE000  }
0xe0: {  	[tilespmem:s14], [sflag:$0x2] =	stream.indirect.gather [hbm4b:s4+s12], $0x40, s9, s12, $0xb8;
	[tilespmem:$0x12E00] =	vst v63  }
0xe1: {  	_ =	swait.ge [sflag:s23], $0x2000  }
0xe2: {  	[sflag:s23] =	ssyncset.done $0x0  }
0xe3: {  	s9 =	rddreg [dreg:$0xd];
	[sflag:s23] =	ssyncadd.s32 $0xFFFFE000  }
0xe4: {  	[tilespmem:s15], [sflag:$0x3] =	stream.indirect.gather [hbm4b:s4+s12], $0x40, s9, s12, $0xb8;
	[tilespmem:$0x12E00] =	vst v63  }
0xe5: {  	_ =	swait.ge [sflag:s24], $0x2000  }
0xe6: {  	[sflag:s24] =	ssyncset.done $0x0  }
0xe7: {  	s9 =	rddreg [dreg:$0xe];
	[sflag:s24] =	ssyncadd.s32 $0xFFFFE000  }
0xe8: {  	[tilespmem:s16], [sflag:$0x4] =	stream.indirect.gather [hbm4b:s4+s12], $0x40, s9, s12, $0xb8;
	[tilespmem:$0x12E00] =	vst v63  }
0xe9: {  	_ =	swait.ge [sflag:s17], $0x2000  }
0xea: {  	[sflag:s17] =	ssyncset.done $0x0  }
0xeb: {  	s9 =	rddreg [dreg:$0xf];
	[sflag:s17] =	ssyncadd.s32 $0xFFFFE000  }
0xec: {  	[spmem:s2] =	stream.indirect.scatter.add.f32 [tilespmem:s13], [sflag:$0x5], $0x40, s9, s12, $0xb8;
	[tilespmem:$0x12E00] =	vst v63  }
0xed: {  	_ =	swait.ge [sflag:s18], $0x2000  }
0xee: {  	[sflag:s18] =	ssyncset.done $0x0  }
0xef: {  	s9 =	rddreg [dreg:$0x10];
	[sflag:s18] =	ssyncadd.s32 $0xFFFFE000  }
0xf0: {  	[spmem:s2] =	stream.indirect.scatter.add.f32 [tilespmem:s14], [sflag:$0x6], $0x40, s9, s12, $0xb8;
	[tilespmem:$0x12E00] =	vst v63  }
0xf1: {  	_ =	swait.ge [sflag:s19], $0x2000  }
0xf2: {  	[sflag:s19] =	ssyncset.done $0x0  }
0xf3: {  	s9 =	rddreg [dreg:$0x11];
	[sflag:s19] =	ssyncadd.s32 $0xFFFFE000  }
0xf4: {  	[spmem:s2] =	stream.indirect.scatter.add.f32 [tilespmem:s15], [sflag:$0x7], $0x40, s9, s12, $0xb8;
	[tilespmem:$0x12E00] =	vst v63  }
0xf5: {  	_ =	swait.ge [sflag:s20], $0x2000  }
0xf6: {  	[sflag:s20] =	ssyncset.done $0x0  }
0xf7: {  	s9 =	rddreg [dreg:$0x12];
	[sflag:s20] =	ssyncadd.s32 $0xFFFFE000  }
0xf8: {  	[spmem:s2] =	stream.indirect.scatter.add.f32 [tilespmem:s16], [sflag:$0x8], $0x40, s9, s12, $0xb8;
	[tilespmem:$0x12E00] =	vst v63  }
0xf9: {  	_ =	swait.ge [sflag:s21], $0x2000  }
0xfa: {  	[sflag:s21] =	ssyncset.done $0x0  }
0xfb: {  	s9 =	rddreg [dreg:$0x13];
	[sflag:s21] =	ssyncadd.s32 $0xFFFFE000  }
0xfc: {  	[tilespmem:s13], [sflag:$0x1] =	stream.indirect.gather [hbm4b:s4+s12], $0x40, s9, s12, $0xb8;
	[tilespmem:$0x12E00] =	vst v63  }
0xfd: {  	_ =	swait.ge [sflag:s22], $0x2000  }
0xfe: {  	[sflag:s22] =	ssyncset.done $0x0  }
0xff: {  	s9 =	rddreg [dreg:$0x14];
	[sflag:s22] =	ssyncadd.s32 $0xFFFFE000  }
0x100: {  	[tilespmem:s14], [sflag:$0x2] =	stream.indirect.gather [hbm4b:s4+s12], $0x40, s9, s12, $0xb8;
	[tilespmem:$0x12E00] =	vst v63  }
0x101: {  	_ =	swait.ge [sflag:s23], $0x2000  }
0x102: {  	[sflag:s23] =	ssyncset.done $0x0  }
0x103: {  	s9 =	rddreg [dreg:$0x15];
	[sflag:s23] =	ssyncadd.s32 $0xFFFFE000  }
0x104: {  	[tilespmem:s15], [sflag:$0x3] =	stream.indirect.gather [hbm4b:s4+s12], $0x40, s9, s12, $0xb8;
	[tilespmem:$0x12E00] =	vst v63  }
0x105: {  	_ =	swait.ge [sflag:s24], $0x2000  }
0x106: {  	[sflag:s24] =	ssyncset.done $0x0  }
0x107: {  	s9 =	rddreg [dreg:$0x16];
	[sflag:s24] =	ssyncadd.s32 $0xFFFFE000  }
0x108: {  	[tilespmem:s16], [sflag:$0x4] =	stream.indirect.gather [hbm4b:s4+s12], $0x40, s9, s12, $0xb8;
	[tilespmem:$0x12E00] =	vst v63  }
0x109: {  	_ =	swait.ge [sflag:s17], $0x2000  }
0x10a: {  	[sflag:s17] =	ssyncset.done $0x0  }
0x10b: {  	s9 =	rddreg [dreg:$0x17];
	[sflag:s17] =	ssyncadd.s32 $0xFFFFE000  }
0x10c: {  	[spmem:s2] =	stream.indirect.scatter.add.f32 [tilespmem:s13], [sflag:$0x5], $0x40, s9, s12, $0xb8;
	[tilespmem:$0x12E00] =	vst v63  }
0x10d: {  	_ =	swait.ge [sflag:s18], $0x2000  }
0x10e: {  	[sflag:s18] =	ssyncset.done $0x0  }
0x10f: {  	s9 =	rddreg [dreg:$0x18];
	[sflag:s18] =	ssyncadd.s32 $0xFFFFE000  }
0x110: {  	[spmem:s2] =	stream.indirect.scatter.add.f32 [tilespmem:s14], [sflag:$0x6], $0x40, s9, s12, $0xb8;
	[tilespmem:$0x12E00] =	vst v63  }
0x111: {  	_ =	swait.ge [sflag:s19], $0x2000  }
0x112: {  	[sflag:s19] =	ssyncset.done $0x0  }
0x113: {  	s9 =	rddreg [dreg:$0x19];
	[sflag:s19] =	ssyncadd.s32 $0xFFFFE000  }
0x114: {  	[spmem:s2] =	stream.indirect.scatter.add.f32 [tilespmem:s15], [sflag:$0x7], $0x40, s9, s12, $0xb8;
	[tilespmem:$0x12E00] =	vst v63  }
0x115: {  	_ =	swait.ge [sflag:s20], $0x2000  }
0x116: {  	[sflag:s20] =	ssyncset.done $0x0  }
0x117: {  	[sflag:s20] =	ssyncadd.s32 $0xFFFFE000  }
0x118: {  	[spmem:s2] =	stream.indirect.scatter.add.f32 [tilespmem:s16], [sflag:$0x8], $0x40, s25, s12, $0xb8;
	[tilespmem:$0x12E00] =	vst v63  }
0x119: {  	_ =	swait.ge [sflag:s21], $0x2000  }
0x11a: {  	[sflag:s21] =	ssyncset.done $0x0  }
0x11b: {  	[sflag:s21] =	ssyncadd.s32 $0xFFFFE000  }
0x11c: {  	[tilespmem:s13], [sflag:$0x1] =	stream.indirect.gather [hbm4b:s4+s12], $0x40, s26, s12, $0xb8;
	[tilespmem:$0x12E00] =	vst v63  }
0x11d: {  	_ =	swait.ge [sflag:s22], $0x2000  }
0x11e: {  	[sflag:s22] =	ssyncset.done $0x0  }
0x11f: {  	[sflag:s22] =	ssyncadd.s32 $0xFFFFE000  }
0x120: {  	[tilespmem:s14], [sflag:$0x2] =	stream.indirect.gather [hbm4b:s4+s12], $0x40, s28, s12, $0xb8;
	[tilespmem:$0x12E00] =	vst v63  }
0x121: {  	_ =	swait.ge [sflag:s23], $0x2000  }
0x122: {  	[sflag:s23] =	ssyncset.done $0x0  }
0x123: {  	[sflag:s23] =	ssyncadd.s32 $0xFFFFE000  }
0x124: {  	[tilespmem:s15], [sflag:$0x3] =	stream.indirect.gather [hbm4b:s4+s12], $0x40, s29, s12, $0xb8;
	[tilespmem:$0x12E00] =	vst v63  }
0x125: {  	_ =	swait.ge [sflag:s24], $0x2000  }
0x126: {  	[sflag:s24] =	ssyncset.done $0x0  }
0x127: {  	[sflag:s24] =	ssyncadd.s32 $0xFFFFE000  }
0x128: {  	[tilespmem:s16], [sflag:$0x4] =	stream.indirect.gather [hbm4b:s4+s12], $0x40, s30, s12, $0xb8;
	[tilespmem:$0x12E00] =	vst v63  }
0x129: {  	_ =	swait.ge [sflag:s17], $0x2000  }
0x12a: {  	[sflag:s17] =	ssyncset.done $0x0  }
0x12b: {  	[sflag:s17] =	ssyncadd.s32 $0xFFFFE000  }
0x12c: {  	[spmem:s2] =	stream.indirect.scatter.add.f32 [tilespmem:s13], [sflag:$0x5], $0x40, s31, s12, $0xb8;
	[tilespmem:$0x12E00] =	vst v63  }
0x12d: {  	_ =	swait.ge [sflag:s18], $0x2000  }
0x12e: {  	[sflag:s18] =	ssyncset.done $0x0  }
0x12f: {  	[sflag:s18] =	ssyncadd.s32 $0xFFFFE000  }
0x130: {  	[spmem:s2] =	stream.indirect.scatter.add.f32 [tilespmem:s14], [sflag:$0x6], $0x40, s1, s12, $0xb8;
	[tilespmem:$0x12E00] =	vst v63  }
0x131: {  	_ =	swait.ge [sflag:s19], $0x2000  }
0x132: {  	[sflag:s19] =	ssyncset.done $0x0  }
0x133: {  	[sflag:s19] =	ssyncadd.s32 $0xFFFFE000  }
0x134: {  	[spmem:s2] =	stream.indirect.scatter.add.f32 [tilespmem:s15], [sflag:$0x7], $0x40, s0, s12, $0xb8;
	[tilespmem:$0x12E00] =	vst v63  }
0x135: {  	_ =	swait.ge [sflag:s20], $0x2000  }
0x136: {  	[sflag:s20] =	ssyncset.done $0x0  }
0x137: {  	[sflag:s20] =	ssyncadd.s32 $0xFFFFE000  }
0x138: {  	[spmem:s2] =	stream.indirect.scatter.add.f32 [tilespmem:s16], [sflag:$0x8], $0x40, s5, s12, $0xb8;
	[tilespmem:$0x12E00] =	vst v63  }
0x139: {  	_ =	swait.ge [sflag:s21], $0x2000  }
0x13a: {  	[sflag:s21] =	ssyncset.done $0x0  }
0x13b: {  	[sflag:s21] =	ssyncadd.s32 $0xFFFFE000  }
0x13c: {  	_ =	swait.ge [sflag:s22], $0x2000  }
0x13d: {  	[sflag:s22] =	ssyncset.done $0x0  }
0x13e: {  	p0 =	sne.s32 s6, $0x400;
	[sflag:s22] =	ssyncadd.s32 $0xFFFFE000  }
.Ltmp0:
0x13f: {  	_ =	swait.ge [sflag:s23], $0x2000;
	(pc) =	sbr.rel @p0 .LBB2_2-.Ltmp0, $4  }
0x140: {  	[sflag:s23] =	ssyncset.done $0x0  }
0x141: {  	[sflag:s23] =	ssyncadd.s32 $0xFFFFE000  }
0x142: {  	_ =	swait.ge [sflag:s24], $0x2000  }
0x143: {  	s6 =	sadd.s32 $0x100, s6;
	s9 =	rddreg [dreg:$0x5];
	[sflag:s24] =	ssyncset.done $0x0  }
0x144: {  	[sflag:s24] =	ssyncadd.s32 $0xFFFFE000;
	s6 =	sadd.s32 s8, s9  }
0x145: {  	[tilespmem:s3], [sflag:$0x9] =	stream.linear.gather [hbm4b:s6+s3], $0x800, $0x38;
	[tilespmem:$0x12E00] =	vst v63  }
0x146: {  	_ =	swait.ge [sflag:s10], $0x800  }
0x147: {  	s7 =	rddreg [dreg:$0x4];
	[sflag:s10] =	ssyncset.done $0x0  }
0x148: {  	[sflag:s10] =	ssyncadd.s32 $0xFFFFF800;
	s6 =	sadd.s32 s8, s7  }
0x149: {  	[tilespmem:s11], [sflag:$0x9] =	stream.linear.gather [hbm4b:s6+s3], $0x800, $0x38;
	[tilespmem:$0x12E00] =	vst v63  }
0x14a: {  	_ =	swait.ge [sflag:s10], $0x800  }
0x14b: {  	[sflag:s10] =	ssyncset.done $0x0  }
0x14c: {  	[sflag:s10] =	ssyncadd.s32 $0xFFFFF800  }
0x14d: {  	[tilespmem:s13], [sflag:$0x1] =	stream.indirect.gather [hbm4b:s4+s12], $0x40, s3, s12, $0xb8;
	[tilespmem:$0x12E00] =	vst v63  }
0x14e: {  	_ = 	snop  }
0x14f: {  	[tilespmem:s14], [sflag:$0x2] =	stream.indirect.gather [hbm4b:s4+s12], $0x40, s12, s12, $0xb8;
	[tilespmem:$0x12E00] =	vst v63  }
0x150: {  	s8 =	rddreg [dreg:$0x6]  }
0x151: {  	[tilespmem:s15], [sflag:$0x3] =	stream.indirect.gather [hbm4b:s4+s12], $0x40, s8, s12, $0xb8;
	[tilespmem:$0x12E00] =	vst v63  }
0x152: {  	s7 =	rddreg [dreg:$0x7]  }
0x153: {  	[tilespmem:s16], [sflag:$0x4] =	stream.indirect.gather [hbm4b:s4+s12], $0x40, s7, s12, $0xb8;
	[tilespmem:$0x12E00] =	vst v63  }
0x154: {  	_ =	swait.ge [sflag:s17], $0x2000  }
0x155: {  	[sflag:s17] =	ssyncset.done $0x0  }
0x156: {  	[sflag:s17] =	ssyncadd.s32 $0xFFFFE000  }
0x157: {  	[spmem:s2] =	stream.indirect.scatter.add.f32 [tilespmem:s13], [sflag:$0x5], $0x40, s11, s12, $0xb8;
	[tilespmem:$0x12E00] =	vst v63  }
0x158: {  	_ =	swait.ge [sflag:s18], $0x2000  }
0x159: {  	[sflag:s18] =	ssyncset.done $0x0  }
0x15a: {  	s9 =	rddreg [dreg:$0x8];
	[sflag:s18] =	ssyncadd.s32 $0xFFFFE000  }
0x15b: {  	[spmem:s2] =	stream.indirect.scatter.add.f32 [tilespmem:s14], [sflag:$0x6], $0x40, s9, s12, $0xb8;
	[tilespmem:$0x12E00] =	vst v63  }
0x15c: {  	_ =	swait.ge [sflag:s19], $0x2000  }
0x15d: {  	[sflag:s19] =	ssyncset.done $0x0  }
0x15e: {  	s7 =	rddreg [dreg:$0x9];
	[sflag:s19] =	ssyncadd.s32 $0xFFFFE000  }
0x15f: {  	[spmem:s2] =	stream.indirect.scatter.add.f32 [tilespmem:s15], [sflag:$0x7], $0x40, s7, s12, $0xb8;
	[tilespmem:$0x12E00] =	vst v63  }
0x160: {  	_ =	swait.ge [sflag:s20], $0x2000  }
0x161: {  	[sflag:s20] =	ssyncset.done $0x0  }
0x162: {  	s8 =	rddreg [dreg:$0xa];
	[sflag:s20] =	ssyncadd.s32 $0xFFFFE000  }
0x163: {  	[spmem:s2] =	stream.indirect.scatter.add.f32 [tilespmem:s16], [sflag:$0x8], $0x40, s8, s12, $0xb8;
	[tilespmem:$0x12E00] =	vst v63  }
0x164: {  	_ =	swait.ge [sflag:s21], $0x2000  }
0x165: {  	[sflag:s21] =	ssyncset.done $0x0  }
0x166: {  	s9 =	rddreg [dreg:$0xb];
	[sflag:s21] =	ssyncadd.s32 $0xFFFFE000  }
0x167: {  	[tilespmem:s13], [sflag:$0x1] =	stream.indirect.gather [hbm4b:s4+s12], $0x40, s9, s12, $0xb8;
	[tilespmem:$0x12E00] =	vst v63  }
0x168: {  	_ =	swait.ge [sflag:s22], $0x2000  }
0x169: {  	[sflag:s22] =	ssyncset.done $0x0  }
0x16a: {  	s7 =	rddreg [dreg:$0xc];
	[sflag:s22] =	ssyncadd.s32 $0xFFFFE000  }
0x16b: {  	[tilespmem:s14], [sflag:$0x2] =	stream.indirect.gather [hbm4b:s4+s12], $0x40, s7, s12, $0xb8;
	[tilespmem:$0x12E00] =	vst v63  }
0x16c: {  	_ =	swait.ge [sflag:s23], $0x2000  }
0x16d: {  	[sflag:s23] =	ssyncset.done $0x0  }
0x16e: {  	s8 =	rddreg [dreg:$0xd];
	[sflag:s23] =	ssyncadd.s32 $0xFFFFE000  }
0x16f: {  	[tilespmem:s15], [sflag:$0x3] =	stream.indirect.gather [hbm4b:s4+s12], $0x40, s8, s12, $0xb8;
	[tilespmem:$0x12E00] =	vst v63  }
0x170: {  	_ =	swait.ge [sflag:s24], $0x2000  }
0x171: {  	[sflag:s24] =	ssyncset.done $0x0  }
0x172: {  	s9 =	rddreg [dreg:$0xe];
	[sflag:s24] =	ssyncadd.s32 $0xFFFFE000  }
0x173: {  	[tilespmem:s16], [sflag:$0x4] =	stream.indirect.gather [hbm4b:s4+s12], $0x40, s9, s12, $0xb8;
	[tilespmem:$0x12E00] =	vst v63  }
0x174: {  	_ =	swait.ge [sflag:s17], $0x2000  }
0x175: {  	[sflag:s17] =	ssyncset.done $0x0  }
0x176: {  	s7 =	rddreg [dreg:$0xf];
	[sflag:s17] =	ssyncadd.s32 $0xFFFFE000  }
0x177: {  	[spmem:s2] =	stream.indirect.scatter.add.f32 [tilespmem:s13], [sflag:$0x5], $0x40, s7, s12, $0xb8;
	[tilespmem:$0x12E00] =	vst v63  }
0x178: {  	_ =	swait.ge [sflag:s18], $0x2000  }
0x179: {  	[sflag:s18] =	ssyncset.done $0x0  }
0x17a: {  	s8 =	rddreg [dreg:$0x10];
	[sflag:s18] =	ssyncadd.s32 $0xFFFFE000  }
0x17b: {  	[spmem:s2] =	stream.indirect.scatter.add.f32 [tilespmem:s14], [sflag:$0x6], $0x40, s8, s12, $0xb8;
	[tilespmem:$0x12E00] =	vst v63  }
0x17c: {  	_ =	swait.ge [sflag:s19], $0x2000  }
0x17d: {  	[sflag:s19] =	ssyncset.done $0x0  }
0x17e: {  	s9 =	rddreg [dreg:$0x11];
	[sflag:s19] =	ssyncadd.s32 $0xFFFFE000  }
0x17f: {  	[spmem:s2] =	stream.indirect.scatter.add.f32 [tilespmem:s15], [sflag:$0x7], $0x40, s9, s12, $0xb8;
	[tilespmem:$0x12E00] =	vst v63  }
0x180: {  	_ =	swait.ge [sflag:s20], $0x2000  }
0x181: {  	[sflag:s20] =	ssyncset.done $0x0  }
0x182: {  	s7 =	rddreg [dreg:$0x12];
	[sflag:s20] =	ssyncadd.s32 $0xFFFFE000  }
0x183: {  	[spmem:s2] =	stream.indirect.scatter.add.f32 [tilespmem:s16], [sflag:$0x8], $0x40, s7, s12, $0xb8;
	[tilespmem:$0x12E00] =	vst v63  }
0x184: {  	_ =	swait.ge [sflag:s21], $0x2000  }
0x185: {  	[sflag:s21] =	ssyncset.done $0x0  }
0x186: {  	s8 =	rddreg [dreg:$0x13];
	[sflag:s21] =	ssyncadd.s32 $0xFFFFE000  }
0x187: {  	[tilespmem:s13], [sflag:$0x1] =	stream.indirect.gather [hbm4b:s4+s12], $0x40, s8, s12, $0xb8;
	[tilespmem:$0x12E00] =	vst v63  }
0x188: {  	_ =	swait.ge [sflag:s22], $0x2000  }
0x189: {  	[sflag:s22] =	ssyncset.done $0x0  }
0x18a: {  	s9 =	rddreg [dreg:$0x14];
	[sflag:s22] =	ssyncadd.s32 $0xFFFFE000  }
0x18b: {  	[tilespmem:s14], [sflag:$0x2] =	stream.indirect.gather [hbm4b:s4+s12], $0x40, s9, s12, $0xb8;
	[tilespmem:$0x12E00] =	vst v63  }
0x18c: {  	_ =	swait.ge [sflag:s23], $0x2000  }
0x18d: {  	[sflag:s23] =	ssyncset.done $0x0  }
0x18e: {  	s7 =	rddreg [dreg:$0x15];
	[sflag:s23] =	ssyncadd.s32 $0xFFFFE000  }
0x18f: {  	[tilespmem:s15], [sflag:$0x3] =	stream.indirect.gather [hbm4b:s4+s12], $0x40, s7, s12, $0xb8;
	[tilespmem:$0x12E00] =	vst v63  }
0x190: {  	_ =	swait.ge [sflag:s24], $0x2000  }
0x191: {  	[sflag:s24] =	ssyncset.done $0x0  }
0x192: {  	s8 =	rddreg [dreg:$0x16];
	[sflag:s24] =	ssyncadd.s32 $0xFFFFE000  }
0x193: {  	[tilespmem:s16], [sflag:$0x4] =	stream.indirect.gather [hbm4b:s4+s12], $0x40, s8, s12, $0xb8;
	[tilespmem:$0x12E00] =	vst v63  }
0x194: {  	_ =	swait.ge [sflag:s17], $0x2000  }
0x195: {  	[sflag:s17] =	ssyncset.done $0x0  }
0x196: {  	s9 =	rddreg [dreg:$0x17];
	[sflag:s17] =	ssyncadd.s32 $0xFFFFE000  }
0x197: {  	[spmem:s2] =	stream.indirect.scatter.add.f32 [tilespmem:s13], [sflag:$0x5], $0x40, s9, s12, $0xb8;
	[tilespmem:$0x12E00] =	vst v63  }
0x198: {  	_ =	swait.ge [sflag:s18], $0x2000  }
0x199: {  	[sflag:s18] =	ssyncset.done $0x0  }
0x19a: {  	s7 =	rddreg [dreg:$0x18];
	[sflag:s18] =	ssyncadd.s32 $0xFFFFE000  }
0x19b: {  	[spmem:s2] =	stream.indirect.scatter.add.f32 [tilespmem:s14], [sflag:$0x6], $0x40, s7, s12, $0xb8;
	[tilespmem:$0x12E00] =	vst v63  }
0x19c: {  	_ =	swait.ge [sflag:s19], $0x2000  }
0x19d: {  	[sflag:s19] =	ssyncset.done $0x0  }
0x19e: {  	s8 =	rddreg [dreg:$0x19];
	[sflag:s19] =	ssyncadd.s32 $0xFFFFE000  }
0x19f: {  	[spmem:s2] =	stream.indirect.scatter.add.f32 [tilespmem:s15], [sflag:$0x7], $0x40, s8, s12, $0xb8;
	[tilespmem:$0x12E00] =	vst v63  }
0x1a0: {  	_ =	swait.ge [sflag:s20], $0x2000  }
0x1a1: {  	[sflag:s20] =	ssyncset.done $0x0  }
0x1a2: {  	[sflag:s20] =	ssyncadd.s32 $0xFFFFE000  }
0x1a3: {  	[spmem:s2] =	stream.indirect.scatter.add.f32 [tilespmem:s16], [sflag:$0x8], $0x40, s25, s12, $0xb8;
	[tilespmem:$0x12E00] =	vst v63  }
0x1a4: {  	_ =	swait.ge [sflag:s21], $0x2000  }
0x1a5: {  	[sflag:s21] =	ssyncset.done $0x0  }
0x1a6: {  	[sflag:s21] =	ssyncadd.s32 $0xFFFFE000  }
0x1a7: {  	[tilespmem:s13], [sflag:$0x1] =	stream.indirect.gather [hbm4b:s4+s12], $0x40, s26, s12, $0xb8;
	[tilespmem:$0x12E00] =	vst v63  }
0x1a8: {  	_ =	swait.ge [sflag:s22], $0x2000  }
0x1a9: {  	[sflag:s22] =	ssyncset.done $0x0  }
0x1aa: {  	[sflag:s22] =	ssyncadd.s32 $0xFFFFE000  }
0x1ab: {  	[tilespmem:s14], [sflag:$0x2] =	stream.indirect.gather [hbm4b:s4+s12], $0x40, s28, s12, $0xb8;
	[tilespmem:$0x12E00] =	vst v63  }
0x1ac: {  	_ =	swait.ge [sflag:s23], $0x2000  }
0x1ad: {  	[sflag:s23] =	ssyncset.done $0x0  }
0x1ae: {  	[sflag:s23] =	ssyncadd.s32 $0xFFFFE000  }
0x1af: {  	[tilespmem:s15], [sflag:$0x3] =	stream.indirect.gather [hbm4b:s4+s12], $0x40, s29, s12, $0xb8;
	[tilespmem:$0x12E00] =	vst v63  }
0x1b0: {  	_ =	swait.ge [sflag:s24], $0x2000  }
0x1b1: {  	[sflag:s24] =	ssyncset.done $0x0  }
0x1b2: {  	[sflag:s24] =	ssyncadd.s32 $0xFFFFE000  }
0x1b3: {  	[tilespmem:s16], [sflag:$0x4] =	stream.indirect.gather [hbm4b:s4+s12], $0x40, s30, s12, $0xb8;
	[tilespmem:$0x12E00] =	vst v63  }
0x1b4: {  	_ =	swait.ge [sflag:s17], $0x2000  }
0x1b5: {  	[sflag:s17] =	ssyncset.done $0x0  }
0x1b6: {  	[sflag:s17] =	ssyncadd.s32 $0xFFFFE000  }
0x1b7: {  	[spmem:s2] =	stream.indirect.scatter.add.f32 [tilespmem:s13], [sflag:$0x5], $0x40, s31, s12, $0xb8;
	[tilespmem:$0x12E00] =	vst v63  }
0x1b8: {  	_ =	swait.ge [sflag:s18], $0x2000  }
0x1b9: {  	[sflag:s18] =	ssyncset.done $0x0  }
0x1ba: {  	[sflag:s18] =	ssyncadd.s32 $0xFFFFE000  }
0x1bb: {  	[spmem:s2] =	stream.indirect.scatter.add.f32 [tilespmem:s14], [sflag:$0x6], $0x40, s1, s12, $0xb8;
	[tilespmem:$0x12E00] =	vst v63  }
0x1bc: {  	_ =	swait.ge [sflag:s19], $0x2000  }
0x1bd: {  	[sflag:s19] =	ssyncset.done $0x0  }
0x1be: {  	[sflag:s19] =	ssyncadd.s32 $0xFFFFE000  }
0x1bf: {  	[spmem:s2] =	stream.indirect.scatter.add.f32 [tilespmem:s15], [sflag:$0x7], $0x40, s0, s12, $0xb8;
	[tilespmem:$0x12E00] =	vst v63  }
0x1c0: {  	_ =	swait.ge [sflag:s20], $0x2000  }
0x1c1: {  	[sflag:s20] =	ssyncset.done $0x0  }
0x1c2: {  	[sflag:s20] =	ssyncadd.s32 $0xFFFFE000  }
0x1c3: {  	[spmem:s2] =	stream.indirect.scatter.add.f32 [tilespmem:s16], [sflag:$0x8], $0x40, s5, s12, $0xb8;
	[tilespmem:$0x12E00] =	vst v63  }
0x1c4: {  	_ =	swait.ge [sflag:s21], $0x2000  }
0x1c5: {  	[sflag:s21] =	ssyncset.done $0x0  }
0x1c6: {  	[sflag:s21] =	ssyncadd.s32 $0xFFFFE000  }
0x1c7: {  	_ =	swait.ge [sflag:s22], $0x2000  }
0x1c8: {  	[sflag:s22] =	ssyncset.done $0x0  }
0x1c9: {  	[sflag:s22] =	ssyncadd.s32 $0xFFFFE000  }
0x1ca: {  	_ =	swait.ge [sflag:s23], $0x2000  }
0x1cb: {  	[sflag:s23] =	ssyncset.done $0x0  }
0x1cc: {  	[sflag:s23] =	ssyncadd.s32 $0xFFFFE000  }
0x1cd: {  	_ =	swait.ge [sflag:s24], $0x2000  }
0x1ce: {  	[sflag:s24] =	ssyncset.done $0x0  }
0x1cf: {  	[sflag:s24] =	ssyncadd.s32 $0xFFFFE000  }
0x1d0: {  	[bflag:$0x0] =	sbarrier.arrive $0xFFFF  }
0x1d1: {  	s8 =	rddreg [dreg:$0x1b]  }
0x1d2: {  	s9 =	rddreg [dreg:$0x1c]  }
0x1d3: {  	s7 =	rddreg [dreg:$0x1e]  }
0x1d4: {  	[hbm:s9], [sflag:s8] =	dma.local [spmem:s7], $0x13C0  }
0x1d5: {  	_ =	swait.ge [sflag:s10], $0x13C0  }
0x1d6: {  	s6 =	rddreg [dreg:$0x1f]  }
0x1d7: {  	s9 =	sadd.s32 $0x1, s6;
	s6 =	rddreg [dreg:$0x1d]  }
0x1d8: {  	p0 =	sne.s32 s9, s6  }
.Ltmp1:
0x1d9: {  	_ = 	snop;
	(pc) =	sbr.rel @p0 .LBB2_1-.Ltmp1, $3  }
0x1da: {  	_ =	sdelay $0x1  }
0x1db: {  	[sflag:s10] =	ssyncset.done $0x0  }
0x1dc: {  	[sflag:s10] =	ssyncadd.s32 $0xFFFFEC40  }
0x1dd: {  	_ =	sfence.sel $0x180000  }
0x1de: {  	[bflag:$0x0] =	sbarrier.arrive $0xFFFF  }
0x1df: {  	_ =	strace $0x9000004A  }
0x1e0: {  	s0 =	stileid.u32;
	[bflag:$0x2] =	sbarrier.arrive $0xFFFF  }
0x1e1: {  	p0 =	sne.s32 s0, $0x0;
	s0 =	rddreg [dreg:$0x3]  }
0x1e2: {  	s0 =	sadd.s32 @!p0 $0x100000, s0  }
0x1e3: {  	[sflag:s0] =	ssyncadd.tile.s32 @!p0 $0x1;
	_ =	shalt  }
.Lfunc_end2:
_tile_overlayer_lowered:
.L_overlay_start_2:
0x1e4: {  	(tag) =	ssettag $0x2  }
0x1e5: {  	s0 =	rddreg [dreg:$0x0];
	s2 =	stileid.u32  }
0x1e6: {  	s1 =	rddreg [dreg:$0x1];
	p0 =	sne.s32 s2, $0x0  }
0x1e7: {  	s3 =	rddreg [dreg:$0x2];
	[bflag:$0x3] =	sbarrier.arrive $0xFFFF;
	s2 =	simm.s32 @!p0 $0x1C09  }
0x1e8: {  	[timem:s3], [sflag:s2] =	dma.local @!p0 [hbm:s0], s1  }
0x1e9: {  	s0 =	simm.s32 @!p0 $0x9  }
0x1ea: {  	_ =	swait.ge @!p0 [sflag:s0], s1  }
0x1eb: {  	s1 =	ssub.s32 @!p0 $0x0, s1;
	[sflag:s0] =	ssyncset.done @!p0 $0x0  }
0x1ec: {  	[sflag:s0] =	ssyncadd.s32 @!p0 s1  }
0x1ed: {  	[bflag:$0x3] =	sbarrier.arrive $0xFFFF  }
0x1ee: {  	_ =	shalt  }

// kernel: kernel.14.cloned.1.call-start
scs
__scs_entry_jumppad:
0x0: {  	(pc) =	sbr.rel $0x88, $3  }
0x1: {  	(tag) =	ssettag $0x0;
	lr =	simm.s32 $0x1  }
0x2: {  	[smem:$0x3F97] =	sst lr;
	_ =	strace $0xD0000000  }
0x3: {  	_ = 	snop  }
0x4: {  	_ = 	snop  }
0x5: {  	_ = 	snop  }
0x6: {  	_ = 	snop  }
0x7: {  	_ = 	snop  }
__scs_overlays_trampoline_lowered:
0x8: {  	[smem:$0x3FA6] =	sst s0  }
0x9: {  	[smem:$0x3FA7] =	sst s1  }
0xa: {  	[smem:$0x3FA8] =	sst s2  }
0xb: {  	[smem:$0x3FA9] =	sst s3  }
0xc: {  	[smem:$0x3FAA] =	sst s4  }
0xd: {  	[smem:$0x3FAB] =	sst s5  }
0xe: {  	[smem:$0x3FAC] =	sst s6  }
0xf: {  	[smem:$0x3FAD] =	sst s7  }
0x10: {  	[smem:$0x3FAE] =	sst s8  }
0x11: {  	[smem:$0x3FAF] =	sst s9;
	s0 =	simm.s32 @!p0 $0x0  }
0x12: {  	s1 =	sld [smem:$0x3F95];
	s0 =	simm.s32 @p0 $0x1  }
0x13: {  	[smem:$0x3FB0] =	sst s0;
	s0 =	simm.s32 @!p1 $0x0  }
0x14: {  	s2 =	sld [smem:$0x3F94];
	s0 =	simm.s32 @p1 $0x1  }
0x15: {  	[smem:$0x3FB1] =	sst s0;
	s0 =	simm.s32 @!p2 $0x0  }
0x16: {  	s3 =	sld [smem:$0x3FDB];
	s0 =	simm.s32 @p2 $0x1  }
0x17: {  	s4 =	simm.s32 $0x1BF5;
	[smem:$0x3FB3] =	sst s0  }
0x18: {  	s0 =	sld [smem:$0x3F96];
	_ =	swait.ge [sflag:s4], $0x0  }
0x19: {  	s7 =	sld [smem:$0x3F97]  }
0x1a: {  	s8 =	sadd.s32 $0xFFFFE003, lr  }
0x1b: {  	s9 =	sadd.s32 $0xFFFFFEF7, lr;
	s5 =	simm.s32 $0xFFFFFFFF;
	p2 =	slt.u32 s8, $0xFFFFF086  }
0x1c: {  	p1 =	slt.u32 s9, $0xF7A;
	s5 =	simm.s32 @!p2 $0x0  }
0x1d: {  	s5 =	simm.s32 @p1 $0x1;
	p0 =	seq.s32 s7, s2  }
0x1e: {  	s7 =	smul.u32 @!p0 $0xF7A, s2;
	p2 =	seq.s32 @!p0 s5, $0x0  }
0x1f: {  	s9 =	smul.u32 $0xF7A, s1;
	s8 =	simm.s32 @!p0 $0x1BF5;
	p2 =	por !p2, p0  }
0x20: {  	[sflag:s8] =	ssyncset.s32 @!p0 $0xFFFFF086;
	s6 =	sadd.s32 @!p0 s3, s7;
	s7 =	simm.s32 @!p0 $0x108  }
0x21: {  	s3 =	sadd.s32 s3, s9;
	s6 =	sadd.s32 @!p0 $0x88, s6;
	s7 =	simm.s32 @p2 $0x1082  }
0x22: {  	[simem:s7], [sflag:s8] =	dma.local @!p0 [hbm:s6], $0xF7A  }
0x23: {  	s9 =	sor.u32 $0xD0000000, s2;
	s6 =	simm.s32 $0x108;
	_ =	swait.ge @!p0 [sflag:s8], $0x0  }
0x24: {  	s3 =	sadd.s32 $0x88, s3;
	s6 =	simm.s32 @!p1 $0x1082;
	[sflag:s4] =	ssyncset.s32 $0xFFFFF086  }
0x25: {  	[simem:s6], [sflag:s4] =	dma.local [hbm:s3], $0xF7A  }
0x26: {  	[smem:$0x3F97] =	sst s1;
	(tag) =	ssettag s2;
	_ =	strace s9  }
0x27: {  	s1 =	sld [smem:$0x3FA7]  }
0x28: {  	s2 =	sld [smem:$0x3FA8]  }
0x29: {  	s4 =	sld [smem:$0x3FAA]  }
0x2a: {  	p0 =	seq.s32 s5, $0x0;
	s5 =	sld [smem:$0x3FAB]  }
0x2b: {  	s6 =	sld [smem:$0x3FAC]  }
0x2c: {  	s7 =	sld [smem:$0x3FAD]  }
0x2d: {  	s3 =	simm.s32 $0x108;
	s8 =	sld [smem:$0x3FAE]  }
0x2e: {  	s3 =	simm.s32 @!p0 $0x1082;
	s9 =	sld [smem:$0x3FAF]  }
0x2f: {  	lr =	sadd.s32 s0, s3;
	s0 =	sld [smem:$0x3FA6]  }
0x30: {  	s3 =	sld [smem:$0x3FA9]  }
0x31: {  	[smem:$0x3FB2] =	sst s10  }
0x32: {  	s10 =	sld [smem:$0x3FB0];
	_ =	sdelay $0x3  }
0x33: {  	p0 =	seq.s32 s10, $0x1;
	s10 =	sld [smem:$0x3FB2];
	_ =	sdelay $0x3  }
0x34: {  	[smem:$0x3FB2] =	sst s10  }
0x35: {  	s10 =	sld [smem:$0x3FB1];
	_ =	sdelay $0x3  }
0x36: {  	p1 =	seq.s32 s10, $0x1;
	s10 =	sld [smem:$0x3FB2];
	_ =	sdelay $0x3  }
0x37: {  	[smem:$0x3FB2] =	sst s10  }
0x38: {  	s10 =	sld [smem:$0x3FB3]  }
0x39: {  	_ = 	snop;
	(pc) =	sbr.ind lr, $3  }
0x3a: {  	_ = 	snop  }
0x3b: {  	_ = 	snop  }
0x3c: {  	p2 =	seq.s32 s10, $0x1;
	s10 =	sld [smem:$0x3FB2]  }
0x3d: {  	_ =	shalt  }
0x3e: {  	_ =	shalt  }
0x3f: {  	_ =	shalt  }
0x40: {  	_ =	shalt  }
0x41: {  	_ =	shalt  }
0x42: {  	_ =	shalt  }
0x43: {  	_ =	shalt  }
0x44: {  	_ =	shalt  }
0x45: {  	_ =	shalt  }
0x46: {  	_ =	shalt  }
0x47: {  	_ =	shalt  }
0x48: {  	_ =	shalt  }
0x49: {  	_ =	shalt  }
0x4a: {  	_ =	shalt  }
0x4b: {  	_ =	shalt  }
0x4c: {  	_ =	shalt  }
0x4d: {  	_ =	shalt  }
0x4e: {  	_ =	shalt  }
0x4f: {  	_ =	shalt  }
0x50: {  	_ =	shalt  }
0x51: {  	_ =	shalt  }
0x52: {  	_ =	shalt  }
0x53: {  	_ =	shalt  }
0x54: {  	_ =	shalt  }
0x55: {  	_ =	shalt  }
0x56: {  	_ =	shalt  }
0x57: {  	_ =	shalt  }
0x58: {  	_ =	shalt  }
0x59: {  	_ =	shalt  }
0x5a: {  	_ =	shalt  }
0x5b: {  	_ =	shalt  }
0x5c: {  	_ =	shalt  }
0x5d: {  	_ =	shalt  }
0x5e: {  	_ =	shalt  }
0x5f: {  	_ =	shalt  }
0x60: {  	_ =	shalt  }
0x61: {  	_ =	shalt  }
0x62: {  	_ =	shalt  }
0x63: {  	_ =	shalt  }
0x64: {  	_ =	shalt  }
0x65: {  	_ =	shalt  }
0x66: {  	_ =	shalt  }
0x67: {  	_ =	shalt  }
0x68: {  	_ =	shalt  }
0x69: {  	_ =	shalt  }
0x6a: {  	_ =	shalt  }
0x6b: {  	_ =	shalt  }
0x6c: {  	_ =	shalt  }
0x6d: {  	_ =	shalt  }
0x6e: {  	_ =	shalt  }
0x6f: {  	_ =	shalt  }
0x70: {  	_ =	shalt  }
0x71: {  	_ =	shalt  }
0x72: {  	_ =	shalt  }
0x73: {  	_ =	shalt  }
0x74: {  	_ =	shalt  }
0x75: {  	_ =	shalt  }
0x76: {  	_ =	shalt  }
0x77: {  	_ =	shalt  }
0x78: {  	_ =	shalt  }
0x79: {  	_ =	shalt  }
0x7a: {  	_ =	shalt  }
0x7b: {  	_ =	shalt  }
0x7c: {  	_ =	shalt  }
0x7d: {  	_ =	shalt  }
0x7e: {  	_ =	shalt  }
0x7f: {  	_ =	shalt  }
0x80: {  	_ =	shalt  }
0x81: {  	_ =	shalt  }
0x82: {  	_ =	shalt  }
0x83: {  	_ =	shalt  }
0x84: {  	_ =	shalt  }
0x85: {  	_ =	shalt  }
0x86: {  	_ =	shalt  }
0x87: {  	_ =	shalt  }
.Lfunc_end0:
.L_simem_size_0:
called_computation.2_lowered:
.L_overlay_start_0:
0x88: {  	s2 =	sld [smem:$0x3FD9]  }
0x89: {  	s3 =	sld [smem:$0x3FFE];
	_ =	sdelay $0x1  }
0x8a: {  	s1 =	srdreg.scid  }
0x8b: {  	s0 =	sand.u32 $0x1, s1  }
0x8c: {  	s17 =	sshll.u32 s0, $0xA;
	s2 =	sadd.s32 s3, s2  }
0x8d: {  	s2 =	sadd.s32 s2, s17  }
0x8e: {  	[smem:$0x3FBE] =	sst s2  }
0x8f: {  	_ = 	snop  }
0x90: {  	s2 =	sld [smem:$0x3FD0];
	(tm) =	ssettm $0x1  }
0x91: {  	s18 =	sld [smem:$0x3FFB];
	_ =	sdelay $0x3  }
0x92: {  	_ =	strace s18  }
0x93: {  	s3 =	sld [smem:$0x3FFC];
	_ =	sdelay $0x3  }
0x94: {  	_ =	strace s3  }
0x95: {  	s3 =	sld [smem:$0x3FFD];
	_ =	sdelay $0x3  }
0x96: {  	_ =	strace s3  }
0x97: {  	_ =	strace $0x8FFFFFFF  }
0x98: {  	s19 =	sld [smem:$0x3FDB];
	_ =	sdelay $0x1  }
0x99: {  	s4 =	simm.s32 $_scs_section_size  }
0x9a: {  	s5 =	simm.s32 $_size__tile_overlayer_lowered;
	s6 =	simm.s32 $_tile_overlayer_lowered  }
0x9b: {  	s22 =	simm.s32 $0x1BFF;
	s21 =	sshll.u32 s6, $0x1;
	s3 =	sadd.s32 s4, s19  }
0x9c: {  	s7 =	simm.s32 $0x0;
	s20 =	sshll.u32 s5, $0x1;
	s5 =	sadd.s32 s21, s3  }
0x9d: {  	[timem:s7], [sflag:s22] =	dma.local [hbm:s5], s20  }
0x9e: {  	_ =	swait.ge [sflag:s22], s20  }
0x9f: {  	s4 =	ssub.s32 $0x0, s20;
	[sflag:s22] =	ssyncset.done $0x0  }
0xa0: {  	[sflag:s22] =	ssyncadd.s32 s4;
	_ =	sdelay $0x1  }
0xa1: {  	s23 =	simm.s32 $0x1B8B  }
0xa2: {  	_ =	swait.ge [sflag:s23], $0x1  }
0xa3: {  	[sflag:s23] =	ssyncset.done $0x0  }
0xa4: {  	s25 =	simm.s32 $0x1B8E;
	s24 =	sld [smem:$0x3FFE];
	[sflag:s23] =	ssyncadd.s32 $0xFFFFFFFF  }
0xa5: {  	s26 =	simm.s32 $execute0_lowered;
	[smem:$0x3FD2] =	sst s25  }
0xa6: {  	s5 =	sshll.u32 s26, $0x1;
	_ =	strace $0x8000004C;
	[dreg:$0x1] =	wrdreg $0xFFFFFFFF  }
0xa7: {  	s28 =	simm.s32 $_size_execute0_lowered;
	s3 =	sadd.s32 s3, s5;
	[dreg:$0x0] =	wrdreg $0x0  }
0xa8: {  	s5 =	sshll.u32 s28, $0x1;
	[dreg:$0x2] =	wrdreg s3  }
0xa9: {  	[dreg:$0x3] =	wrdreg s5  }
0xaa: {  	[dreg:$0x4] =	wrdreg $0xC0  }
0xab: {  	_ =	task [dreg:s7], $0x5FFFF  }
0xac: {  	[dreg:$0x1] =	wrdreg $0xFFFFFFFF  }
0xad: {  	[dreg:$0x0] =	wrdreg $0x60  }
0xae: {  	[dreg:$0x2] =	wrdreg s24  }
0xaf: {  	[dreg:$0x3] =	wrdreg s2  }
0xb0: {  	[dreg:$0x4] =	wrdreg $0x90000  }
0xb1: {  	[dreg:$0x5] =	wrdreg $0x9  }
0xb2: {  	_ =	task.clear_ibuf [dreg:s7], $0x6FFFF;
	_ =	strace $0x9000004C  }
0xb3: {  	s29 =	simm.s32 $0x9;
	_ =	strace $0x8000004E  }
0xb4: {  	_ =	swait.ge [sflag:s29], $0x1  }
0xb5: {  	[sflag:s29] =	ssyncadd.s32 $0xFFFFFFFF  }
0xb6: {  	_ =	strace $0x9000004E  }
0xb7: {  	_ =	sfence  }
0xb8: {  	s30 =	sld [smem:$0x0];
	_ =	sdelay $0x2  }
0xb9: {  	s31 =	sshll.u32 s1, $0xD;
	s1 =	sshrl.u32 s1, $0x2  }
0xba: {  	s3 =	sand.u32 $0x4000, s31;
	s1 =	sadd.s32 s1, s30  }
0xbb: {  	s0 =	sor.u32 s3, s0;
	s1 =	sshll.u32 s1, $0x11  }
0xbc: {  	s0 =	sor.u32 s1, s0  }
0xbd: {  	s0 =	sadd.s32 $0x8F2B, s0  }
0xbe: {  	[sflag:s0] =	ssyncadd.remote.s32 $0x1  }
0xbf: {  	_ =	sfence.sel $0xFFFF  }
0xc0: {  	[dreg:$0x0] =	wrdreg $0xFFFFFFFF;
	(pc) =	sbr.abs _section_cstart, $3  }
0xc1: {  	[dreg:$0x1] =	wrdreg $0xFFFFFFFF  }
0xc2: {  	_ =	task.clear_ibuf [dreg:s7], $0x2FFFF;
	_ =	strace $0x9FFFFFFF  }
0xc3: {  	(tm) =	ssettm $0x7FFFFFFF  }
tec
execute0_lowered:
.L_overlay_start_1:
0x0: {  	(tag) =	ssettag $0x1  }
0x1: {  	s0 =	rddreg [dreg:$0x0]  }
0x2: {  	s1 =	srdreg.scid;
	s5 =	rddreg [dreg:$0x1]  }
0x3: {  	s12 =	stileid.u32;
	s2 =	rddreg [dreg:$0x2]  }
0x4: {  	s3 =	simm.s32 $0x0;
	s13 =	simm.s32 $0x100;
	s14 =	simm.s32 $0x180  }
0x5: {  	s15 =	simm.s32 $0x900;
	s17 =	simm.s32 $0x980;
	s18 =	simm.s32 $0x200  }
0x6: {  	s19 =	simm.s32 $0x280;
	s20 =	simm.s32 $0xA00;
	[smem:$0x7FF] =	sst s3  }
0x7: {  	s21 =	simm.s32 $0xA80;
	_ =	strace $0x8000004D;
	[dreg:$0x7] =	wrdreg s13  }
0x8: {  	s22 =	simm.s32 $0x300;
	s23 =	simm.s32 $0x380;
	[dreg:$0x8] =	wrdreg s14  }
0x9: {  	s24 =	simm.s32 $0xB00;
	s28 =	simm.s32 $0x680;
	[dreg:$0x9] =	wrdreg s15  }
0xa: {  	s29 =	simm.s32 $0xE00;
	s6 =	smul.u32 $0x2800, s12;
	[dreg:$0xa] =	wrdreg s17  }
0xb: {  	s30 =	simm.s32 $0xE80;
	s7 =	smul.u32 $0x13C00, s12;
	[dreg:$0xb] =	wrdreg s18  }
0xc: {  	s1 =	sand.u32 $0x1, s1;
	s11 =	smul.u32 $0x2780, s12;
	[dreg:$0xc] =	wrdreg s19  }
0xd: {  	s31 =	simm.s32 $0x700;
	s4 =	smul.u32 $0x28000, s1;
	[dreg:$0xd] =	wrdreg s20  }
0xe: {  	s12 =	sshll.u32 s12, $0x6;
	s25 =	smul.u32 $0x13C000, s1;
	[dreg:$0xe] =	wrdreg s21  }
0xf: {  	s10 =	ssub.s32 $0x2, s1;
	s1 =	smul.u32 $0x27800, s1;
	[dreg:$0xf] =	wrdreg s22  }
0x10: {  	s13 =	simm.s32 $0x1000;
	s14 =	simm.s32 $0x5000;
	[dreg:$0x10] =	wrdreg s23  }
0x11: {  	s15 =	simm.s32 $0x1;
	[dreg:$0x11] =	wrdreg s24;
	s17 =	simm.s32 $0x3  }
0x12: {  	s18 =	simm.s32 $0x4;
	s19 =	simm.s32 $0x480;
	s20 =	simm.s32 $0xC00  }
0x13: {  	s21 =	simm.s32 $0xC80;
	s22 =	simm.s32 $0x500;
	s23 =	simm.s32 $0x580  }
0x14: {  	s24 =	simm.s32 $0xD00;
	s26 =	sshrl.u32 s10, $0x1;
	s4 =	sadd.s32 s6, s4  }
0x15: {  	s6 =	sadd.s32 s7, s25;
	s7 =	sadd.s32 s7, s2;
	s1 =	sadd.s32 s11, s1  }
0x16: {  	s11 =	simm.s32 $0x880;
	s25 =	simm.s32 $0xB80;
	s8 =	sshrl.u32 s4, $0x3  }
0x17: {  	s4 =	sadd.s32 $0x5B400, s0;
	s6 =	sshrl.u32 s6, $0x3;
	[dreg:$0x6] =	wrdreg s11  }
0x18: {  	s7 =	sshrl.u32 s7, $0x3;
	s11 =	simm.s32 $0x800;
	[dreg:$0x12] =	wrdreg s25  }
0x19: {  	s9 =	sadd.s32 s8, s0;
	s1 =	sadd.s32 s4, s1;
	[dreg:$0x18] =	wrdreg s7  }
0x1a: {  	s0 =	sadd.s32 s6, s0;
	s5 =	sadd.s32 s8, s5;
	[dreg:$0x14] =	wrdreg s1  }
0x1b: {  	s6 =	ssub.s32 s10, s26;
	s26 =	simm.s32 $0x400;
	[dreg:$0x5] =	wrdreg s5  }
0x1c: {  	s25 =	simm.s32 $0xD80;
	s8 =	sor.u32 $0x1C05, s12;
	[dreg:$0x13] =	wrdreg s26  }
0x1d: {  	s10 =	simm.s32 $0x5;
	s9 =	sadd.s32 $0x2400, s9;
	[dreg:$0x15] =	wrdreg s8  }
0x1e: {  	s12 =	simm.s32 $0x80;
	s0 =	sadd.s32 $0xAA400, s0;
	[dreg:$0x4] =	wrdreg s9  }
0x1f: {  	s16 =	smax.u32 s6, $0x1;
	s26 =	simm.s32 $0x600;
	[dreg:$0x16] =	wrdreg s0  }
0x20: {  	s1 =	simm.s32 $0x780;
	s5 =	simm.s32 $0xF80;
	[dreg:$0x17] =	wrdreg s16  }
0x21: {  	s16 =	simm.s32 $0x2;
	s0 =	simm.s32 $0xF00;
	s9 =	simm.s32 $0x0  }
.LBB2_1:
0x22: {  	[dreg:$0x19] =	wrdreg s9  }
0x23: {  	s6 =	rddreg [dreg:$0x14]  }
0x24: {  	[spmem:s7], [sflag:s8] =	dma.local [hbm:s6], $0x2780  }
0x25: {  	_ =	swait.ge [sflag:s10], $0x2780  }
0x26: {  	[sflag:s10] =	ssyncset.done $0x0  }
0x27: {  	[sflag:s10] =	ssyncadd.s32 $0xFFFFD880  }
0x28: {  	[bflag:$0x0] =	sbarrier.arrive $0xFFFF  }
0x29: {  	s9 =	rddreg [dreg:$0x5]  }
0x2a: {  	s6 =	sadd.s32 $0x0, s9  }
0x2b: {  	[tilespmem:s3], [sflag:$0x5] =	stream.linear.gather [hbm4b:s6+s3], $0x800, $0x38;
	[tilespmem:$0x1CC00] =	vst v63  }
0x2c: {  	_ =	swait.ge [sflag:s10], $0x800  }
0x2d: {  	s7 =	rddreg [dreg:$0x4];
	[sflag:s10] =	ssyncset.done $0x0  }
0x2e: {  	[sflag:s10] =	ssyncadd.s32 $0xFFFFF800;
	s6 =	sadd.s32 $0x0, s7  }
0x2f: {  	[tilespmem:s11], [sflag:$0x5] =	stream.linear.gather [hbm4b:s6+s3], $0x800, $0x38;
	[tilespmem:$0x1CC00] =	vst v63  }
0x30: {  	_ =	swait.ge [sflag:s10], $0x800  }
0x31: {  	[sflag:s10] =	ssyncset.done $0x0  }
0x32: {  	[sflag:s10] =	ssyncadd.s32 $0xFFFFF800  }
0x33: {  	[tilespmem:s13], [sflag:$0x1] =	stream.indirect.gather [hbm4b:s4+s12], $0x80, s3, s12, $0xb8;
	[tilespmem:$0x1CC00] =	vst v63  }
0x34: {  	_ = 	snop  }
0x35: {  	[tilespmem:s14], [sflag:$0x2] =	stream.indirect.gather [hbm4b:s4+s12], $0x80, s12, s12, $0xb8;
	[tilespmem:$0x1CC00] =	vst v63  }
0x36: {  	_ =	swait.ge [sflag:s15], $0x4000  }
0x37: {  	[sflag:s15] =	ssyncset.done $0x0  }
0x38: {  	[sflag:s15] =	ssyncadd.s32 $0xFFFFC000  }
0x39: {  	[spmem:s2] =	stream.indirect.scatter.add.f32 [tilespmem:s13], [sflag:$0x3], $0x80, s11, s12, $0xb8;
	[tilespmem:$0x1CC00] =	vst v63  }
0x3a: {  	_ =	swait.ge [sflag:s16], $0x4000  }
0x3b: {  	[sflag:s16] =	ssyncset.done $0x0  }
0x3c: {  	s8 =	rddreg [dreg:$0x6];
	[sflag:s16] =	ssyncadd.s32 $0xFFFFC000  }
0x3d: {  	[spmem:s2] =	stream.indirect.scatter.add.f32 [tilespmem:s14], [sflag:$0x4], $0x80, s8, s12, $0xb8;
	[tilespmem:$0x1CC00] =	vst v63  }
0x3e: {  	_ =	swait.ge [sflag:s17], $0x4000  }
0x3f: {  	[sflag:s17] =	ssyncset.done $0x0  }
0x40: {  	s9 =	rddreg [dreg:$0x7];
	[sflag:s17] =	ssyncadd.s32 $0xFFFFC000  }
0x41: {  	[tilespmem:s13], [sflag:$0x1] =	stream.indirect.gather [hbm4b:s4+s12], $0x80, s9, s12, $0xb8;
	[tilespmem:$0x1CC00] =	vst v63  }
0x42: {  	_ =	swait.ge [sflag:s18], $0x4000  }
0x43: {  	[sflag:s18] =	ssyncset.done $0x0  }
0x44: {  	s7 =	rddreg [dreg:$0x8];
	[sflag:s18] =	ssyncadd.s32 $0xFFFFC000  }
0x45: {  	[tilespmem:s14], [sflag:$0x2] =	stream.indirect.gather [hbm4b:s4+s12], $0x80, s7, s12, $0xb8;
	[tilespmem:$0x1CC00] =	vst v63  }
0x46: {  	_ =	swait.ge [sflag:s15], $0x4000  }
0x47: {  	[sflag:s15] =	ssyncset.done $0x0  }
0x48: {  	s8 =	rddreg [dreg:$0x9];
	[sflag:s15] =	ssyncadd.s32 $0xFFFFC000  }
0x49: {  	[spmem:s2] =	stream.indirect.scatter.add.f32 [tilespmem:s13], [sflag:$0x3], $0x80, s8, s12, $0xb8;
	[tilespmem:$0x1CC00] =	vst v63  }
0x4a: {  	_ =	swait.ge [sflag:s16], $0x4000  }
0x4b: {  	[sflag:s16] =	ssyncset.done $0x0  }
0x4c: {  	s9 =	rddreg [dreg:$0xa];
	[sflag:s16] =	ssyncadd.s32 $0xFFFFC000  }
0x4d: {  	[spmem:s2] =	stream.indirect.scatter.add.f32 [tilespmem:s14], [sflag:$0x4], $0x80, s9, s12, $0xb8;
	[tilespmem:$0x1CC00] =	vst v63  }
0x4e: {  	_ =	swait.ge [sflag:s17], $0x4000  }
0x4f: {  	[sflag:s17] =	ssyncset.done $0x0  }
0x50: {  	s7 =	rddreg [dreg:$0xb];
	[sflag:s17] =	ssyncadd.s32 $0xFFFFC000  }
0x51: {  	[tilespmem:s13], [sflag:$0x1] =	stream.indirect.gather [hbm4b:s4+s12], $0x80, s7, s12, $0xb8;
	[tilespmem:$0x1CC00] =	vst v63  }
0x52: {  	_ =	swait.ge [sflag:s18], $0x4000  }
0x53: {  	[sflag:s18] =	ssyncset.done $0x0  }
0x54: {  	s8 =	rddreg [dreg:$0xc];
	[sflag:s18] =	ssyncadd.s32 $0xFFFFC000  }
0x55: {  	[tilespmem:s14], [sflag:$0x2] =	stream.indirect.gather [hbm4b:s4+s12], $0x80, s8, s12, $0xb8;
	[tilespmem:$0x1CC00] =	vst v63  }
0x56: {  	_ =	swait.ge [sflag:s15], $0x4000  }
0x57: {  	[sflag:s15] =	ssyncset.done $0x0  }
0x58: {  	s9 =	rddreg [dreg:$0xd];
	[sflag:s15] =	ssyncadd.s32 $0xFFFFC000  }
0x59: {  	[spmem:s2] =	stream.indirect.scatter.add.f32 [tilespmem:s13], [sflag:$0x3], $0x80, s9, s12, $0xb8;
	[tilespmem:$0x1CC00] =	vst v63  }
0x5a: {  	_ =	swait.ge [sflag:s16], $0x4000  }
0x5b: {  	[sflag:s16] =	ssyncset.done $0x0  }
0x5c: {  	s7 =	rddreg [dreg:$0xe];
	[sflag:s16] =	ssyncadd.s32 $0xFFFFC000  }
0x5d: {  	[spmem:s2] =	stream.indirect.scatter.add.f32 [tilespmem:s14], [sflag:$0x4], $0x80, s7, s12, $0xb8;
	[tilespmem:$0x1CC00] =	vst v63  }
0x5e: {  	_ =	swait.ge [sflag:s17], $0x4000  }
0x5f: {  	[sflag:s17] =	ssyncset.done $0x0  }
0x60: {  	s8 =	rddreg [dreg:$0xf];
	[sflag:s17] =	ssyncadd.s32 $0xFFFFC000  }
0x61: {  	[tilespmem:s13], [sflag:$0x1] =	stream.indirect.gather [hbm4b:s4+s12], $0x80, s8, s12, $0xb8;
	[tilespmem:$0x1CC00] =	vst v63  }
0x62: {  	_ =	swait.ge [sflag:s18], $0x4000  }
0x63: {  	[sflag:s18] =	ssyncset.done $0x0  }
0x64: {  	s9 =	rddreg [dreg:$0x10];
	[sflag:s18] =	ssyncadd.s32 $0xFFFFC000  }
0x65: {  	[tilespmem:s14], [sflag:$0x2] =	stream.indirect.gather [hbm4b:s4+s12], $0x80, s9, s12, $0xb8;
	[tilespmem:$0x1CC00] =	vst v63  }
0x66: {  	_ =	swait.ge [sflag:s15], $0x4000  }
0x67: {  	[sflag:s15] =	ssyncset.done $0x0  }
0x68: {  	s7 =	rddreg [dreg:$0x11];
	[sflag:s15] =	ssyncadd.s32 $0xFFFFC000  }
0x69: {  	[spmem:s2] =	stream.indirect.scatter.add.f32 [tilespmem:s13], [sflag:$0x3], $0x80, s7, s12, $0xb8;
	[tilespmem:$0x1CC00] =	vst v63  }
0x6a: {  	_ =	swait.ge [sflag:s16], $0x4000  }
0x6b: {  	[sflag:s16] =	ssyncset.done $0x0  }
0x6c: {  	s8 =	rddreg [dreg:$0x12];
	[sflag:s16] =	ssyncadd.s32 $0xFFFFC000  }
0x6d: {  	[spmem:s2] =	stream.indirect.scatter.add.f32 [tilespmem:s14], [sflag:$0x4], $0x80, s8, s12, $0xb8;
	[tilespmem:$0x1CC00] =	vst v63  }
0x6e: {  	_ =	swait.ge [sflag:s17], $0x4000  }
0x6f: {  	[sflag:s17] =	ssyncset.done $0x0  }
0x70: {  	s9 =	rddreg [dreg:$0x13];
	[sflag:s17] =	ssyncadd.s32 $0xFFFFC000  }
0x71: {  	[tilespmem:s13], [sflag:$0x1] =	stream.indirect.gather [hbm4b:s4+s12], $0x80, s9, s12, $0xb8;
	[tilespmem:$0x1CC00] =	vst v63  }
0x72: {  	_ =	swait.ge [sflag:s18], $0x4000  }
0x73: {  	[sflag:s18] =	ssyncset.done $0x0  }
0x74: {  	[sflag:s18] =	ssyncadd.s32 $0xFFFFC000  }
0x75: {  	[tilespmem:s14], [sflag:$0x2] =	stream.indirect.gather [hbm4b:s4+s12], $0x80, s19, s12, $0xb8;
	[tilespmem:$0x1CC00] =	vst v63  }
0x76: {  	_ =	swait.ge [sflag:s15], $0x4000  }
0x77: {  	[sflag:s15] =	ssyncset.done $0x0  }
0x78: {  	[sflag:s15] =	ssyncadd.s32 $0xFFFFC000  }
0x79: {  	[spmem:s2] =	stream.indirect.scatter.add.f32 [tilespmem:s13], [sflag:$0x3], $0x80, s20, s12, $0xb8;
	[tilespmem:$0x1CC00] =	vst v63  }
0x7a: {  	_ =	swait.ge [sflag:s16], $0x4000  }
0x7b: {  	[sflag:s16] =	ssyncset.done $0x0  }
0x7c: {  	[sflag:s16] =	ssyncadd.s32 $0xFFFFC000  }
0x7d: {  	[spmem:s2] =	stream.indirect.scatter.add.f32 [tilespmem:s14], [sflag:$0x4], $0x80, s21, s12, $0xb8;
	[tilespmem:$0x1CC00] =	vst v63  }
0x7e: {  	_ =	swait.ge [sflag:s17], $0x4000  }
0x7f: {  	[sflag:s17] =	ssyncset.done $0x0  }
0x80: {  	[sflag:s17] =	ssyncadd.s32 $0xFFFFC000  }
0x81: {  	[tilespmem:s13], [sflag:$0x1] =	stream.indirect.gather [hbm4b:s4+s12], $0x80, s22, s12, $0xb8;
	[tilespmem:$0x1CC00] =	vst v63  }
0x82: {  	_ =	swait.ge [sflag:s18], $0x4000  }
0x83: {  	[sflag:s18] =	ssyncset.done $0x0  }
0x84: {  	[sflag:s18] =	ssyncadd.s32 $0xFFFFC000  }
0x85: {  	[tilespmem:s14], [sflag:$0x2] =	stream.indirect.gather [hbm4b:s4+s12], $0x80, s23, s12, $0xb8;
	[tilespmem:$0x1CC00] =	vst v63  }
0x86: {  	_ =	swait.ge [sflag:s15], $0x4000  }
0x87: {  	[sflag:s15] =	ssyncset.done $0x0  }
0x88: {  	[sflag:s15] =	ssyncadd.s32 $0xFFFFC000  }
0x89: {  	[spmem:s2] =	stream.indirect.scatter.add.f32 [tilespmem:s13], [sflag:$0x3], $0x80, s24, s12, $0xb8;
	[tilespmem:$0x1CC00] =	vst v63  }
0x8a: {  	_ =	swait.ge [sflag:s16], $0x4000  }
0x8b: {  	[sflag:s16] =	ssyncset.done $0x0  }
0x8c: {  	[sflag:s16] =	ssyncadd.s32 $0xFFFFC000  }
0x8d: {  	[spmem:s2] =	stream.indirect.scatter.add.f32 [tilespmem:s14], [sflag:$0x4], $0x80, s25, s12, $0xb8;
	[tilespmem:$0x1CC00] =	vst v63  }
0x8e: {  	_ =	swait.ge [sflag:s17], $0x4000  }
0x8f: {  	[sflag:s17] =	ssyncset.done $0x0  }
0x90: {  	[sflag:s17] =	ssyncadd.s32 $0xFFFFC000  }
0x91: {  	[tilespmem:s13], [sflag:$0x1] =	stream.indirect.gather [hbm4b:s4+s12], $0x80, s26, s12, $0xb8;
	[tilespmem:$0x1CC00] =	vst v63  }
0x92: {  	_ =	swait.ge [sflag:s18], $0x4000  }
0x93: {  	[sflag:s18] =	ssyncset.done $0x0  }
0x94: {  	[sflag:s18] =	ssyncadd.s32 $0xFFFFC000  }
0x95: {  	[tilespmem:s14], [sflag:$0x2] =	stream.indirect.gather [hbm4b:s4+s12], $0x80, s28, s12, $0xb8;
	[tilespmem:$0x1CC00] =	vst v63  }
0x96: {  	_ =	swait.ge [sflag:s15], $0x4000  }
0x97: {  	[sflag:s15] =	ssyncset.done $0x0  }
0x98: {  	[sflag:s15] =	ssyncadd.s32 $0xFFFFC000  }
0x99: {  	[spmem:s2] =	stream.indirect.scatter.add.f32 [tilespmem:s13], [sflag:$0x3], $0x80, s29, s12, $0xb8;
	[tilespmem:$0x1CC00] =	vst v63  }
0x9a: {  	_ =	swait.ge [sflag:s16], $0x4000  }
0x9b: {  	[sflag:s16] =	ssyncset.done $0x0  }
0x9c: {  	[sflag:s16] =	ssyncadd.s32 $0xFFFFC000  }
0x9d: {  	[spmem:s2] =	stream.indirect.scatter.add.f32 [tilespmem:s14], [sflag:$0x4], $0x80, s30, s12, $0xb8;
	[tilespmem:$0x1CC00] =	vst v63  }
0x9e: {  	_ =	swait.ge [sflag:s17], $0x4000  }
0x9f: {  	[sflag:s17] =	ssyncset.done $0x0  }
0xa0: {  	[sflag:s17] =	ssyncadd.s32 $0xFFFFC000  }
0xa1: {  	[tilespmem:s13], [sflag:$0x1] =	stream.indirect.gather [hbm4b:s4+s12], $0x80, s31, s12, $0xb8;
	[tilespmem:$0x1CC00] =	vst v63  }
0xa2: {  	_ =	swait.ge [sflag:s18], $0x4000  }
0xa3: {  	[sflag:s18] =	ssyncset.done $0x0  }
0xa4: {  	[sflag:s18] =	ssyncadd.s32 $0xFFFFC000  }
0xa5: {  	[tilespmem:s14], [sflag:$0x2] =	stream.indirect.gather [hbm4b:s4+s12], $0x80, s1, s12, $0xb8;
	[tilespmem:$0x1CC00] =	vst v63  }
0xa6: {  	_ =	swait.ge [sflag:s15], $0x4000  }
0xa7: {  	[sflag:s15] =	ssyncset.done $0x0  }
0xa8: {  	[sflag:s15] =	ssyncadd.s32 $0xFFFFC000  }
0xa9: {  	[spmem:s2] =	stream.indirect.scatter.add.f32 [tilespmem:s13], [sflag:$0x3], $0x80, s0, s12, $0xb8;
	[tilespmem:$0x1CC00] =	vst v63  }
0xaa: {  	_ =	swait.ge [sflag:s16], $0x4000  }
0xab: {  	[sflag:s16] =	ssyncset.done $0x0  }
0xac: {  	[sflag:s16] =	ssyncadd.s32 $0xFFFFC000  }
0xad: {  	[spmem:s2] =	stream.indirect.scatter.add.f32 [tilespmem:s14], [sflag:$0x4], $0x80, s5, s12, $0xb8;
	[tilespmem:$0x1CC00] =	vst v63  }
0xae: {  	_ =	swait.ge [sflag:s17], $0x4000  }
0xaf: {  	[sflag:s17] =	ssyncset.done $0x0  }
0xb0: {  	[sflag:s17] =	ssyncadd.s32 $0xFFFFC000  }
0xb1: {  	s6 =	simm.s32 $0x200;
	_ =	swait.ge [sflag:s18], $0x4000  }
0xb2: {  	s8 =	simm.s32 $0x100;
	s9 =	rddreg [dreg:$0x5];
	[sflag:s18] =	ssyncset.done $0x0  }
.LBB2_2:
0xb3: {  	[sflag:s18] =	ssyncadd.s32 $0xFFFFC000;
	s9 =	sadd.s32 s8, s9  }
0xb4: {  	[tilespmem:s3], [sflag:$0x5] =	stream.linear.gather [hbm4b:s9+s3], $0x800, $0x38;
	[tilespmem:$0x1CC00] =	vst v63  }
0xb5: {  	_ =	swait.ge [sflag:s10], $0x800  }
0xb6: {  	s9 =	rddreg [dreg:$0x4];
	[sflag:s10] =	ssyncset.done $0x0  }
0xb7: {  	[sflag:s10] =	ssyncadd.s32 $0xFFFFF800;
	s9 =	sadd.s32 s8, s9  }
0xb8: {  	[tilespmem:s11], [sflag:$0x5] =	stream.linear.gather [hbm4b:s9+s3], $0x800, $0x38;
	[tilespmem:$0x1CC00] =	vst v63  }
0xb9: {  	_ =	swait.ge [sflag:s10], $0x800  }
0xba: {  	[sflag:s10] =	ssyncset.done $0x0  }
0xbb: {  	[sflag:s10] =	ssyncadd.s32 $0xFFFFF800  }
0xbc: {  	[tilespmem:s13], [sflag:$0x1] =	stream.indirect.gather [hbm4b:s4+s12], $0x80, s3, s12, $0xb8;
	[tilespmem:$0x1CC00] =	vst v63  }
0xbd: {  	_ = 	snop  }
0xbe: {  	[tilespmem:s14], [sflag:$0x2] =	stream.indirect.gather [hbm4b:s4+s12], $0x80, s12, s12, $0xb8;
	[tilespmem:$0x1CC00] =	vst v63  }
0xbf: {  	_ =	swait.ge [sflag:s15], $0x4000  }
0xc0: {  	[sflag:s15] =	ssyncset.done $0x0  }
0xc1: {  	[sflag:s15] =	ssyncadd.s32 $0xFFFFC000  }
0xc2: {  	[spmem:s2] =	stream.indirect.scatter.add.f32 [tilespmem:s13], [sflag:$0x3], $0x80, s11, s12, $0xb8;
	[tilespmem:$0x1CC00] =	vst v63  }
0xc3: {  	_ =	swait.ge [sflag:s16], $0x4000  }
0xc4: {  	[sflag:s16] =	ssyncset.done $0x0  }
0xc5: {  	s9 =	rddreg [dreg:$0x6];
	[sflag:s16] =	ssyncadd.s32 $0xFFFFC000  }
0xc6: {  	[spmem:s2] =	stream.indirect.scatter.add.f32 [tilespmem:s14], [sflag:$0x4], $0x80, s9, s12, $0xb8;
	[tilespmem:$0x1CC00] =	vst v63  }
0xc7: {  	_ =	swait.ge [sflag:s17], $0x4000  }
0xc8: {  	[sflag:s17] =	ssyncset.done $0x0  }
0xc9: {  	s9 =	rddreg [dreg:$0x7];
	[sflag:s17] =	ssyncadd.s32 $0xFFFFC000  }
0xca: {  	[tilespmem:s13], [sflag:$0x1] =	stream.indirect.gather [hbm4b:s4+s12], $0x80, s9, s12, $0xb8;
	[tilespmem:$0x1CC00] =	vst v63  }
0xcb: {  	_ =	swait.ge [sflag:s18], $0x4000  }
0xcc: {  	[sflag:s18] =	ssyncset.done $0x0  }
0xcd: {  	s9 =	rddreg [dreg:$0x8];
	[sflag:s18] =	ssyncadd.s32 $0xFFFFC000  }
0xce: {  	[tilespmem:s14], [sflag:$0x2] =	stream.indirect.gather [hbm4b:s4+s12], $0x80, s9, s12, $0xb8;
	[tilespmem:$0x1CC00] =	vst v63  }
0xcf: {  	_ =	swait.ge [sflag:s15], $0x4000  }
0xd0: {  	[sflag:s15] =	ssyncset.done $0x0  }
0xd1: {  	s9 =	rddreg [dreg:$0x9];
	[sflag:s15] =	ssyncadd.s32 $0xFFFFC000  }
0xd2: {  	[spmem:s2] =	stream.indirect.scatter.add.f32 [tilespmem:s13], [sflag:$0x3], $0x80, s9, s12, $0xb8;
	[tilespmem:$0x1CC00] =	vst v63  }
0xd3: {  	_ =	swait.ge [sflag:s16], $0x4000  }
0xd4: {  	[sflag:s16] =	ssyncset.done $0x0  }
0xd5: {  	s9 =	rddreg [dreg:$0xa];
	[sflag:s16] =	ssyncadd.s32 $0xFFFFC000  }
0xd6: {  	[spmem:s2] =	stream.indirect.scatter.add.f32 [tilespmem:s14], [sflag:$0x4], $0x80, s9, s12, $0xb8;
	[tilespmem:$0x1CC00] =	vst v63  }
0xd7: {  	_ =	swait.ge [sflag:s17], $0x4000  }
0xd8: {  	[sflag:s17] =	ssyncset.done $0x0  }
0xd9: {  	s9 =	rddreg [dreg:$0xb];
	[sflag:s17] =	ssyncadd.s32 $0xFFFFC000  }
0xda: {  	[tilespmem:s13], [sflag:$0x1] =	stream.indirect.gather [hbm4b:s4+s12], $0x80, s9, s12, $0xb8;
	[tilespmem:$0x1CC00] =	vst v63  }
0xdb: {  	_ =	swait.ge [sflag:s18], $0x4000  }
0xdc: {  	[sflag:s18] =	ssyncset.done $0x0  }
0xdd: {  	s9 =	rddreg [dreg:$0xc];
	[sflag:s18] =	ssyncadd.s32 $0xFFFFC000  }
0xde: {  	[tilespmem:s14], [sflag:$0x2] =	stream.indirect.gather [hbm4b:s4+s12], $0x80, s9, s12, $0xb8;
	[tilespmem:$0x1CC00] =	vst v63  }
0xdf: {  	_ =	swait.ge [sflag:s15], $0x4000  }
0xe0: {  	[sflag:s15] =	ssyncset.done $0x0  }
0xe1: {  	s9 =	rddreg [dreg:$0xd];
	[sflag:s15] =	ssyncadd.s32 $0xFFFFC000  }
0xe2: {  	[spmem:s2] =	stream.indirect.scatter.add.f32 [tilespmem:s13], [sflag:$0x3], $0x80, s9, s12, $0xb8;
	[tilespmem:$0x1CC00] =	vst v63  }
0xe3: {  	_ =	swait.ge [sflag:s16], $0x4000  }
0xe4: {  	[sflag:s16] =	ssyncset.done $0x0  }
0xe5: {  	s9 =	rddreg [dreg:$0xe];
	[sflag:s16] =	ssyncadd.s32 $0xFFFFC000  }
0xe6: {  	[spmem:s2] =	stream.indirect.scatter.add.f32 [tilespmem:s14], [sflag:$0x4], $0x80, s9, s12, $0xb8;
	[tilespmem:$0x1CC00] =	vst v63  }
0xe7: {  	_ =	swait.ge [sflag:s17], $0x4000  }
0xe8: {  	[sflag:s17] =	ssyncset.done $0x0  }
0xe9: {  	s9 =	rddreg [dreg:$0xf];
	[sflag:s17] =	ssyncadd.s32 $0xFFFFC000  }
0xea: {  	[tilespmem:s13], [sflag:$0x1] =	stream.indirect.gather [hbm4b:s4+s12], $0x80, s9, s12, $0xb8;
	[tilespmem:$0x1CC00] =	vst v63  }
0xeb: {  	_ =	swait.ge [sflag:s18], $0x4000  }
0xec: {  	[sflag:s18] =	ssyncset.done $0x0  }
0xed: {  	s9 =	rddreg [dreg:$0x10];
	[sflag:s18] =	ssyncadd.s32 $0xFFFFC000  }
0xee: {  	[tilespmem:s14], [sflag:$0x2] =	stream.indirect.gather [hbm4b:s4+s12], $0x80, s9, s12, $0xb8;
	[tilespmem:$0x1CC00] =	vst v63  }
0xef: {  	_ =	swait.ge [sflag:s15], $0x4000  }
0xf0: {  	[sflag:s15] =	ssyncset.done $0x0  }
0xf1: {  	s9 =	rddreg [dreg:$0x11];
	[sflag:s15] =	ssyncadd.s32 $0xFFFFC000  }
0xf2: {  	[spmem:s2] =	stream.indirect.scatter.add.f32 [tilespmem:s13], [sflag:$0x3], $0x80, s9, s12, $0xb8;
	[tilespmem:$0x1CC00] =	vst v63  }
0xf3: {  	_ =	swait.ge [sflag:s16], $0x4000  }
0xf4: {  	[sflag:s16] =	ssyncset.done $0x0  }
0xf5: {  	s9 =	rddreg [dreg:$0x12];
	[sflag:s16] =	ssyncadd.s32 $0xFFFFC000  }
0xf6: {  	[spmem:s2] =	stream.indirect.scatter.add.f32 [tilespmem:s14], [sflag:$0x4], $0x80, s9, s12, $0xb8;
	[tilespmem:$0x1CC00] =	vst v63  }
0xf7: {  	_ =	swait.ge [sflag:s17], $0x4000  }
0xf8: {  	[sflag:s17] =	ssyncset.done $0x0  }
0xf9: {  	s9 =	rddreg [dreg:$0x13];
	[sflag:s17] =	ssyncadd.s32 $0xFFFFC000  }
0xfa: {  	[tilespmem:s13], [sflag:$0x1] =	stream.indirect.gather [hbm4b:s4+s12], $0x80, s9, s12, $0xb8;
	[tilespmem:$0x1CC00] =	vst v63  }
0xfb: {  	_ =	swait.ge [sflag:s18], $0x4000  }
0xfc: {  	[sflag:s18] =	ssyncset.done $0x0  }
0xfd: {  	[sflag:s18] =	ssyncadd.s32 $0xFFFFC000  }
0xfe: {  	[tilespmem:s14], [sflag:$0x2] =	stream.indirect.gather [hbm4b:s4+s12], $0x80, s19, s12, $0xb8;
	[tilespmem:$0x1CC00] =	vst v63  }
0xff: {  	_ =	swait.ge [sflag:s15], $0x4000  }
0x100: {  	[sflag:s15] =	ssyncset.done $0x0  }
0x101: {  	[sflag:s15] =	ssyncadd.s32 $0xFFFFC000  }
0x102: {  	[spmem:s2] =	stream.indirect.scatter.add.f32 [tilespmem:s13], [sflag:$0x3], $0x80, s20, s12, $0xb8;
	[tilespmem:$0x1CC00] =	vst v63  }
0x103: {  	_ =	swait.ge [sflag:s16], $0x4000  }
0x104: {  	[sflag:s16] =	ssyncset.done $0x0  }
0x105: {  	[sflag:s16] =	ssyncadd.s32 $0xFFFFC000  }
0x106: {  	[spmem:s2] =	stream.indirect.scatter.add.f32 [tilespmem:s14], [sflag:$0x4], $0x80, s21, s12, $0xb8;
	[tilespmem:$0x1CC00] =	vst v63  }
0x107: {  	_ =	swait.ge [sflag:s17], $0x4000  }
0x108: {  	[sflag:s17] =	ssyncset.done $0x0  }
0x109: {  	[sflag:s17] =	ssyncadd.s32 $0xFFFFC000  }
0x10a: {  	[tilespmem:s13], [sflag:$0x1] =	stream.indirect.gather [hbm4b:s4+s12], $0x80, s22, s12, $0xb8;
	[tilespmem:$0x1CC00] =	vst v63  }
0x10b: {  	_ =	swait.ge [sflag:s18], $0x4000  }
0x10c: {  	[sflag:s18] =	ssyncset.done $0x0  }
0x10d: {  	[sflag:s18] =	ssyncadd.s32 $0xFFFFC000  }
0x10e: {  	[tilespmem:s14], [sflag:$0x2] =	stream.indirect.gather [hbm4b:s4+s12], $0x80, s23, s12, $0xb8;
	[tilespmem:$0x1CC00] =	vst v63  }
0x10f: {  	_ =	swait.ge [sflag:s15], $0x4000  }
0x110: {  	[sflag:s15] =	ssyncset.done $0x0  }
0x111: {  	[sflag:s15] =	ssyncadd.s32 $0xFFFFC000  }
0x112: {  	[spmem:s2] =	stream.indirect.scatter.add.f32 [tilespmem:s13], [sflag:$0x3], $0x80, s24, s12, $0xb8;
	[tilespmem:$0x1CC00] =	vst v63  }
0x113: {  	_ =	swait.ge [sflag:s16], $0x4000  }
0x114: {  	[sflag:s16] =	ssyncset.done $0x0  }
0x115: {  	[sflag:s16] =	ssyncadd.s32 $0xFFFFC000  }
0x116: {  	[spmem:s2] =	stream.indirect.scatter.add.f32 [tilespmem:s14], [sflag:$0x4], $0x80, s25, s12, $0xb8;
	[tilespmem:$0x1CC00] =	vst v63  }
0x117: {  	_ =	swait.ge [sflag:s17], $0x4000  }
0x118: {  	[sflag:s17] =	ssyncset.done $0x0  }
0x119: {  	[sflag:s17] =	ssyncadd.s32 $0xFFFFC000  }
0x11a: {  	[tilespmem:s13], [sflag:$0x1] =	stream.indirect.gather [hbm4b:s4+s12], $0x80, s26, s12, $0xb8;
	[tilespmem:$0x1CC00] =	vst v63  }
0x11b: {  	_ =	swait.ge [sflag:s18], $0x4000  }
0x11c: {  	[sflag:s18] =	ssyncset.done $0x0  }
0x11d: {  	[sflag:s18] =	ssyncadd.s32 $0xFFFFC000  }
0x11e: {  	[tilespmem:s14], [sflag:$0x2] =	stream.indirect.gather [hbm4b:s4+s12], $0x80, s28, s12, $0xb8;
	[tilespmem:$0x1CC00] =	vst v63  }
0x11f: {  	_ =	swait.ge [sflag:s15], $0x4000  }
0x120: {  	[sflag:s15] =	ssyncset.done $0x0  }
0x121: {  	[sflag:s15] =	ssyncadd.s32 $0xFFFFC000  }
0x122: {  	[spmem:s2] =	stream.indirect.scatter.add.f32 [tilespmem:s13], [sflag:$0x3], $0x80, s29, s12, $0xb8;
	[tilespmem:$0x1CC00] =	vst v63  }
0x123: {  	_ =	swait.ge [sflag:s16], $0x4000  }
0x124: {  	[sflag:s16] =	ssyncset.done $0x0  }
0x125: {  	[sflag:s16] =	ssyncadd.s32 $0xFFFFC000  }
0x126: {  	[spmem:s2] =	stream.indirect.scatter.add.f32 [tilespmem:s14], [sflag:$0x4], $0x80, s30, s12, $0xb8;
	[tilespmem:$0x1CC00] =	vst v63  }
0x127: {  	_ =	swait.ge [sflag:s17], $0x4000  }
0x128: {  	[sflag:s17] =	ssyncset.done $0x0  }
0x129: {  	[sflag:s17] =	ssyncadd.s32 $0xFFFFC000  }
0x12a: {  	[tilespmem:s13], [sflag:$0x1] =	stream.indirect.gather [hbm4b:s4+s12], $0x80, s31, s12, $0xb8;
	[tilespmem:$0x1CC00] =	vst v63  }
0x12b: {  	_ =	swait.ge [sflag:s18], $0x4000  }
0x12c: {  	[sflag:s18] =	ssyncset.done $0x0  }
0x12d: {  	[sflag:s18] =	ssyncadd.s32 $0xFFFFC000  }
0x12e: {  	[tilespmem:s14], [sflag:$0x2] =	stream.indirect.gather [hbm4b:s4+s12], $0x80, s1, s12, $0xb8;
	[tilespmem:$0x1CC00] =	vst v63  }
0x12f: {  	_ =	swait.ge [sflag:s15], $0x4000  }
0x130: {  	[sflag:s15] =	ssyncset.done $0x0  }
0x131: {  	[sflag:s15] =	ssyncadd.s32 $0xFFFFC000  }
0x132: {  	[spmem:s2] =	stream.indirect.scatter.add.f32 [tilespmem:s13], [sflag:$0x3], $0x80, s0, s12, $0xb8;
	[tilespmem:$0x1CC00] =	vst v63  }
0x133: {  	_ =	swait.ge [sflag:s16], $0x4000  }
0x134: {  	[sflag:s16] =	ssyncset.done $0x0  }
0x135: {  	p0 =	sne.s32 s6, $0x400;
	[sflag:s16] =	ssyncadd.s32 $0xFFFFC000  }
0x136: {  	[spmem:s2] =	stream.indirect.scatter.add.f32 [tilespmem:s14], [sflag:$0x4], $0x80, s5, s12, $0xb8;
	[tilespmem:$0x1CC00] =	vst v63  }
.Ltmp0:
0x137: {  	_ =	swait.ge [sflag:s17], $0x4000;
	(pc) =	sbr.rel @p0 .LBB2_2-.Ltmp0, $4  }
0x138: {  	[sflag:s17] =	ssyncset.done $0x0  }
0x139: {  	[sflag:s17] =	ssyncadd.s32 $0xFFFFC000  }
0x13a: {  	s7 =	smov.u32 s6;
	s6 =	sadd.s32 $0x100, s6;
	_ =	swait.ge [sflag:s18], $0x4000  }
0x13b: {  	s8 =	smov.u32 s7;
	s9 =	rddreg [dreg:$0x5];
	[sflag:s18] =	ssyncset.done $0x0  }
0x13c: {  	[sflag:s18] =	ssyncadd.s32 $0xFFFFC000;
	s6 =	sadd.s32 s8, s9  }
0x13d: {  	[tilespmem:s3], [sflag:$0x5] =	stream.linear.gather [hbm4b:s6+s3], $0x800, $0x38;
	[tilespmem:$0x1CC00] =	vst v63  }
0x13e: {  	_ =	swait.ge [sflag:s10], $0x800  }
0x13f: {  	s9 =	rddreg [dreg:$0x4];
	[sflag:s10] =	ssyncset.done $0x0  }
0x140: {  	s6 =	sadd.s32 s8, s9;
	[sflag:s10] =	ssyncadd.s32 $0xFFFFF800  }
0x141: {  	[tilespmem:s11], [sflag:$0x5] =	stream.linear.gather [hbm4b:s6+s3], $0x800, $0x38;
	[tilespmem:$0x1CC00] =	vst v63  }
0x142: {  	_ =	swait.ge [sflag:s10], $0x800  }
0x143: {  	[sflag:s10] =	ssyncset.done $0x0  }
0x144: {  	[sflag:s10] =	ssyncadd.s32 $0xFFFFF800  }
0x145: {  	[tilespmem:s13], [sflag:$0x1] =	stream.indirect.gather [hbm4b:s4+s12], $0x80, s3, s12, $0xb8;
	[tilespmem:$0x1CC00] =	vst v63  }
0x146: {  	_ = 	snop  }
0x147: {  	[tilespmem:s14], [sflag:$0x2] =	stream.indirect.gather [hbm4b:s4+s12], $0x80, s12, s12, $0xb8;
	[tilespmem:$0x1CC00] =	vst v63  }
0x148: {  	_ =	swait.ge [sflag:s15], $0x4000  }
0x149: {  	[sflag:s15] =	ssyncset.done $0x0  }
0x14a: {  	[sflag:s15] =	ssyncadd.s32 $0xFFFFC000  }
0x14b: {  	[spmem:s2] =	stream.indirect.scatter.add.f32 [tilespmem:s13], [sflag:$0x3], $0x80, s11, s12, $0xb8;
	[tilespmem:$0x1CC00] =	vst v63  }
0x14c: {  	_ =	swait.ge [sflag:s16], $0x4000  }
0x14d: {  	[sflag:s16] =	ssyncset.done $0x0  }
0x14e: {  	s7 =	rddreg [dreg:$0x6];
	[sflag:s16] =	ssyncadd.s32 $0xFFFFC000  }
0x14f: {  	[spmem:s2] =	stream.indirect.scatter.add.f32 [tilespmem:s14], [sflag:$0x4], $0x80, s7, s12, $0xb8;
	[tilespmem:$0x1CC00] =	vst v63  }
0x150: {  	_ =	swait.ge [sflag:s17], $0x4000  }
0x151: {  	[sflag:s17] =	ssyncset.done $0x0  }
0x152: {  	s8 =	rddreg [dreg:$0x7];
	[sflag:s17] =	ssyncadd.s32 $0xFFFFC000  }
0x153: {  	[tilespmem:s13], [sflag:$0x1] =	stream.indirect.gather [hbm4b:s4+s12], $0x80, s8, s12, $0xb8;
	[tilespmem:$0x1CC00] =	vst v63  }
0x154: {  	_ =	swait.ge [sflag:s18], $0x4000  }
0x155: {  	[sflag:s18] =	ssyncset.done $0x0  }
0x156: {  	s9 =	rddreg [dreg:$0x8];
	[sflag:s18] =	ssyncadd.s32 $0xFFFFC000  }
0x157: {  	[tilespmem:s14], [sflag:$0x2] =	stream.indirect.gather [hbm4b:s4+s12], $0x80, s9, s12, $0xb8;
	[tilespmem:$0x1CC00] =	vst v63  }
0x158: {  	_ =	swait.ge [sflag:s15], $0x4000  }
0x159: {  	[sflag:s15] =	ssyncset.done $0x0  }
0x15a: {  	s7 =	rddreg [dreg:$0x9];
	[sflag:s15] =	ssyncadd.s32 $0xFFFFC000  }
0x15b: {  	[spmem:s2] =	stream.indirect.scatter.add.f32 [tilespmem:s13], [sflag:$0x3], $0x80, s7, s12, $0xb8;
	[tilespmem:$0x1CC00] =	vst v63  }
0x15c: {  	_ =	swait.ge [sflag:s16], $0x4000  }
0x15d: {  	[sflag:s16] =	ssyncset.done $0x0  }
0x15e: {  	s8 =	rddreg [dreg:$0xa];
	[sflag:s16] =	ssyncadd.s32 $0xFFFFC000  }
0x15f: {  	[spmem:s2] =	stream.indirect.scatter.add.f32 [tilespmem:s14], [sflag:$0x4], $0x80, s8, s12, $0xb8;
	[tilespmem:$0x1CC00] =	vst v63  }
0x160: {  	_ =	swait.ge [sflag:s17], $0x4000  }
0x161: {  	[sflag:s17] =	ssyncset.done $0x0  }
0x162: {  	s9 =	rddreg [dreg:$0xb];
	[sflag:s17] =	ssyncadd.s32 $0xFFFFC000  }
0x163: {  	[tilespmem:s13], [sflag:$0x1] =	stream.indirect.gather [hbm4b:s4+s12], $0x80, s9, s12, $0xb8;
	[tilespmem:$0x1CC00] =	vst v63  }
0x164: {  	_ =	swait.ge [sflag:s18], $0x4000  }
0x165: {  	[sflag:s18] =	ssyncset.done $0x0  }
0x166: {  	s7 =	rddreg [dreg:$0xc];
	[sflag:s18] =	ssyncadd.s32 $0xFFFFC000  }
0x167: {  	[tilespmem:s14], [sflag:$0x2] =	stream.indirect.gather [hbm4b:s4+s12], $0x80, s7, s12, $0xb8;
	[tilespmem:$0x1CC00] =	vst v63  }
0x168: {  	_ =	swait.ge [sflag:s15], $0x4000  }
0x169: {  	[sflag:s15] =	ssyncset.done $0x0  }
0x16a: {  	s8 =	rddreg [dreg:$0xd];
	[sflag:s15] =	ssyncadd.s32 $0xFFFFC000  }
0x16b: {  	[spmem:s2] =	stream.indirect.scatter.add.f32 [tilespmem:s13], [sflag:$0x3], $0x80, s8, s12, $0xb8;
	[tilespmem:$0x1CC00] =	vst v63  }
0x16c: {  	_ =	swait.ge [sflag:s16], $0x4000  }
0x16d: {  	[sflag:s16] =	ssyncset.done $0x0  }
0x16e: {  	s9 =	rddreg [dreg:$0xe];
	[sflag:s16] =	ssyncadd.s32 $0xFFFFC000  }
0x16f: {  	[spmem:s2] =	stream.indirect.scatter.add.f32 [tilespmem:s14], [sflag:$0x4], $0x80, s9, s12, $0xb8;
	[tilespmem:$0x1CC00] =	vst v63  }
0x170: {  	_ =	swait.ge [sflag:s17], $0x4000  }
0x171: {  	[sflag:s17] =	ssyncset.done $0x0  }
0x172: {  	s7 =	rddreg [dreg:$0xf];
	[sflag:s17] =	ssyncadd.s32 $0xFFFFC000  }
0x173: {  	[tilespmem:s13], [sflag:$0x1] =	stream.indirect.gather [hbm4b:s4+s12], $0x80, s7, s12, $0xb8;
	[tilespmem:$0x1CC00] =	vst v63  }
0x174: {  	_ =	swait.ge [sflag:s18], $0x4000  }
0x175: {  	[sflag:s18] =	ssyncset.done $0x0  }
0x176: {  	s8 =	rddreg [dreg:$0x10];
	[sflag:s18] =	ssyncadd.s32 $0xFFFFC000  }
0x177: {  	[tilespmem:s14], [sflag:$0x2] =	stream.indirect.gather [hbm4b:s4+s12], $0x80, s8, s12, $0xb8;
	[tilespmem:$0x1CC00] =	vst v63  }
0x178: {  	_ =	swait.ge [sflag:s15], $0x4000  }
0x179: {  	[sflag:s15] =	ssyncset.done $0x0  }
0x17a: {  	s9 =	rddreg [dreg:$0x11];
	[sflag:s15] =	ssyncadd.s32 $0xFFFFC000  }
0x17b: {  	[spmem:s2] =	stream.indirect.scatter.add.f32 [tilespmem:s13], [sflag:$0x3], $0x80, s9, s12, $0xb8;
	[tilespmem:$0x1CC00] =	vst v63  }
0x17c: {  	_ =	swait.ge [sflag:s16], $0x4000  }
0x17d: {  	[sflag:s16] =	ssyncset.done $0x0  }
0x17e: {  	s7 =	rddreg [dreg:$0x12];
	[sflag:s16] =	ssyncadd.s32 $0xFFFFC000  }
0x17f: {  	[spmem:s2] =	stream.indirect.scatter.add.f32 [tilespmem:s14], [sflag:$0x4], $0x80, s7, s12, $0xb8;
	[tilespmem:$0x1CC00] =	vst v63  }
0x180: {  	_ =	swait.ge [sflag:s17], $0x4000  }
0x181: {  	[sflag:s17] =	ssyncset.done $0x0  }
0x182: {  	s8 =	rddreg [dreg:$0x13];
	[sflag:s17] =	ssyncadd.s32 $0xFFFFC000  }
0x183: {  	[tilespmem:s13], [sflag:$0x1] =	stream.indirect.gather [hbm4b:s4+s12], $0x80, s8, s12, $0xb8;
	[tilespmem:$0x1CC00] =	vst v63  }
0x184: {  	_ =	swait.ge [sflag:s18], $0x4000  }
0x185: {  	[sflag:s18] =	ssyncset.done $0x0  }
0x186: {  	[sflag:s18] =	ssyncadd.s32 $0xFFFFC000  }
0x187: {  	[tilespmem:s14], [sflag:$0x2] =	stream.indirect.gather [hbm4b:s4+s12], $0x80, s19, s12, $0xb8;
	[tilespmem:$0x1CC00] =	vst v63  }
0x188: {  	_ =	swait.ge [sflag:s15], $0x4000  }
0x189: {  	[sflag:s15] =	ssyncset.done $0x0  }
0x18a: {  	[sflag:s15] =	ssyncadd.s32 $0xFFFFC000  }
0x18b: {  	[spmem:s2] =	stream.indirect.scatter.add.f32 [tilespmem:s13], [sflag:$0x3], $0x80, s20, s12, $0xb8;
	[tilespmem:$0x1CC00] =	vst v63  }
0x18c: {  	_ =	swait.ge [sflag:s16], $0x4000  }
0x18d: {  	[sflag:s16] =	ssyncset.done $0x0  }
0x18e: {  	[sflag:s16] =	ssyncadd.s32 $0xFFFFC000  }
0x18f: {  	[spmem:s2] =	stream.indirect.scatter.add.f32 [tilespmem:s14], [sflag:$0x4], $0x80, s21, s12, $0xb8;
	[tilespmem:$0x1CC00] =	vst v63  }
0x190: {  	_ =	swait.ge [sflag:s17], $0x4000  }
0x191: {  	[sflag:s17] =	ssyncset.done $0x0  }
0x192: {  	[sflag:s17] =	ssyncadd.s32 $0xFFFFC000  }
0x193: {  	[tilespmem:s13], [sflag:$0x1] =	stream.indirect.gather [hbm4b:s4+s12], $0x80, s22, s12, $0xb8;
	[tilespmem:$0x1CC00] =	vst v63  }
0x194: {  	_ =	swait.ge [sflag:s18], $0x4000  }
0x195: {  	[sflag:s18] =	ssyncset.done $0x0  }
0x196: {  	[sflag:s18] =	ssyncadd.s32 $0xFFFFC000  }
0x197: {  	[tilespmem:s14], [sflag:$0x2] =	stream.indirect.gather [hbm4b:s4+s12], $0x80, s23, s12, $0xb8;
	[tilespmem:$0x1CC00] =	vst v63  }
0x198: {  	_ =	swait.ge [sflag:s15], $0x4000  }
0x199: {  	[sflag:s15] =	ssyncset.done $0x0  }
0x19a: {  	[sflag:s15] =	ssyncadd.s32 $0xFFFFC000  }
0x19b: {  	[spmem:s2] =	stream.indirect.scatter.add.f32 [tilespmem:s13], [sflag:$0x3], $0x80, s24, s12, $0xb8;
	[tilespmem:$0x1CC00] =	vst v63  }
0x19c: {  	_ =	swait.ge [sflag:s16], $0x4000  }
0x19d: {  	[sflag:s16] =	ssyncset.done $0x0  }
0x19e: {  	[sflag:s16] =	ssyncadd.s32 $0xFFFFC000  }
0x19f: {  	[spmem:s2] =	stream.indirect.scatter.add.f32 [tilespmem:s14], [sflag:$0x4], $0x80, s25, s12, $0xb8;
	[tilespmem:$0x1CC00] =	vst v63  }
0x1a0: {  	_ =	swait.ge [sflag:s17], $0x4000  }
0x1a1: {  	[sflag:s17] =	ssyncset.done $0x0  }
0x1a2: {  	[sflag:s17] =	ssyncadd.s32 $0xFFFFC000  }
0x1a3: {  	[tilespmem:s13], [sflag:$0x1] =	stream.indirect.gather [hbm4b:s4+s12], $0x80, s26, s12, $0xb8;
	[tilespmem:$0x1CC00] =	vst v63  }
0x1a4: {  	_ =	swait.ge [sflag:s18], $0x4000  }
0x1a5: {  	[sflag:s18] =	ssyncset.done $0x0  }
0x1a6: {  	[sflag:s18] =	ssyncadd.s32 $0xFFFFC000  }
0x1a7: {  	[tilespmem:s14], [sflag:$0x2] =	stream.indirect.gather [hbm4b:s4+s12], $0x80, s28, s12, $0xb8;
	[tilespmem:$0x1CC00] =	vst v63  }
0x1a8: {  	_ =	swait.ge [sflag:s15], $0x4000  }
0x1a9: {  	[sflag:s15] =	ssyncset.done $0x0  }
0x1aa: {  	[sflag:s15] =	ssyncadd.s32 $0xFFFFC000  }
0x1ab: {  	[spmem:s2] =	stream.indirect.scatter.add.f32 [tilespmem:s13], [sflag:$0x3], $0x80, s29, s12, $0xb8;
	[tilespmem:$0x1CC00] =	vst v63  }
0x1ac: {  	_ =	swait.ge [sflag:s16], $0x4000  }
0x1ad: {  	[sflag:s16] =	ssyncset.done $0x0  }
0x1ae: {  	[sflag:s16] =	ssyncadd.s32 $0xFFFFC000  }
0x1af: {  	[spmem:s2] =	stream.indirect.scatter.add.f32 [tilespmem:s14], [sflag:$0x4], $0x80, s30, s12, $0xb8;
	[tilespmem:$0x1CC00] =	vst v63  }
0x1b0: {  	_ =	swait.ge [sflag:s17], $0x4000  }
0x1b1: {  	[sflag:s17] =	ssyncset.done $0x0  }
0x1b2: {  	[sflag:s17] =	ssyncadd.s32 $0xFFFFC000  }
0x1b3: {  	[tilespmem:s13], [sflag:$0x1] =	stream.indirect.gather [hbm4b:s4+s12], $0x80, s31, s12, $0xb8;
	[tilespmem:$0x1CC00] =	vst v63  }
0x1b4: {  	_ =	swait.ge [sflag:s18], $0x4000  }
0x1b5: {  	[sflag:s18] =	ssyncset.done $0x0  }
0x1b6: {  	[sflag:s18] =	ssyncadd.s32 $0xFFFFC000  }
0x1b7: {  	[tilespmem:s14], [sflag:$0x2] =	stream.indirect.gather [hbm4b:s4+s12], $0x80, s1, s12, $0xb8;
	[tilespmem:$0x1CC00] =	vst v63  }
0x1b8: {  	_ =	swait.ge [sflag:s15], $0x4000  }
0x1b9: {  	[sflag:s15] =	ssyncset.done $0x0  }
0x1ba: {  	[sflag:s15] =	ssyncadd.s32 $0xFFFFC000  }
0x1bb: {  	[spmem:s2] =	stream.indirect.scatter.add.f32 [tilespmem:s13], [sflag:$0x3], $0x80, s0, s12, $0xb8;
	[tilespmem:$0x1CC00] =	vst v63  }
0x1bc: {  	_ =	swait.ge [sflag:s16], $0x4000  }
0x1bd: {  	[sflag:s16] =	ssyncset.done $0x0  }
0x1be: {  	[sflag:s16] =	ssyncadd.s32 $0xFFFFC000  }
0x1bf: {  	[spmem:s2] =	stream.indirect.scatter.add.f32 [tilespmem:s14], [sflag:$0x4], $0x80, s5, s12, $0xb8;
	[tilespmem:$0x1CC00] =	vst v63  }
0x1c0: {  	_ =	swait.ge [sflag:s17], $0x4000  }
0x1c1: {  	[sflag:s17] =	ssyncset.done $0x0  }
0x1c2: {  	[sflag:s17] =	ssyncadd.s32 $0xFFFFC000  }
0x1c3: {  	_ =	swait.ge [sflag:s18], $0x4000  }
0x1c4: {  	[sflag:s18] =	ssyncset.done $0x0  }
0x1c5: {  	[sflag:s18] =	ssyncadd.s32 $0xFFFFC000  }
0x1c6: {  	[bflag:$0x0] =	sbarrier.arrive $0xFFFF  }
0x1c7: {  	s8 =	rddreg [dreg:$0x15]  }
0x1c8: {  	s9 =	rddreg [dreg:$0x16]  }
0x1c9: {  	s7 =	rddreg [dreg:$0x18]  }
0x1ca: {  	[hbm:s9], [sflag:s8] =	dma.local [spmem:s7], $0x2780  }
0x1cb: {  	_ =	swait.ge [sflag:s10], $0x2780  }
0x1cc: {  	s6 =	rddreg [dreg:$0x19]  }
0x1cd: {  	s9 =	sadd.s32 $0x1, s6;
	s6 =	rddreg [dreg:$0x17]  }
0x1ce: {  	p0 =	sne.s32 s9, s6  }
.Ltmp1:
0x1cf: {  	_ = 	snop;
	(pc) =	sbr.rel @p0 .LBB2_1-.Ltmp1, $3  }
0x1d0: {  	_ =	sdelay $0x1  }
0x1d1: {  	[sflag:s10] =	ssyncset.done $0x0  }
0x1d2: {  	[sflag:s10] =	ssyncadd.s32 $0xFFFFD880  }
0x1d3: {  	_ =	sfence.sel $0x180000  }
0x1d4: {  	[bflag:$0x0] =	sbarrier.arrive $0xFFFF  }
0x1d5: {  	_ =	strace $0x9000004D  }
0x1d6: {  	s0 =	stileid.u32;
	[bflag:$0x2] =	sbarrier.arrive $0xFFFF  }
0x1d7: {  	p0 =	sne.s32 s0, $0x0;
	s0 =	rddreg [dreg:$0x3]  }
0x1d8: {  	s0 =	sadd.s32 @!p0 $0x100000, s0  }
0x1d9: {  	[sflag:s0] =	ssyncadd.tile.s32 @!p0 $0x1;
	_ =	shalt  }
.Lfunc_end2:
_tile_overlayer_lowered:
.L_overlay_start_2:
0x1da: {  	(tag) =	ssettag $0x2  }
0x1db: {  	s0 =	rddreg [dreg:$0x0];
	s2 =	stileid.u32  }
0x1dc: {  	s1 =	rddreg [dreg:$0x1];
	p0 =	sne.s32 s2, $0x0  }
0x1dd: {  	s3 =	rddreg [dreg:$0x2];
	[bflag:$0x3] =	sbarrier.arrive $0xFFFF;
	s2 =	simm.s32 @!p0 $0x1C05  }
0x1de: {  	[timem:s3], [sflag:s2] =	dma.local @!p0 [hbm:s0], s1  }
0x1df: {  	s0 =	simm.s32 @!p0 $0x5  }
0x1e0: {  	_ =	swait.ge @!p0 [sflag:s0], s1  }
0x1e1: {  	s1 =	ssub.s32 @!p0 $0x0, s1;
	[sflag:s0] =	ssyncset.done @!p0 $0x0  }
0x1e2: {  	[sflag:s0] =	ssyncadd.s32 @!p0 s1  }
0x1e3: {  	[bflag:$0x3] =	sbarrier.arrive $0xFFFF  }
0x1e4: {  	_ =	shalt  }

// kernel: kernel.8.cloned.1.call-start
scs
__scs_entry_jumppad:
0x0: {  	(pc) =	sbr.rel $0x88, $3  }
0x1: {  	(tag) =	ssettag $0x0;
	lr =	simm.s32 $0x1  }
0x2: {  	[smem:$0x3F97] =	sst lr;
	_ =	strace $0xD0000000  }
0x3: {  	_ = 	snop  }
0x4: {  	_ = 	snop  }
0x5: {  	_ = 	snop  }
0x6: {  	_ = 	snop  }
0x7: {  	_ = 	snop  }
__scs_overlays_trampoline_lowered:
0x8: {  	[smem:$0x3FA6] =	sst s0  }
0x9: {  	[smem:$0x3FA7] =	sst s1  }
0xa: {  	[smem:$0x3FA8] =	sst s2  }
0xb: {  	[smem:$0x3FA9] =	sst s3  }
0xc: {  	[smem:$0x3FAA] =	sst s4  }
0xd: {  	[smem:$0x3FAB] =	sst s5  }
0xe: {  	[smem:$0x3FAC] =	sst s6  }
0xf: {  	[smem:$0x3FAD] =	sst s7  }
0x10: {  	[smem:$0x3FAE] =	sst s8  }
0x11: {  	[smem:$0x3FAF] =	sst s9;
	s0 =	simm.s32 @!p0 $0x0  }
0x12: {  	s1 =	sld [smem:$0x3F95];
	s0 =	simm.s32 @p0 $0x1  }
0x13: {  	[smem:$0x3FB0] =	sst s0;
	s0 =	simm.s32 @!p1 $0x0  }
0x14: {  	s2 =	sld [smem:$0x3F94];
	s0 =	simm.s32 @p1 $0x1  }
0x15: {  	[smem:$0x3FB1] =	sst s0;
	s0 =	simm.s32 @!p2 $0x0  }
0x16: {  	s3 =	sld [smem:$0x3FDB];
	s0 =	simm.s32 @p2 $0x1  }
0x17: {  	s4 =	simm.s32 $0x1BF5;
	[smem:$0x3FB3] =	sst s0  }
0x18: {  	s0 =	sld [smem:$0x3F96];
	_ =	swait.ge [sflag:s4], $0x0  }
0x19: {  	s7 =	sld [smem:$0x3F97]  }
0x1a: {  	s8 =	sadd.s32 $0xFFFFE003, lr  }
0x1b: {  	s9 =	sadd.s32 $0xFFFFFEF7, lr;
	s5 =	simm.s32 $0xFFFFFFFF;
	p2 =	slt.u32 s8, $0xFFFFF086  }
0x1c: {  	p1 =	slt.u32 s9, $0xF7A;
	s5 =	simm.s32 @!p2 $0x0  }
0x1d: {  	s5 =	simm.s32 @p1 $0x1;
	p0 =	seq.s32 s7, s2  }
0x1e: {  	s7 =	smul.u32 @!p0 $0xF7A, s2;
	p2 =	seq.s32 @!p0 s5, $0x0  }
0x1f: {  	s9 =	smul.u32 $0xF7A, s1;
	s8 =	simm.s32 @!p0 $0x1BF5;
	p2 =	por !p2, p0  }
0x20: {  	[sflag:s8] =	ssyncset.s32 @!p0 $0xFFFFF086;
	s6 =	sadd.s32 @!p0 s3, s7;
	s7 =	simm.s32 @!p0 $0x108  }
0x21: {  	s3 =	sadd.s32 s3, s9;
	s6 =	sadd.s32 @!p0 $0x88, s6;
	s7 =	simm.s32 @p2 $0x1082  }
0x22: {  	[simem:s7], [sflag:s8] =	dma.local @!p0 [hbm:s6], $0xF7A  }
0x23: {  	s9 =	sor.u32 $0xD0000000, s2;
	s6 =	simm.s32 $0x108;
	_ =	swait.ge @!p0 [sflag:s8], $0x0  }
0x24: {  	s3 =	sadd.s32 $0x88, s3;
	s6 =	simm.s32 @!p1 $0x1082;
	[sflag:s4] =	ssyncset.s32 $0xFFFFF086  }
0x25: {  	[simem:s6], [sflag:s4] =	dma.local [hbm:s3], $0xF7A  }
0x26: {  	[smem:$0x3F97] =	sst s1;
	(tag) =	ssettag s2;
	_ =	strace s9  }
0x27: {  	s1 =	sld [smem:$0x3FA7]  }
0x28: {  	s2 =	sld [smem:$0x3FA8]  }
0x29: {  	s4 =	sld [smem:$0x3FAA]  }
0x2a: {  	p0 =	seq.s32 s5, $0x0;
	s5 =	sld [smem:$0x3FAB]  }
0x2b: {  	s6 =	sld [smem:$0x3FAC]  }
0x2c: {  	s7 =	sld [smem:$0x3FAD]  }
0x2d: {  	s3 =	simm.s32 $0x108;
	s8 =	sld [smem:$0x3FAE]  }
0x2e: {  	s3 =	simm.s32 @!p0 $0x1082;
	s9 =	sld [smem:$0x3FAF]  }
0x2f: {  	lr =	sadd.s32 s0, s3;
	s0 =	sld [smem:$0x3FA6]  }
0x30: {  	s3 =	sld [smem:$0x3FA9]  }
0x31: {  	[smem:$0x3FB2] =	sst s10  }
0x32: {  	s10 =	sld [smem:$0x3FB0];
	_ =	sdelay $0x3  }
0x33: {  	p0 =	seq.s32 s10, $0x1;
	s10 =	sld [smem:$0x3FB2];
	_ =	sdelay $0x3  }
0x34: {  	[smem:$0x3FB2] =	sst s10  }
0x35: {  	s10 =	sld [smem:$0x3FB1];
	_ =	sdelay $0x3  }
0x36: {  	p1 =	seq.s32 s10, $0x1;
	s10 =	sld [smem:$0x3FB2];
	_ =	sdelay $0x3  }
0x37: {  	[smem:$0x3FB2] =	sst s10  }
0x38: {  	s10 =	sld [smem:$0x3FB3]  }
0x39: {  	_ = 	snop;
	(pc) =	sbr.ind lr, $3  }
0x3a: {  	_ = 	snop  }
0x3b: {  	_ = 	snop  }
0x3c: {  	p2 =	seq.s32 s10, $0x1;
	s10 =	sld [smem:$0x3FB2]  }
0x3d: {  	_ =	shalt  }
0x3e: {  	_ =	shalt  }
0x3f: {  	_ =	shalt  }
0x40: {  	_ =	shalt  }
0x41: {  	_ =	shalt  }
0x42: {  	_ =	shalt  }
0x43: {  	_ =	shalt  }
0x44: {  	_ =	shalt  }
0x45: {  	_ =	shalt  }
0x46: {  	_ =	shalt  }
0x47: {  	_ =	shalt  }
0x48: {  	_ =	shalt  }
0x49: {  	_ =	shalt  }
0x4a: {  	_ =	shalt  }
0x4b: {  	_ =	shalt  }
0x4c: {  	_ =	shalt  }
0x4d: {  	_ =	shalt  }
0x4e: {  	_ =	shalt  }
0x4f: {  	_ =	shalt  }
0x50: {  	_ =	shalt  }
0x51: {  	_ =	shalt  }
0x52: {  	_ =	shalt  }
0x53: {  	_ =	shalt  }
0x54: {  	_ =	shalt  }
0x55: {  	_ =	shalt  }
0x56: {  	_ =	shalt  }
0x57: {  	_ =	shalt  }
0x58: {  	_ =	shalt  }
0x59: {  	_ =	shalt  }
0x5a: {  	_ =	shalt  }
0x5b: {  	_ =	shalt  }
0x5c: {  	_ =	shalt  }
0x5d: {  	_ =	shalt  }
0x5e: {  	_ =	shalt  }
0x5f: {  	_ =	shalt  }
0x60: {  	_ =	shalt  }
0x61: {  	_ =	shalt  }
0x62: {  	_ =	shalt  }
0x63: {  	_ =	shalt  }
0x64: {  	_ =	shalt  }
0x65: {  	_ =	shalt  }
0x66: {  	_ =	shalt  }
0x67: {  	_ =	shalt  }
0x68: {  	_ =	shalt  }
0x69: {  	_ =	shalt  }
0x6a: {  	_ =	shalt  }
0x6b: {  	_ =	shalt  }
0x6c: {  	_ =	shalt  }
0x6d: {  	_ =	shalt  }
0x6e: {  	_ =	shalt  }
0x6f: {  	_ =	shalt  }
0x70: {  	_ =	shalt  }
0x71: {  	_ =	shalt  }
0x72: {  	_ =	shalt  }
0x73: {  	_ =	shalt  }
0x74: {  	_ =	shalt  }
0x75: {  	_ =	shalt  }
0x76: {  	_ =	shalt  }
0x77: {  	_ =	shalt  }
0x78: {  	_ =	shalt  }
0x79: {  	_ =	shalt  }
0x7a: {  	_ =	shalt  }
0x7b: {  	_ =	shalt  }
0x7c: {  	_ =	shalt  }
0x7d: {  	_ =	shalt  }
0x7e: {  	_ =	shalt  }
0x7f: {  	_ =	shalt  }
0x80: {  	_ =	shalt  }
0x81: {  	_ =	shalt  }
0x82: {  	_ =	shalt  }
0x83: {  	_ =	shalt  }
0x84: {  	_ =	shalt  }
0x85: {  	_ =	shalt  }
0x86: {  	_ =	shalt  }
0x87: {  	_ =	shalt  }
.Lfunc_end0:
.L_simem_size_0:
called_computation_lowered:
.L_overlay_start_0:
0x88: {  	s2 =	sld [smem:$0x3FD9]  }
0x89: {  	s3 =	sld [smem:$0x3FFE];
	_ =	sdelay $0x1  }
0x8a: {  	s1 =	srdreg.scid  }
0x8b: {  	s0 =	sand.u32 $0x1, s1  }
0x8c: {  	s16 =	sshll.u32 s0, $0xA;
	s2 =	sadd.s32 s3, s2  }
0x8d: {  	s2 =	sadd.s32 s2, s16  }
0x8e: {  	[smem:$0x3FBE] =	sst s2  }
0x8f: {  	_ = 	snop  }
0x90: {  	(tm) =	ssettm $0x1  }
0x91: {  	s17 =	sld [smem:$0x3FFB];
	_ =	sdelay $0x3  }
0x92: {  	_ =	strace s17  }
0x93: {  	s2 =	sld [smem:$0x3FFC];
	_ =	sdelay $0x3  }
0x94: {  	_ =	strace s2  }
0x95: {  	s2 =	sld [smem:$0x3FFD];
	_ =	sdelay $0x3  }
0x96: {  	_ =	strace s2  }
0x97: {  	_ =	strace $0x8FFFFFFF  }
0x98: {  	s18 =	sld [smem:$0x3FDB];
	_ =	sdelay $0x1  }
0x99: {  	s19 =	simm.s32 $_scs_section_size  }
0x9a: {  	s4 =	simm.s32 $_size__tile_overlayer_lowered;
	s5 =	simm.s32 $_tile_overlayer_lowered  }
0x9b: {  	s22 =	simm.s32 $0x1BFF;
	s21 =	sshll.u32 s5, $0x1;
	s2 =	sadd.s32 s19, s18  }
0x9c: {  	s6 =	simm.s32 $0x0;
	s20 =	sshll.u32 s4, $0x1;
	s4 =	sadd.s32 s21, s2  }
0x9d: {  	[timem:s6], [sflag:s22] =	dma.local [hbm:s4], s20  }
0x9e: {  	_ =	swait.ge [sflag:s22], s20  }
0x9f: {  	s3 =	ssub.s32 $0x0, s20;
	[sflag:s22] =	ssyncset.done $0x0  }
0xa0: {  	[sflag:s22] =	ssyncadd.s32 s3;
	_ =	sdelay $0x1  }
0xa1: {  	s23 =	simm.s32 $0x1B8B  }
0xa2: {  	_ =	swait.ge [sflag:s23], $0x1  }
0xa3: {  	[sflag:s23] =	ssyncset.done $0x0  }
0xa4: {  	s25 =	simm.s32 $0x1B8E;
	s24 =	sld [smem:$0x3FFE];
	[sflag:s23] =	ssyncadd.s32 $0xFFFFFFFF  }
0xa5: {  	s26 =	simm.s32 $execute0_lowered;
	[smem:$0x3FD2] =	sst s25  }
0xa6: {  	s4 =	sshll.u32 s26, $0x1;
	_ =	strace $0x80000046;
	[dreg:$0x1] =	wrdreg $0xFFFFFFFF  }
0xa7: {  	s28 =	simm.s32 $_size_execute0_lowered;
	s2 =	sadd.s32 s2, s4;
	[dreg:$0x0] =	wrdreg $0x0  }
0xa8: {  	s4 =	sshll.u32 s28, $0x1;
	[dreg:$0x2] =	wrdreg s2  }
0xa9: {  	[dreg:$0x3] =	wrdreg s4  }
0xaa: {  	[dreg:$0x4] =	wrdreg $0xC0  }
0xab: {  	_ =	task [dreg:s6], $0x5FFFF  }
0xac: {  	[dreg:$0x1] =	wrdreg $0xFFFFFFFF  }
0xad: {  	[dreg:$0x0] =	wrdreg $0x60  }
0xae: {  	[dreg:$0x2] =	wrdreg s24  }
0xaf: {  	[dreg:$0x3] =	wrdreg $0x30000  }
0xb0: {  	[dreg:$0x4] =	wrdreg $0x9  }
0xb1: {  	_ =	task.clear_ibuf [dreg:s6], $0x5FFFF;
	_ =	strace $0x90000046  }
0xb2: {  	s29 =	simm.s32 $0x9;
	_ =	strace $0x80000048  }
0xb3: {  	_ =	swait.ge [sflag:s29], $0x1  }
0xb4: {  	[sflag:s29] =	ssyncadd.s32 $0xFFFFFFFF  }
0xb5: {  	_ =	strace $0x90000048  }
0xb6: {  	_ =	sfence  }
0xb7: {  	s30 =	sld [smem:$0x0];
	_ =	sdelay $0x2  }
0xb8: {  	s31 =	sshll.u32 s1, $0xD;
	s1 =	sshrl.u32 s1, $0x2  }
0xb9: {  	s3 =	sand.u32 $0x4000, s31;
	s1 =	sadd.s32 s1, s30  }
0xba: {  	s0 =	sor.u32 s3, s0;
	s1 =	sshll.u32 s1, $0x11  }
0xbb: {  	s0 =	sor.u32 s1, s0  }
0xbc: {  	s0 =	sadd.s32 $0x8F2B, s0  }
0xbd: {  	[sflag:s0] =	ssyncadd.remote.s32 $0x1  }
0xbe: {  	_ =	sfence.sel $0xFFFF  }
0xbf: {  	[dreg:$0x0] =	wrdreg $0xFFFFFFFF;
	(pc) =	sbr.abs _section_cstart, $3  }
0xc0: {  	[dreg:$0x1] =	wrdreg $0xFFFFFFFF  }
0xc1: {  	_ =	task.clear_ibuf [dreg:s6], $0x2FFFF;
	_ =	strace $0x9FFFFFFF  }
0xc2: {  	(tm) =	ssettm $0x7FFFFFFF  }
0xc3: {  	_ =	shalt  }
tec
execute0_lowered:
.L_overlay_start_1:
0x0: {  	(tag) =	ssettag $0x1  }
0x1: {  	s6 =	rddreg [dreg:$0x0]  }
0x2: {  	s0 =	srdreg.scid;
	s2 =	rddreg [dreg:$0x1];
	s3 =	simm.s32 $0x0  }
0x3: {  	s12 =	simm.s32 $0x2800;
	s5 =	sand.u32 $0x1, s0;
	s0 =	stileid.u32  }
0x4: {  	s13 =	simm.s32 $0x80;
	s14 =	simm.s32 $0x0;
	s7 =	smul.u32 $0x2780, s0  }
0x5: {  	[smem:$0x7FF] =	sst s3;
	s1 =	sshll.u32 s5, $0x4;
	s8 =	smul.u32 $0x27800, s5  }
0x6: {  	s10 =	ssub.s32 $0x2, s5;
	s5 =	sadd.s32 $0xC400, s6;
	s1 =	sor.u32 s0, s1  }
0x7: {  	s31 =	sshll.u32 s0, $0x6;
	s30 =	sshrl.u32 s10, $0x1;
	s4 =	smul.u32 $0x500, s1  }
0x8: {  	s1 =	rddreg [dreg:$0x2];
	_ =	strace $0x80000047;
	s8 =	sadd.s32 s7, s8  }
0x9: {  	s10 =	ssub.s32 s10, s30;
	s11 =	sadd.s32 s7, s2;
	s8 =	sshrl.u32 s8, $0x3  }
0xa: {  	s9 =	sadd.s32 s4, s6;
	s4 =	sadd.s32 $0xCA00, s6;
	s8 =	sadd.s32 s8, s6  }
0xb: {  	s6 =	sor.u32 $0x1C01, s31;
	s7 =	sadd.s32 $0x2400, s9;
	s8 =	sadd.s32 $0xCC00, s8  }
0xc: {  	s9 =	smax.u32 s10, $0x1;
	s10 =	sshrl.u32 s11, $0x3;
	s11 =	simm.s32 $0x1  }
.LBB2_1:
0xd: {  	[spmem:s10], [sflag:s6] =	dma.local [hbm:s5], $0x4F0  }
0xe: {  	_ =	swait.ge [sflag:s11], $0x4F0  }
0xf: {  	[sflag:s11] =	ssyncset.done $0x0  }
0x10: {  	[sflag:s11] =	ssyncadd.s32 $0xFFFFFB10  }
0x11: {  	[tilespmem:s12], [sflag:$0x1] =	stream.linear.gather [hbm4b:s4+s3], $0x800, $0x38;
	[tilespmem:$0x5780] =	vst v63  }
0x12: {  	_ =	swait.ge [sflag:s11], $0x800  }
0x13: {  	[sflag:s11] =	ssyncset.done $0x0  }
0x14: {  	[sflag:s11] =	ssyncadd.s32 $0xFFFFF800  }
0x15: {  	[tilespmem:s3], [sflag:$0x1] =	stream.linear.gather [hbm4b:s7+s3], $0x2800, $0x38;
	[tilespmem:$0x5780] =	vst v63  }
0x16: {  	_ =	swait.ge [sflag:s11], $0x2800  }
0x17: {  	[sflag:s11] =	ssyncset.done $0x0  }
0x18: {  	[sflag:s11] =	ssyncadd.s32 $0xFFFFD800  }
0x19: {  	s15 =	simm.s32 $0x0;
	[bflag:$0x0] =	sbarrier.arrive $0xFFFF  }
0x1a: {  	[spmem:s2] =	stream.indirect.scatter.add.f32 [tilespmem:s12], [sflag:$0x1], $0x10, s15, s13, $0xb8;
	[tilespmem:$0x5780] =	vst v63  }
0x1b: {  	_ =	swait.ge [sflag:s11], $0x800  }
0x1c: {  	s15 =	simm.s32 $0x200;
	[sflag:s11] =	ssyncset.done $0x0  }
.LBB2_2:
0x1d: {  	s16 =	sshra.s32 s15, $0x2;
	[sflag:s11] =	ssyncadd.s32 $0xFFFFF800;
	p0 =	sne.s32 s15, $0x9E00  }
0x1e: {  	[spmem:s2] =	stream.indirect.scatter.add.f32 [tilespmem:s12], [sflag:$0x1], $0x10, s16, s13, $0xb8;
	[tilespmem:$0x5780] =	vst v63  }
.Ltmp0:
0x1f: {  	_ = 	snop;
	(pc) =	sbr.rel @p0 .LBB2_2-.Ltmp0, $4  }
0x20: {  	_ = 	snop  }
0x21: {  	s15 =	sadd.s32 $0x200, s15  }
0x22: {  	_ =	swait.ge [sflag:s11], $0x800  }
0x23: {  	[sflag:s11] =	ssyncset.done $0x0  }
0x24: {  	s14 =	sadd.s32 $0x1, s14  }
0x25: {  	[sflag:s11] =	ssyncadd.s32 $0xFFFFF800;
	p0 =	sne.s32 s14, s9  }
.Ltmp1:
0x26: {  	[bflag:$0x0] =	sbarrier.arrive $0xFFFF;
	(pc) =	sbr.rel @p0 .LBB2_1-.Ltmp1, $4  }
0x27: {  	[hbm:s8], [sflag:s6] =	dma.local [spmem:s10], $0x4F0  }
0x28: {  	_ =	swait.ge [sflag:s11], $0x4F0  }
0x29: {  	[sflag:s11] =	ssyncset.done $0x0  }
0x2a: {  	[sflag:s11] =	ssyncadd.s32 $0xFFFFFB10  }
0x2b: {  	_ =	sfence.sel $0x180000  }
0x2c: {  	[bflag:$0x0] =	sbarrier.arrive $0xFFFF  }
0x2d: {  	p0 =	sne.s32 s0, $0x0;
	_ =	strace $0x90000047  }
0x2e: {  	s0 =	sadd.s32 @!p0 $0x100000, s1;
	[bflag:$0x2] =	sbarrier.arrive $0xFFFF  }
0x2f: {  	[sflag:s0] =	ssyncadd.tile.s32 @!p0 $0x1;
	_ =	shalt  }
.Lfunc_end2:
_tile_overlayer_lowered:
.L_overlay_start_2:
0x30: {  	(tag) =	ssettag $0x2  }
0x31: {  	s0 =	rddreg [dreg:$0x0];
	s2 =	stileid.u32  }
0x32: {  	s1 =	rddreg [dreg:$0x1];
	p0 =	sne.s32 s2, $0x0  }
0x33: {  	s3 =	rddreg [dreg:$0x2];
	[bflag:$0x3] =	sbarrier.arrive $0xFFFF;
	s2 =	simm.s32 @!p0 $0x1C01  }
0x34: {  	[timem:s3], [sflag:s2] =	dma.local @!p0 [hbm:s0], s1  }
0x35: {  	s0 =	simm.s32 @!p0 $0x1  }
0x36: {  	_ =	swait.ge @!p0 [sflag:s0], s1  }
0x37: {  	s1 =	ssub.s32 @!p0 $0x0, s1;
	[sflag:s0] =	ssyncset.done @!p0 $0x0  }
0x38: {  	[sflag:s0] =	ssyncadd.s32 @!p0 s1  }
0x39: {  	[bflag:$0x3] =	sbarrier.arrive $0xFFFF  }
0x3a: {  	_ =	shalt  }

</sc_bundles>
